<compile_context>
chip_gen: v7x
topology: tpu7x:2x2x1
jax: 0.10.2.dev20260603
libtpu: 0.0.44.dev20260713+nightly
codegen_flags: <defaults>
</compile_context>

<pallas_src>
import functools

import jax
import jax.numpy as jnp
from jax import lax
from jax.experimental import pallas as pl
from jax.experimental.pallas import tpu as pltpu
from jax.experimental.pallas import tpu_sc as plsc

B = 16384
L = 200
D = 32
NW = 32
BPW = B // NW
NACC = 5
CH = 20
NCH = L // CH


def _pool_body(idxt_hbm, table_hbm, pooled_hbm,
               idx_a, idx_b, acc0, acc1, acc2, acc3, acc4,
               sem_i, sem0, sem1, sem2, sem3, sem4):
    wid = lax.axis_index("s") * 2 + lax.axis_index("c")
    base = wid * BPW
    idx_bufs = (idx_a, idx_b)
    accs = (acc0, acc1, acc2, acc3, acc4)
    sems = (sem0, sem1, sem2, sem3, sem4)

    def idx_fetch(c, buf):
        return pltpu.async_copy(
            idxt_hbm.at[pl.ds(wid * (L * BPW) + c * (CH * BPW), CH * BPW)],
            buf, sem_i)

    idx_fetch(0, idx_a).wait()
    fetch1 = idx_fetch(1, idx_b)

    for a in range(NACC):
        pltpu.async_copy(
            table_hbm.at[idx_a.at[pl.ds(a * BPW, BPW)]], accs[a], sems[a])

    def make_quad_body(idx_buf):
        def quad_body(k, _):
            for a in range(NACC):
                row = idx_buf.at[pl.ds((NACC * k + a) * BPW, BPW)]
                pltpu.make_async_copy(table_hbm.at[row], accs[a], sems[a]).wait()
                pltpu.async_copy(table_hbm.at[row], accs[a], sems[a], add=True)
            return 0
        return quad_body

    lax.fori_loop(1, CH // NACC, make_quad_body(idx_a), 0)

    pending = fetch1
    for c in range(1, NCH):
        buf = idx_bufs[c % 2]
        pending.wait()
        if c + 1 < NCH:
            pending = idx_fetch(c + 1, idx_bufs[(c + 1) % 2])
        lax.fori_loop(0, CH // NACC, make_quad_body(buf), 0)

    for a in range(NACC):
        pltpu.make_async_copy(
            table_hbm.at[idx_a.at[pl.ds(0, BPW)]], accs[a], sems[a]).wait()

    def comb_body(r, _):
        for h in (0, 16):
            acc0[r, pl.ds(h, 16)] = (
                (acc0[r, pl.ds(h, 16)] + acc1[r, pl.ds(h, 16)])
                + (acc2[r, pl.ds(h, 16)] + acc3[r, pl.ds(h, 16)])
            ) + acc4[r, pl.ds(h, 16)]
        return 0

    lax.fori_loop(0, BPW, comb_body, 0)
    pltpu.sync_copy(acc0, pooled_hbm.at[pl.ds(base, BPW)])


_pool = functools.partial(
    pl.kernel,
    mesh=plsc.VectorSubcoreMesh(core_axis_name="c", subcore_axis_name="s"),
    compiler_params=pltpu.CompilerParams(use_tc_tiling_on_sc=False),
    out_type=jax.ShapeDtypeStruct((B, D), jnp.float32),
    scratch_types=[
        pltpu.VMEM((CH * BPW,), jnp.int32),
        pltpu.VMEM((CH * BPW,), jnp.int32),
        pltpu.VMEM((BPW, D), jnp.float32),
        pltpu.VMEM((BPW, D), jnp.float32),
        pltpu.VMEM((BPW, D), jnp.float32),
        pltpu.VMEM((BPW, D), jnp.float32),
        pltpu.VMEM((BPW, D), jnp.float32),
        pltpu.SemaphoreType.DMA,
        pltpu.SemaphoreType.DMA,
        pltpu.SemaphoreType.DMA,
        pltpu.SemaphoreType.DMA,
        pltpu.SemaphoreType.DMA,
        pltpu.SemaphoreType.DMA,
    ],
)(_pool_body)


def _perm_body(x_ref, o_ref):
    o_ref[...] = x_ref[...].T.reshape(-1)


def _permute_idx(indices):
    return pl.pallas_call(
        _perm_body,
        grid=(NW,),
        in_specs=[pl.BlockSpec((BPW, L), lambda i: (i, 0))],
        out_specs=pl.BlockSpec((L * BPW,), lambda i: (i,)),
        out_shape=jax.ShapeDtypeStruct((B * L,), jnp.int32),
    )(indices)


def _mlp_body(x_ref, w1_ref, b1_ref, w2_ref, b2_ref, out_ref):
    x = x_ref[...] * jnp.float32(1.0 / L)
    h = jnp.dot(x, w1_ref[...], preferred_element_type=jnp.float32) + b1_ref[...]
    h = jnp.maximum(h, 0.0)
    out_ref[...] = jnp.dot(h, w2_ref[...], preferred_element_type=jnp.float32) + b2_ref[...]


def _mlp(pooled, W1, b1, W2, b2):
    return pl.pallas_call(
        _mlp_body,
        out_shape=jax.ShapeDtypeStruct((B, 1), jnp.float32),
    )(pooled, W1, b1.reshape(1, -1), W2, b2.reshape(1, -1))


def kernel(indices, table, W1, b1, W2, b2):
    idx_t = _permute_idx(indices.astype(jnp.int32))
    pooled = _pool(idx_t, table)
    return _mlp(pooled, W1, b1, W2, b2)

# --- scband reference (transcript-rebuilt; emitter-appended) ---
"""Pipeline reference for scband-standard-text-classification-model-3040836846016 (READ-ONLY COPY).

The authoritative reference and input builder live on the scoring server;
editing this copy changes nothing except your own understanding.
"""

import jax, jax.numpy as jnp
import numpy as np

MAX_FEATURES = 1000000
SEQ_LEN = 200
EMBED_DIM = 32
DENSE_UNITS = 8
N_OUT = 1
BATCH = 16384


def setup_inputs(seed: int = 0) -> dict:
    key = jax.random.key(seed)
    k_idx, k_tab, k_w1, k_b1, k_w2, k_b2 = jax.random.split(key, 6)
    indices = jax.random.randint(k_idx, (BATCH, SEQ_LEN), 0, MAX_FEATURES + 1, dtype=jnp.int64 if jax.config.jax_enable_x64 else jnp.int32)
    table = jax.random.normal(k_tab, (MAX_FEATURES + 1, EMBED_DIM), dtype=jnp.float32) * 0.05
    W1 = jax.random.normal(k_w1, (EMBED_DIM, DENSE_UNITS), dtype=jnp.float32) * (1.0 / np.sqrt(EMBED_DIM))
    b1 = jnp.zeros((DENSE_UNITS,), dtype=jnp.float32)
    W2 = jax.random.normal(k_w2, (DENSE_UNITS, N_OUT), dtype=jnp.float32) * (1.0 / np.sqrt(DENSE_UNITS))
    b2 = jnp.zeros((N_OUT,), dtype=jnp.float32)
    return {"indices": indices, "table": table, "W1": W1, "b1": b1, "W2": W2, "b2": b2}


def reference(indices, table, W1, b1, W2, b2):
    # Embedding lookup: [B, L] -> [B, L, D]
    emb = jnp.take(table, indices, axis=0)
    # GlobalAveragePooling1D over the sequence axis: [B, D]
    pooled = jnp.mean(emb, axis=1)
    # Dense(relu)
    h = jax.nn.relu(pooled @ W1 + b1)
    # Dropout is identity at inference
    # Classifier head
    out = h @ W2 + b2
    return out

if __name__ == "__main__":
    import jax
    _d = setup_inputs()
    print(jax.jit(kernel)(*tuple(_d.values())))

</pallas_src>

<mosaic_0001>
#map = affine_map<(d0, d1) -> (0)>
#map1 = affine_map<(d0, d1) -> (0, 0)>
module attributes {stable_mosaic.version = 14 : i64} {
  func.func @_pool_body(%arg0: i32, %arg1: i32, %arg2: memref<3276800xi32, #tpu.memory_space<hbm>>, %arg3: memref<1000001x32xf32, #tpu.memory_space<hbm>>, %arg4: memref<16384x32xf32, #tpu.memory_space<hbm>>, %arg5: memref<10240xi32, #tpu.memory_space<vmem>>, %arg6: memref<10240xi32, #tpu.memory_space<vmem>>, %arg7: memref<512x32xf32, #tpu.memory_space<vmem>>, %arg8: memref<512x32xf32, #tpu.memory_space<vmem>>, %arg9: memref<512x32xf32, #tpu.memory_space<vmem>>, %arg10: memref<512x32xf32, #tpu.memory_space<vmem>>, %arg11: memref<512x32xf32, #tpu.memory_space<vmem>>, %arg12: memref<!tpu.dma_semaphore, #tpu.memory_space<semaphore_mem>>, %arg13: memref<!tpu.dma_semaphore, #tpu.memory_space<semaphore_mem>>, %arg14: memref<!tpu.dma_semaphore, #tpu.memory_space<semaphore_mem>>, %arg15: memref<!tpu.dma_semaphore, #tpu.memory_space<semaphore_mem>>, %arg16: memref<!tpu.dma_semaphore, #tpu.memory_space<semaphore_mem>>, %arg17: memref<!tpu.dma_semaphore, #tpu.memory_space<semaphore_mem>>) attributes {dimension_semantics = [#tpu.dimension_semantics<core_parallel>, #tpu.dimension_semantics<subcore_parallel>], iteration_bounds = array<i64: 2, 16>, scalar_prefetch = 0 : i64, scratch_operands = 13 : i64, tpu.core_type = #tpu.core_type<sc_vector_subcore>, window_params = [{transform_indices = #map}, {transform_indices = #map1}, {transform_indices = #map1}]} {
    %mul3A = arith.constant 2 : i32
    %mul3A_0 = arith.muli %arg1, %mul3A : i32
    %add3A = arith.addi %mul3A_0, %arg0 : i32
    %mul3A_1 = arith.constant 512 : i32
    %mul3A_2 = arith.muli %add3A, %mul3A_1 : i32
    %mul3A_3 = arith.constant 102400 : i32
    %mul3A_4 = arith.muli %add3A, %mul3A_3 : i32
    %add3A_5 = arith.constant 0 : i32
    %add3A_6 = arith.addi %mul3A_4, %add3A_5 : i32
    %dma_start3A = tpu.memref_slice %arg2[%add3A_6] : memref<3276800xi32, #tpu.memory_space<hbm>> -> memref<10240xi32, #tpu.memory_space<hbm>>
    %dma_start3A_7 = tpu.memref_slice %arg2[%add3A_6] : memref<3276800xi32, #tpu.memory_space<hbm>> -> memref<10240xi32, #tpu.memory_space<hbm>>
    tpu.enqueue_dma source(%dma_start3A_7 : memref<10240xi32, #tpu.memory_space<hbm>>) target(%arg5 : memref<10240xi32, #tpu.memory_space<vmem>>) target_semaphore(%arg12 : memref<!tpu.dma_semaphore, #tpu.memory_space<semaphore_mem>>)
    %dma_wait3A = tpu.memref_slice %arg2[%add3A_6] : memref<3276800xi32, #tpu.memory_space<hbm>> -> memref<10240xi32, #tpu.memory_space<hbm>>
    %dma_wait3A_8 = tpu.memref_slice %arg2[%add3A_6] : memref<3276800xi32, #tpu.memory_space<hbm>> -> memref<10240xi32, #tpu.memory_space<hbm>>
    tpu.wait_dma2 semaphore(%arg12 : memref<!tpu.dma_semaphore, #tpu.memory_space<semaphore_mem>>) src(%dma_wait3A_8 : memref<10240xi32, #tpu.memory_space<hbm>>) dst(%arg5 : memref<10240xi32, #tpu.memory_space<vmem>>)
    %mul3A_9 = arith.constant 102400 : i32
    %mul3A_10 = arith.muli %add3A, %mul3A_9 : i32
    %add3A_11 = arith.constant 10240 : i32
    %add3A_12 = arith.addi %mul3A_10, %add3A_11 : i32
    %dma_start3A_13 = tpu.memref_slice %arg2[%add3A_12] : memref<3276800xi32, #tpu.memory_space<hbm>> -> memref<10240xi32, #tpu.memory_space<hbm>>
    %dma_start3A_14 = tpu.memref_slice %arg2[%add3A_12] : memref<3276800xi32, #tpu.memory_space<hbm>> -> memref<10240xi32, #tpu.memory_space<hbm>>
    tpu.enqueue_dma source(%dma_start3A_14 : memref<10240xi32, #tpu.memory_space<hbm>>) target(%arg6 : memref<10240xi32, #tpu.memory_space<vmem>>) target_semaphore(%arg12 : memref<!tpu.dma_semaphore, #tpu.memory_space<semaphore_mem>>)
    %dma_start3A_15 = arith.constant 0 : i32
    %dma_start3A_16 = tpu.memref_slice %arg5[%dma_start3A_15] : memref<10240xi32, #tpu.memory_space<vmem>> -> memref<512xi32, #tpu.memory_space<vmem>>
    %dma_start3A_17 = arith.constant 0 : i32
    %dma_start3A_18 = arith.constant 0 : i32
    %dma_start3A_19 = tpu.memref_slice %arg3[%dma_start3A_17, %dma_start3A_18] : memref<1000001x32xf32, #tpu.memory_space<hbm>> -> memref<1000001x32xf32, #tpu.memory_space<hbm>>
    tpu.enqueue_indirect_dma source(%dma_start3A_19 : memref<1000001x32xf32, #tpu.memory_space<hbm>>) target(%arg7 : memref<512x32xf32, #tpu.memory_space<vmem>>) offsets(%dma_start3A_16 : memref<512xi32, #tpu.memory_space<vmem>>) semaphore(%arg13 : memref<!tpu.dma_semaphore, #tpu.memory_space<semaphore_mem>>)
    %dma_start3A_20 = arith.constant 512 : i32
    %dma_start3A_21 = tpu.memref_slice %arg5[%dma_start3A_20] : memref<10240xi32, #tpu.memory_space<vmem>> -> memref<512xi32, #tpu.memory_space<vmem>>
    %dma_start3A_22 = arith.constant 0 : i32
    %dma_start3A_23 = arith.constant 0 : i32
    %dma_start3A_24 = tpu.memref_slice %arg3[%dma_start3A_22, %dma_start3A_23] : memref<1000001x32xf32, #tpu.memory_space<hbm>> -> memref<1000001x32xf32, #tpu.memory_space<hbm>>
    tpu.enqueue_indirect_dma source(%dma_start3A_24 : memref<1000001x32xf32, #tpu.memory_space<hbm>>) target(%arg8 : memref<512x32xf32, #tpu.memory_space<vmem>>) offsets(%dma_start3A_21 : memref<512xi32, #tpu.memory_space<vmem>>) semaphore(%arg14 : memref<!tpu.dma_semaphore, #tpu.memory_space<semaphore_mem>>)
    %dma_start3A_25 = arith.constant 1024 : i32
    %dma_start3A_26 = tpu.memref_slice %arg5[%dma_start3A_25] : memref<10240xi32, #tpu.memory_space<vmem>> -> memref<512xi32, #tpu.memory_space<vmem>>
    %dma_start3A_27 = arith.constant 0 : i32
    %dma_start3A_28 = arith.constant 0 : i32
    %dma_start3A_29 = tpu.memref_slice %arg3[%dma_start3A_27, %dma_start3A_28] : memref<1000001x32xf32, #tpu.memory_space<hbm>> -> memref<1000001x32xf32, #tpu.memory_space<hbm>>
    tpu.enqueue_indirect_dma source(%dma_start3A_29 : memref<1000001x32xf32, #tpu.memory_space<hbm>>) target(%arg9 : memref<512x32xf32, #tpu.memory_space<vmem>>) offsets(%dma_start3A_26 : memref<512xi32, #tpu.memory_space<vmem>>) semaphore(%arg15 : memref<!tpu.dma_semaphore, #tpu.memory_space<semaphore_mem>>)
    %dma_start3A_30 = arith.constant 1536 : i32
    %dma_start3A_31 = tpu.memref_slice %arg5[%dma_start3A_30] : memref<10240xi32, #tpu.memory_space<vmem>> -> memref<512xi32, #tpu.memory_space<vmem>>
    %dma_start3A_32 = arith.constant 0 : i32
    %dma_start3A_33 = arith.constant 0 : i32
    %dma_start3A_34 = tpu.memref_slice %arg3[%dma_start3A_32, %dma_start3A_33] : memref<1000001x32xf32, #tpu.memory_space<hbm>> -> memref<1000001x32xf32, #tpu.memory_space<hbm>>
    tpu.enqueue_indirect_dma source(%dma_start3A_34 : memref<1000001x32xf32, #tpu.memory_space<hbm>>) target(%arg10 : memref<512x32xf32, #tpu.memory_space<vmem>>) offsets(%dma_start3A_31 : memref<512xi32, #tpu.memory_space<vmem>>) semaphore(%arg16 : memref<!tpu.dma_semaphore, #tpu.memory_space<semaphore_mem>>)
    %dma_start3A_35 = arith.constant 2048 : i32
    %dma_start3A_36 = tpu.memref_slice %arg5[%dma_start3A_35] : memref<10240xi32, #tpu.memory_space<vmem>> -> memref<512xi32, #tpu.memory_space<vmem>>
    %dma_start3A_37 = arith.constant 0 : i32
    %dma_start3A_38 = arith.constant 0 : i32
    %dma_start3A_39 = tpu.memref_slice %arg3[%dma_start3A_37, %dma_start3A_38] : memref<1000001x32xf32, #tpu.memory_space<hbm>> -> memref<1000001x32xf32, #tpu.memory_space<hbm>>
    tpu.enqueue_indirect_dma source(%dma_start3A_39 : memref<1000001x32xf32, #tpu.memory_space<hbm>>) target(%arg11 : memref<512x32xf32, #tpu.memory_space<vmem>>) offsets(%dma_start3A_36 : memref<512xi32, #tpu.memory_space<vmem>>) semaphore(%arg17 : memref<!tpu.dma_semaphore, #tpu.memory_space<semaphore_mem>>)
    %scan3A = arith.constant 0 : i32
    %scan3A_40 = arith.constant 1 : i32
    %scan3A_41 = arith.constant 3 : i32
    %scan3A_42 = arith.addi %scan3A_40, %scan3A_41 : i32
    %scan3A_43 = arith.constant 1 : i32
    %scan3A_44 = scf.for %scan3A_207 = %scan3A_40 to %scan3A_42 step %scan3A_43 iter_args(%scan3A_208 = %scan3A) -> (i32)  : i32 {
      %mul3A_209 = arith.constant 5 : i32
      %mul3A_210 = arith.muli %mul3A_209, %scan3A_207 : i32
      %add3A_211 = arith.constant 0 : i32
      %add3A_212 = arith.addi %mul3A_210, %add3A_211 : i32
      %mul3A_213 = arith.constant 512 : i32
      %mul3A_214 = arith.muli %add3A_212, %mul3A_213 : i32
      %dma_wait3A_215 = tpu.memref_slice %arg5[%mul3A_214] : memref<10240xi32, #tpu.memory_space<vmem>> -> memref<512xi32, #tpu.memory_space<vmem>>
      %dma_wait3A_216 = arith.constant 0 : i32
      %dma_wait3A_217 = arith.constant 0 : i32
      %dma_wait3A_218 = tpu.memref_slice %arg3[%dma_wait3A_216, %dma_wait3A_217] : memref<1000001x32xf32, #tpu.memory_space<hbm>> -> memref<1000001x32xf32, #tpu.memory_space<hbm>>
      tpu.wait_indirect_dma semaphore(%arg13 : memref<!tpu.dma_semaphore, #tpu.memory_space<semaphore_mem>>) src(%dma_wait3A_218 : memref<1000001x32xf32, #tpu.memory_space<hbm>>) dst(%arg7 : memref<512x32xf32, #tpu.memory_space<vmem>>)
      %dma_start3A_219 = tpu.memref_slice %arg5[%mul3A_214] : memref<10240xi32, #tpu.memory_space<vmem>> -> memref<512xi32, #tpu.memory_space<vmem>>
      %dma_start3A_220 = arith.constant 0 : i32
      %dma_start3A_221 = arith.constant 0 : i32
      %dma_start3A_222 = tpu.memref_slice %arg3[%dma_start3A_220, %dma_start3A_221] : memref<1000001x32xf32, #tpu.memory_space<hbm>> -> memref<1000001x32xf32, #tpu.memory_space<hbm>>
      tpu.enqueue_indirect_dma source(%dma_start3A_222 : memref<1000001x32xf32, #tpu.memory_space<hbm>>) target(%arg7 : memref<512x32xf32, #tpu.memory_space<vmem>>) offsets(%dma_start3A_219 : memref<512xi32, #tpu.memory_space<vmem>>) semaphore(%arg13 : memref<!tpu.dma_semaphore, #tpu.memory_space<semaphore_mem>>) {add = true}
      %mul3A_223 = arith.constant 5 : i32
      %mul3A_224 = arith.muli %mul3A_223, %scan3A_207 : i32
      %add3A_225 = arith.constant 1 : i32
      %add3A_226 = arith.addi %mul3A_224, %add3A_225 : i32
      %mul3A_227 = arith.constant 512 : i32
      %mul3A_228 = arith.muli %add3A_226, %mul3A_227 : i32
      %dma_wait3A_229 = tpu.memref_slice %arg5[%mul3A_228] : memref<10240xi32, #tpu.memory_space<vmem>> -> memref<512xi32, #tpu.memory_space<vmem>>
      %dma_wait3A_230 = arith.constant 0 : i32
      %dma_wait3A_231 = arith.constant 0 : i32
      %dma_wait3A_232 = tpu.memref_slice %arg3[%dma_wait3A_230, %dma_wait3A_231] : memref<1000001x32xf32, #tpu.memory_space<hbm>> -> memref<1000001x32xf32, #tpu.memory_space<hbm>>
      tpu.wait_indirect_dma semaphore(%arg14 : memref<!tpu.dma_semaphore, #tpu.memory_space<semaphore_mem>>) src(%dma_wait3A_232 : memref<1000001x32xf32, #tpu.memory_space<hbm>>) dst(%arg8 : memref<512x32xf32, #tpu.memory_space<vmem>>)
      %dma_start3A_233 = tpu.memref_slice %arg5[%mul3A_228] : memref<10240xi32, #tpu.memory_space<vmem>> -> memref<512xi32, #tpu.memory_space<vmem>>
      %dma_start3A_234 = arith.constant 0 : i32
      %dma_start3A_235 = arith.constant 0 : i32
      %dma_start3A_236 = tpu.memref_slice %arg3[%dma_start3A_234, %dma_start3A_235] : memref<1000001x32xf32, #tpu.memory_space<hbm>> -> memref<1000001x32xf32, #tpu.memory_space<hbm>>
      tpu.enqueue_indirect_dma source(%dma_start3A_236 : memref<1000001x32xf32, #tpu.memory_space<hbm>>) target(%arg8 : memref<512x32xf32, #tpu.memory_space<vmem>>) offsets(%dma_start3A_233 : memref<512xi32, #tpu.memory_space<vmem>>) semaphore(%arg14 : memref<!tpu.dma_semaphore, #tpu.memory_space<semaphore_mem>>) {add = true}
      %mul3A_237 = arith.constant 5 : i32
      %mul3A_238 = arith.muli %mul3A_237, %scan3A_207 : i32
      %add3A_239 = arith.constant 2 : i32
      %add3A_240 = arith.addi %mul3A_238, %add3A_239 : i32
      %mul3A_241 = arith.constant 512 : i32
      %mul3A_242 = arith.muli %add3A_240, %mul3A_241 : i32
      %dma_wait3A_243 = tpu.memref_slice %arg5[%mul3A_242] : memref<10240xi32, #tpu.memory_space<vmem>> -> memref<512xi32, #tpu.memory_space<vmem>>
      %dma_wait3A_244 = arith.constant 0 : i32
      %dma_wait3A_245 = arith.constant 0 : i32
      %dma_wait3A_246 = tpu.memref_slice %arg3[%dma_wait3A_244, %dma_wait3A_245] : memref<1000001x32xf32, #tpu.memory_space<hbm>> -> memref<1000001x32xf32, #tpu.memory_space<hbm>>
      tpu.wait_indirect_dma semaphore(%arg15 : memref<!tpu.dma_semaphore, #tpu.memory_space<semaphore_mem>>) src(%dma_wait3A_246 : memref<1000001x32xf32, #tpu.memory_space<hbm>>) dst(%arg9 : memref<512x32xf32, #tpu.memory_space<vmem>>)
      %dma_start3A_247 = tpu.memref_slice %arg5[%mul3A_242] : memref<10240xi32, #tpu.memory_space<vmem>> -> memref<512xi32, #tpu.memory_space<vmem>>
      %dma_start3A_248 = arith.constant 0 : i32
      %dma_start3A_249 = arith.constant 0 : i32
      %dma_start3A_250 = tpu.memref_slice %arg3[%dma_start3A_248, %dma_start3A_249] : memref<1000001x32xf32, #tpu.memory_space<hbm>> -> memref<1000001x32xf32, #tpu.memory_space<hbm>>
      tpu.enqueue_indirect_dma source(%dma_start3A_250 : memref<1000001x32xf32, #tpu.memory_space<hbm>>) target(%arg9 : memref<512x32xf32, #tpu.memory_space<vmem>>) offsets(%dma_start3A_247 : memref<512xi32, #tpu.memory_space<vmem>>) semaphore(%arg15 : memref<!tpu.dma_semaphore, #tpu.memory_space<semaphore_mem>>) {add = true}
      %mul3A_251 = arith.constant 5 : i32
      %mul3A_252 = arith.muli %mul3A_251, %scan3A_207 : i32
      %add3A_253 = arith.constant 3 : i32
      %add3A_254 = arith.addi %mul3A_252, %add3A_253 : i32
      %mul3A_255 = arith.constant 512 : i32
      %mul3A_256 = arith.muli %add3A_254, %mul3A_255 : i32
      %dma_wait3A_257 = tpu.memref_slice %arg5[%mul3A_256] : memref<10240xi32, #tpu.memory_space<vmem>> -> memref<512xi32, #tpu.memory_space<vmem>>
      %dma_wait3A_258 = arith.constant 0 : i32
      %dma_wait3A_259 = arith.constant 0 : i32
      %dma_wait3A_260 = tpu.memref_slice %arg3[%dma_wait3A_258, %dma_wait3A_259] : memref<1000001x32xf32, #tpu.memory_space<hbm>> -> memref<1000001x32xf32, #tpu.memory_space<hbm>>
      tpu.wait_indirect_dma semaphore(%arg16 : memref<!tpu.dma_semaphore, #tpu.memory_space<semaphore_mem>>) src(%dma_wait3A_260 : memref<1000001x32xf32, #tpu.memory_space<hbm>>) dst(%arg10 : memref<512x32xf32, #tpu.memory_space<vmem>>)
      %dma_start3A_261 = tpu.memref_slice %arg5[%mul3A_256] : memref<10240xi32, #tpu.memory_space<vmem>> -> memref<512xi32, #tpu.memory_space<vmem>>
      %dma_start3A_262 = arith.constant 0 : i32
      %dma_start3A_263 = arith.constant 0 : i32
      %dma_start3A_264 = tpu.memref_slice %arg3[%dma_start3A_262, %dma_start3A_263] : memref<1000001x32xf32, #tpu.memory_space<hbm>> -> memref<1000001x32xf32, #tpu.memory_space<hbm>>
      tpu.enqueue_indirect_dma source(%dma_start3A_264 : memref<1000001x32xf32, #tpu.memory_space<hbm>>) target(%arg10 : memref<512x32xf32, #tpu.memory_space<vmem>>) offsets(%dma_start3A_261 : memref<512xi32, #tpu.memory_space<vmem>>) semaphore(%arg16 : memref<!tpu.dma_semaphore, #tpu.memory_space<semaphore_mem>>) {add = true}
      %mul3A_265 = arith.constant 5 : i32
      %mul3A_266 = arith.muli %mul3A_265, %scan3A_207 : i32
      %add3A_267 = arith.constant 4 : i32
      %add3A_268 = arith.addi %mul3A_266, %add3A_267 : i32
      %mul3A_269 = arith.constant 512 : i32
      %mul3A_270 = arith.muli %add3A_268, %mul3A_269 : i32
      %dma_wait3A_271 = tpu.memref_slice %arg5[%mul3A_270] : memref<10240xi32, #tpu.memory_space<vmem>> -> memref<512xi32, #tpu.memory_space<vmem>>
      %dma_wait3A_272 = arith.constant 0 : i32
      %dma_wait3A_273 = arith.constant 0 : i32
      %dma_wait3A_274 = tpu.memref_slice %arg3[%dma_wait3A_272, %dma_wait3A_273] : memref<1000001x32xf32, #tpu.memory_space<hbm>> -> memref<1000001x32xf32, #tpu.memory_space<hbm>>
      tpu.wait_indirect_dma semaphore(%arg17 : memref<!tpu.dma_semaphore, #tpu.memory_space<semaphore_mem>>) src(%dma_wait3A_274 : memref<1000001x32xf32, #tpu.memory_space<hbm>>) dst(%arg11 : memref<512x32xf32, #tpu.memory_space<vmem>>)
      %dma_start3A_275 = tpu.memref_slice %arg5[%mul3A_270] : memref<10240xi32, #tpu.memory_space<vmem>> -> memref<512xi32, #tpu.memory_space<vmem>>
      %dma_start3A_276 = arith.constant 0 : i32
      %dma_start3A_277 = arith.constant 0 : i32
      %dma_start3A_278 = tpu.memref_slice %arg3[%dma_start3A_276, %dma_start3A_277] : memref<1000001x32xf32, #tpu.memory_space<hbm>> -> memref<1000001x32xf32, #tpu.memory_space<hbm>>
      tpu.enqueue_indirect_dma source(%dma_start3A_278 : memref<1000001x32xf32, #tpu.memory_space<hbm>>) target(%arg11 : memref<512x32xf32, #tpu.memory_space<vmem>>) offsets(%dma_start3A_275 : memref<512xi32, #tpu.memory_space<vmem>>) semaphore(%arg17 : memref<!tpu.dma_semaphore, #tpu.memory_space<semaphore_mem>>) {add = true}
      %scan3A_279 = arith.constant 0 : i32
      scf.yield %scan3A_279 : i32
    }
    %scan3A_45 = arith.constant 3 : i32
    %dma_wait3A_46 = tpu.memref_slice %arg2[%add3A_12] : memref<3276800xi32, #tpu.memory_space<hbm>> -> memref<10240xi32, #tpu.memory_space<hbm>>
    %dma_wait3A_47 = tpu.memref_slice %arg2[%add3A_12] : memref<3276800xi32, #tpu.memory_space<hbm>> -> memref<10240xi32, #tpu.memory_space<hbm>>
    tpu.wait_dma2 semaphore(%arg12 : memref<!tpu.dma_semaphore, #tpu.memory_space<semaphore_mem>>) src(%dma_wait3A_47 : memref<10240xi32, #tpu.memory_space<hbm>>) dst(%arg6 : memref<10240xi32, #tpu.memory_space<vmem>>)
    %mul3A_48 = arith.constant 102400 : i32
    %mul3A_49 = arith.muli %add3A, %mul3A_48 : i32
    %add3A_50 = arith.constant 20480 : i32
    %add3A_51 = arith.addi %mul3A_49, %add3A_50 : i32
    %dma_start3A_52 = tpu.memref_slice %arg2[%add3A_51] : memref<3276800xi32, #tpu.memory_space<hbm>> -> memref<10240xi32, #tpu.memory_space<hbm>>
    %dma_start3A_53 = tpu.memref_slice %arg2[%add3A_51] : memref<3276800xi32, #tpu.memory_space<hbm>> -> memref<10240xi32, #tpu.memory_space<hbm>>
    tpu.enqueue_dma source(%dma_start3A_53 : memref<10240xi32, #tpu.memory_space<hbm>>) target(%arg5 : memref<10240xi32, #tpu.memory_space<vmem>>) target_semaphore(%arg12 : memref<!tpu.dma_semaphore, #tpu.memory_space<semaphore_mem>>)
    %scan3A_54 = arith.constant 0 : i32
    %scan3A_55 = arith.constant 0 : i32
    %scan3A_56 = arith.constant 4 : i32
    %scan3A_57 = arith.addi %scan3A_55, %scan3A_56 : i32
    %scan3A_58 = arith.constant 1 : i32
    %scan3A_59 = scf.for %scan3A_207 = %scan3A_55 to %scan3A_57 step %scan3A_58 iter_args(%scan3A_208 = %scan3A_54) -> (i32)  : i32 {
      %mul3A_209 = arith.constant 5 : i32
      %mul3A_210 = arith.muli %mul3A_209, %scan3A_207 : i32
      %add3A_211 = arith.constant 0 : i32
      %add3A_212 = arith.addi %mul3A_210, %add3A_211 : i32
      %mul3A_213 = arith.constant 512 : i32
      %mul3A_214 = arith.muli %add3A_212, %mul3A_213 : i32
      %dma_wait3A_215 = tpu.memref_slice %arg6[%mul3A_214] : memref<10240xi32, #tpu.memory_space<vmem>> -> memref<512xi32, #tpu.memory_space<vmem>>
      %dma_wait3A_216 = arith.constant 0 : i32
      %dma_wait3A_217 = arith.constant 0 : i32
      %dma_wait3A_218 = tpu.memref_slice %arg3[%dma_wait3A_216, %dma_wait3A_217] : memref<1000001x32xf32, #tpu.memory_space<hbm>> -> memref<1000001x32xf32, #tpu.memory_space<hbm>>
      tpu.wait_indirect_dma semaphore(%arg13 : memref<!tpu.dma_semaphore, #tpu.memory_space<semaphore_mem>>) src(%dma_wait3A_218 : memref<1000001x32xf32, #tpu.memory_space<hbm>>) dst(%arg7 : memref<512x32xf32, #tpu.memory_space<vmem>>)
      %dma_start3A_219 = tpu.memref_slice %arg6[%mul3A_214] : memref<10240xi32, #tpu.memory_space<vmem>> -> memref<512xi32, #tpu.memory_space<vmem>>
      %dma_start3A_220 = arith.constant 0 : i32
      %dma_start3A_221 = arith.constant 0 : i32
      %dma_start3A_222 = tpu.memref_slice %arg3[%dma_start3A_220, %dma_start3A_221] : memref<1000001x32xf32, #tpu.memory_space<hbm>> -> memref<1000001x32xf32, #tpu.memory_space<hbm>>
      tpu.enqueue_indirect_dma source(%dma_start3A_222 : memref<1000001x32xf32, #tpu.memory_space<hbm>>) target(%arg7 : memref<512x32xf32, #tpu.memory_space<vmem>>) offsets(%dma_start3A_219 : memref<512xi32, #tpu.memory_space<vmem>>) semaphore(%arg13 : memref<!tpu.dma_semaphore, #tpu.memory_space<semaphore_mem>>) {add = true}
      %mul3A_223 = arith.constant 5 : i32
      %mul3A_224 = arith.muli %mul3A_223, %scan3A_207 : i32
      %add3A_225 = arith.constant 1 : i32
      %add3A_226 = arith.addi %mul3A_224, %add3A_225 : i32
      %mul3A_227 = arith.constant 512 : i32
      %mul3A_228 = arith.muli %add3A_226, %mul3A_227 : i32
      %dma_wait3A_229 = tpu.memref_slice %arg6[%mul3A_228] : memref<10240xi32, #tpu.memory_space<vmem>> -> memref<512xi32, #tpu.memory_space<vmem>>
      %dma_wait3A_230 = arith.constant 0 : i32
      %dma_wait3A_231 = arith.constant 0 : i32
      %dma_wait3A_232 = tpu.memref_slice %arg3[%dma_wait3A_230, %dma_wait3A_231] : memref<1000001x32xf32, #tpu.memory_space<hbm>> -> memref<1000001x32xf32, #tpu.memory_space<hbm>>
      tpu.wait_indirect_dma semaphore(%arg14 : memref<!tpu.dma_semaphore, #tpu.memory_space<semaphore_mem>>) src(%dma_wait3A_232 : memref<1000001x32xf32, #tpu.memory_space<hbm>>) dst(%arg8 : memref<512x32xf32, #tpu.memory_space<vmem>>)
      %dma_start3A_233 = tpu.memref_slice %arg6[%mul3A_228] : memref<10240xi32, #tpu.memory_space<vmem>> -> memref<512xi32, #tpu.memory_space<vmem>>
      %dma_start3A_234 = arith.constant 0 : i32
      %dma_start3A_235 = arith.constant 0 : i32
      %dma_start3A_236 = tpu.memref_slice %arg3[%dma_start3A_234, %dma_start3A_235] : memref<1000001x32xf32, #tpu.memory_space<hbm>> -> memref<1000001x32xf32, #tpu.memory_space<hbm>>
      tpu.enqueue_indirect_dma source(%dma_start3A_236 : memref<1000001x32xf32, #tpu.memory_space<hbm>>) target(%arg8 : memref<512x32xf32, #tpu.memory_space<vmem>>) offsets(%dma_start3A_233 : memref<512xi32, #tpu.memory_space<vmem>>) semaphore(%arg14 : memref<!tpu.dma_semaphore, #tpu.memory_space<semaphore_mem>>) {add = true}
      %mul3A_237 = arith.constant 5 : i32
      %mul3A_238 = arith.muli %mul3A_237, %scan3A_207 : i32
      %add3A_239 = arith.constant 2 : i32
      %add3A_240 = arith.addi %mul3A_238, %add3A_239 : i32
      %mul3A_241 = arith.constant 512 : i32
      %mul3A_242 = arith.muli %add3A_240, %mul3A_241 : i32
      %dma_wait3A_243 = tpu.memref_slice %arg6[%mul3A_242] : memref<10240xi32, #tpu.memory_space<vmem>> -> memref<512xi32, #tpu.memory_space<vmem>>
      %dma_wait3A_244 = arith.constant 0 : i32
      %dma_wait3A_245 = arith.constant 0 : i32
      %dma_wait3A_246 = tpu.memref_slice %arg3[%dma_wait3A_244, %dma_wait3A_245] : memref<1000001x32xf32, #tpu.memory_space<hbm>> -> memref<1000001x32xf32, #tpu.memory_space<hbm>>
      tpu.wait_indirect_dma semaphore(%arg15 : memref<!tpu.dma_semaphore, #tpu.memory_space<semaphore_mem>>) src(%dma_wait3A_246 : memref<1000001x32xf32, #tpu.memory_space<hbm>>) dst(%arg9 : memref<512x32xf32, #tpu.memory_space<vmem>>)
      %dma_start3A_247 = tpu.memref_slice %arg6[%mul3A_242] : memref<10240xi32, #tpu.memory_space<vmem>> -> memref<512xi32, #tpu.memory_space<vmem>>
      %dma_start3A_248 = arith.constant 0 : i32
      %dma_start3A_249 = arith.constant 0 : i32
      %dma_start3A_250 = tpu.memref_slice %arg3[%dma_start3A_248, %dma_start3A_249] : memref<1000001x32xf32, #tpu.memory_space<hbm>> -> memref<1000001x32xf32, #tpu.memory_space<hbm>>
      tpu.enqueue_indirect_dma source(%dma_start3A_250 : memref<1000001x32xf32, #tpu.memory_space<hbm>>) target(%arg9 : memref<512x32xf32, #tpu.memory_space<vmem>>) offsets(%dma_start3A_247 : memref<512xi32, #tpu.memory_space<vmem>>) semaphore(%arg15 : memref<!tpu.dma_semaphore, #tpu.memory_space<semaphore_mem>>) {add = true}
      %mul3A_251 = arith.constant 5 : i32
      %mul3A_252 = arith.muli %mul3A_251, %scan3A_207 : i32
      %add3A_253 = arith.constant 3 : i32
      %add3A_254 = arith.addi %mul3A_252, %add3A_253 : i32
      %mul3A_255 = arith.constant 512 : i32
      %mul3A_256 = arith.muli %add3A_254, %mul3A_255 : i32
      %dma_wait3A_257 = tpu.memref_slice %arg6[%mul3A_256] : memref<10240xi32, #tpu.memory_space<vmem>> -> memref<512xi32, #tpu.memory_space<vmem>>
      %dma_wait3A_258 = arith.constant 0 : i32
      %dma_wait3A_259 = arith.constant 0 : i32
      %dma_wait3A_260 = tpu.memref_slice %arg3[%dma_wait3A_258, %dma_wait3A_259] : memref<1000001x32xf32, #tpu.memory_space<hbm>> -> memref<1000001x32xf32, #tpu.memory_space<hbm>>
      tpu.wait_indirect_dma semaphore(%arg16 : memref<!tpu.dma_semaphore, #tpu.memory_space<semaphore_mem>>) src(%dma_wait3A_260 : memref<1000001x32xf32, #tpu.memory_space<hbm>>) dst(%arg10 : memref<512x32xf32, #tpu.memory_space<vmem>>)
      %dma_start3A_261 = tpu.memref_slice %arg6[%mul3A_256] : memref<10240xi32, #tpu.memory_space<vmem>> -> memref<512xi32, #tpu.memory_space<vmem>>
      %dma_start3A_262 = arith.constant 0 : i32
      %dma_start3A_263 = arith.constant 0 : i32
      %dma_start3A_264 = tpu.memref_slice %arg3[%dma_start3A_262, %dma_start3A_263] : memref<1000001x32xf32, #tpu.memory_space<hbm>> -> memref<1000001x32xf32, #tpu.memory_space<hbm>>
      tpu.enqueue_indirect_dma source(%dma_start3A_264 : memref<1000001x32xf32, #tpu.memory_space<hbm>>) target(%arg10 : memref<512x32xf32, #tpu.memory_space<vmem>>) offsets(%dma_start3A_261 : memref<512xi32, #tpu.memory_space<vmem>>) semaphore(%arg16 : memref<!tpu.dma_semaphore, #tpu.memory_space<semaphore_mem>>) {add = true}
      %mul3A_265 = arith.constant 5 : i32
      %mul3A_266 = arith.muli %mul3A_265, %scan3A_207 : i32
      %add3A_267 = arith.constant 4 : i32
      %add3A_268 = arith.addi %mul3A_266, %add3A_267 : i32
      %mul3A_269 = arith.constant 512 : i32
      %mul3A_270 = arith.muli %add3A_268, %mul3A_269 : i32
      %dma_wait3A_271 = tpu.memref_slice %arg6[%mul3A_270] : memref<10240xi32, #tpu.memory_space<vmem>> -> memref<512xi32, #tpu.memory_space<vmem>>
      %dma_wait3A_272 = arith.constant 0 : i32
      %dma_wait3A_273 = arith.constant 0 : i32
      %dma_wait3A_274 = tpu.memref_slice %arg3[%dma_wait3A_272, %dma_wait3A_273] : memref<1000001x32xf32, #tpu.memory_space<hbm>> -> memref<1000001x32xf32, #tpu.memory_space<hbm>>
      tpu.wait_indirect_dma semaphore(%arg17 : memref<!tpu.dma_semaphore, #tpu.memory_space<semaphore_mem>>) src(%dma_wait3A_274 : memref<1000001x32xf32, #tpu.memory_space<hbm>>) dst(%arg11 : memref<512x32xf32, #tpu.memory_space<vmem>>)
      %dma_start3A_275 = tpu.memref_slice %arg6[%mul3A_270] : memref<10240xi32, #tpu.memory_space<vmem>> -> memref<512xi32, #tpu.memory_space<vmem>>
      %dma_start3A_276 = arith.constant 0 : i32
      %dma_start3A_277 = arith.constant 0 : i32
      %dma_start3A_278 = tpu.memref_slice %arg3[%dma_start3A_276, %dma_start3A_277] : memref<1000001x32xf32, #tpu.memory_space<hbm>> -> memref<1000001x32xf32, #tpu.memory_space<hbm>>
      tpu.enqueue_indirect_dma source(%dma_start3A_278 : memref<1000001x32xf32, #tpu.memory_space<hbm>>) target(%arg11 : memref<512x32xf32, #tpu.memory_space<vmem>>) offsets(%dma_start3A_275 : memref<512xi32, #tpu.memory_space<vmem>>) semaphore(%arg17 : memref<!tpu.dma_semaphore, #tpu.memory_space<semaphore_mem>>) {add = true}
      %scan3A_279 = arith.constant 0 : i32
      scf.yield %scan3A_279 : i32
    }
    %scan3A_60 = arith.constant 4 : i32
    %dma_wait3A_61 = tpu.memref_slice %arg2[%add3A_51] : memref<3276800xi32, #tpu.memory_space<hbm>> -> memref<10240xi32, #tpu.memory_space<hbm>>
    %dma_wait3A_62 = tpu.memref_slice %arg2[%add3A_51] : memref<3276800xi32, #tpu.memory_space<hbm>> -> memref<10240xi32, #tpu.memory_space<hbm>>
    tpu.wait_dma2 semaphore(%arg12 : memref<!tpu.dma_semaphore, #tpu.memory_space<semaphore_mem>>) src(%dma_wait3A_62 : memref<10240xi32, #tpu.memory_space<hbm>>) dst(%arg5 : memref<10240xi32, #tpu.memory_space<vmem>>)
    %mul3A_63 = arith.constant 102400 : i32
    %mul3A_64 = arith.muli %add3A, %mul3A_63 : i32
    %add3A_65 = arith.constant 30720 : i32
    %add3A_66 = arith.addi %mul3A_64, %add3A_65 : i32
    %dma_start3A_67 = tpu.memref_slice %arg2[%add3A_66] : memref<3276800xi32, #tpu.memory_space<hbm>> -> memref<10240xi32, #tpu.memory_space<hbm>>
    %dma_start3A_68 = tpu.memref_slice %arg2[%add3A_66] : memref<3276800xi32, #tpu.memory_space<hbm>> -> memref<10240xi32, #tpu.memory_space<hbm>>
    tpu.enqueue_dma source(%dma_start3A_68 : memref<10240xi32, #tpu.memory_space<hbm>>) target(%arg6 : memref<10240xi32, #tpu.memory_space<vmem>>) target_semaphore(%arg12 : memref<!tpu.dma_semaphore, #tpu.memory_space<semaphore_mem>>)
    %scan3A_69 = arith.constant 0 : i32
    %scan3A_70 = arith.constant 0 : i32
    %scan3A_71 = arith.constant 4 : i32
    %scan3A_72 = arith.addi %scan3A_70, %scan3A_71 : i32
    %scan3A_73 = arith.constant 1 : i32
    %scan3A_74 = scf.for %scan3A_207 = %scan3A_70 to %scan3A_72 step %scan3A_73 iter_args(%scan3A_208 = %scan3A_69) -> (i32)  : i32 {
      %mul3A_209 = arith.constant 5 : i32
      %mul3A_210 = arith.muli %mul3A_209, %scan3A_207 : i32
      %add3A_211 = arith.constant 0 : i32
      %add3A_212 = arith.addi %mul3A_210, %add3A_211 : i32
      %mul3A_213 = arith.constant 512 : i32
      %mul3A_214 = arith.muli %add3A_212, %mul3A_213 : i32
      %dma_wait3A_215 = tpu.memref_slice %arg5[%mul3A_214] : memref<10240xi32, #tpu.memory_space<vmem>> -> memref<512xi32, #tpu.memory_space<vmem>>
      %dma_wait3A_216 = arith.constant 0 : i32
      %dma_wait3A_217 = arith.constant 0 : i32
      %dma_wait3A_218 = tpu.memref_slice %arg3[%dma_wait3A_216, %dma_wait3A_217] : memref<1000001x32xf32, #tpu.memory_space<hbm>> -> memref<1000001x32xf32, #tpu.memory_space<hbm>>
      tpu.wait_indirect_dma semaphore(%arg13 : memref<!tpu.dma_semaphore, #tpu.memory_space<semaphore_mem>>) src(%dma_wait3A_218 : memref<1000001x32xf32, #tpu.memory_space<hbm>>) dst(%arg7 : memref<512x32xf32, #tpu.memory_space<vmem>>)
      %dma_start3A_219 = tpu.memref_slice %arg5[%mul3A_214] : memref<10240xi32, #tpu.memory_space<vmem>> -> memref<512xi32, #tpu.memory_space<vmem>>
      %dma_start3A_220 = arith.constant 0 : i32
      %dma_start3A_221 = arith.constant 0 : i32
      %dma_start3A_222 = tpu.memref_slice %arg3[%dma_start3A_220, %dma_start3A_221] : memref<1000001x32xf32, #tpu.memory_space<hbm>> -> memref<1000001x32xf32, #tpu.memory_space<hbm>>
      tpu.enqueue_indirect_dma source(%dma_start3A_222 : memref<1000001x32xf32, #tpu.memory_space<hbm>>) target(%arg7 : memref<512x32xf32, #tpu.memory_space<vmem>>) offsets(%dma_start3A_219 : memref<512xi32, #tpu.memory_space<vmem>>) semaphore(%arg13 : memref<!tpu.dma_semaphore, #tpu.memory_space<semaphore_mem>>) {add = true}
      %mul3A_223 = arith.constant 5 : i32
      %mul3A_224 = arith.muli %mul3A_223, %scan3A_207 : i32
      %add3A_225 = arith.constant 1 : i32
      %add3A_226 = arith.addi %mul3A_224, %add3A_225 : i32
      %mul3A_227 = arith.constant 512 : i32
      %mul3A_228 = arith.muli %add3A_226, %mul3A_227 : i32
      %dma_wait3A_229 = tpu.memref_slice %arg5[%mul3A_228] : memref<10240xi32, #tpu.memory_space<vmem>> -> memref<512xi32, #tpu.memory_space<vmem>>
      %dma_wait3A_230 = arith.constant 0 : i32
      %dma_wait3A_231 = arith.constant 0 : i32
      %dma_wait3A_232 = tpu.memref_slice %arg3[%dma_wait3A_230, %dma_wait3A_231] : memref<1000001x32xf32, #tpu.memory_space<hbm>> -> memref<1000001x32xf32, #tpu.memory_space<hbm>>
      tpu.wait_indirect_dma semaphore(%arg14 : memref<!tpu.dma_semaphore, #tpu.memory_space<semaphore_mem>>) src(%dma_wait3A_232 : memref<1000001x32xf32, #tpu.memory_space<hbm>>) dst(%arg8 : memref<512x32xf32, #tpu.memory_space<vmem>>)
      %dma_start3A_233 = tpu.memref_slice %arg5[%mul3A_228] : memref<10240xi32, #tpu.memory_space<vmem>> -> memref<512xi32, #tpu.memory_space<vmem>>
      %dma_start3A_234 = arith.constant 0 : i32
      %dma_start3A_235 = arith.constant 0 : i32
      %dma_start3A_236 = tpu.memref_slice %arg3[%dma_start3A_234, %dma_start3A_235] : memref<1000001x32xf32, #tpu.memory_space<hbm>> -> memref<1000001x32xf32, #tpu.memory_space<hbm>>
      tpu.enqueue_indirect_dma source(%dma_start3A_236 : memref<1000001x32xf32, #tpu.memory_space<hbm>>) target(%arg8 : memref<512x32xf32, #tpu.memory_space<vmem>>) offsets(%dma_start3A_233 : memref<512xi32, #tpu.memory_space<vmem>>) semaphore(%arg14 : memref<!tpu.dma_semaphore, #tpu.memory_space<semaphore_mem>>) {add = true}
      %mul3A_237 = arith.constant 5 : i32
      %mul3A_238 = arith.muli %mul3A_237, %scan3A_207 : i32
      %add3A_239 = arith.constant 2 : i32
      %add3A_240 = arith.addi %mul3A_238, %add3A_239 : i32
      %mul3A_241 = arith.constant 512 : i32
      %mul3A_242 = arith.muli %add3A_240, %mul3A_241 : i32
      %dma_wait3A_243 = tpu.memref_slice %arg5[%mul3A_242] : memref<10240xi32, #tpu.memory_space<vmem>> -> memref<512xi32, #tpu.memory_space<vmem>>
      %dma_wait3A_244 = arith.constant 0 : i32
      %dma_wait3A_245 = arith.constant 0 : i32
      %dma_wait3A_246 = tpu.memref_slice %arg3[%dma_wait3A_244, %dma_wait3A_245] : memref<1000001x32xf32, #tpu.memory_space<hbm>> -> memref<1000001x32xf32, #tpu.memory_space<hbm>>
      tpu.wait_indirect_dma semaphore(%arg15 : memref<!tpu.dma_semaphore, #tpu.memory_space<semaphore_mem>>) src(%dma_wait3A_246 : memref<1000001x32xf32, #tpu.memory_space<hbm>>) dst(%arg9 : memref<512x32xf32, #tpu.memory_space<vmem>>)
      %dma_start3A_247 = tpu.memref_slice %arg5[%mul3A_242] : memref<10240xi32, #tpu.memory_space<vmem>> -> memref<512xi32, #tpu.memory_space<vmem>>
      %dma_start3A_248 = arith.constant 0 : i32
      %dma_start3A_249 = arith.constant 0 : i32
      %dma_start3A_250 = tpu.memref_slice %arg3[%dma_start3A_248, %dma_start3A_249] : memref<1000001x32xf32, #tpu.memory_space<hbm>> -> memref<1000001x32xf32, #tpu.memory_space<hbm>>
      tpu.enqueue_indirect_dma source(%dma_start3A_250 : memref<1000001x32xf32, #tpu.memory_space<hbm>>) target(%arg9 : memref<512x32xf32, #tpu.memory_space<vmem>>) offsets(%dma_start3A_247 : memref<512xi32, #tpu.memory_space<vmem>>) semaphore(%arg15 : memref<!tpu.dma_semaphore, #tpu.memory_space<semaphore_mem>>) {add = true}
      %mul3A_251 = arith.constant 5 : i32
      %mul3A_252 = arith.muli %mul3A_251, %scan3A_207 : i32
      %add3A_253 = arith.constant 3 : i32
      %add3A_254 = arith.addi %mul3A_252, %add3A_253 : i32
      %mul3A_255 = arith.constant 512 : i32
      %mul3A_256 = arith.muli %add3A_254, %mul3A_255 : i32
      %dma_wait3A_257 = tpu.memref_slice %arg5[%mul3A_256] : memref<10240xi32, #tpu.memory_space<vmem>> -> memref<512xi32, #tpu.memory_space<vmem>>
      %dma_wait3A_258 = arith.constant 0 : i32
      %dma_wait3A_259 = arith.constant 0 : i32
      %dma_wait3A_260 = tpu.memref_slice %arg3[%dma_wait3A_258, %dma_wait3A_259] : memref<1000001x32xf32, #tpu.memory_space<hbm>> -> memref<1000001x32xf32, #tpu.memory_space<hbm>>
      tpu.wait_indirect_dma semaphore(%arg16 : memref<!tpu.dma_semaphore, #tpu.memory_space<semaphore_mem>>) src(%dma_wait3A_260 : memref<1000001x32xf32, #tpu.memory_space<hbm>>) dst(%arg10 : memref<512x32xf32, #tpu.memory_space<vmem>>)
      %dma_start3A_261 = tpu.memref_slice %arg5[%mul3A_256] : memref<10240xi32, #tpu.memory_space<vmem>> -> memref<512xi32, #tpu.memory_space<vmem>>
      %dma_start3A_262 = arith.constant 0 : i32
      %dma_start3A_263 = arith.constant 0 : i32
      %dma_start3A_264 = tpu.memref_slice %arg3[%dma_start3A_262, %dma_start3A_263] : memref<1000001x32xf32, #tpu.memory_space<hbm>> -> memref<1000001x32xf32, #tpu.memory_space<hbm>>
      tpu.enqueue_indirect_dma source(%dma_start3A_264 : memref<1000001x32xf32, #tpu.memory_space<hbm>>) target(%arg10 : memref<512x32xf32, #tpu.memory_space<vmem>>) offsets(%dma_start3A_261 : memref<512xi32, #tpu.memory_space<vmem>>) semaphore(%arg16 : memref<!tpu.dma_semaphore, #tpu.memory_space<semaphore_mem>>) {add = true}
      %mul3A_265 = arith.constant 5 : i32
      %mul3A_266 = arith.muli %mul3A_265, %scan3A_207 : i32
      %add3A_267 = arith.constant 4 : i32
      %add3A_268 = arith.addi %mul3A_266, %add3A_267 : i32
      %mul3A_269 = arith.constant 512 : i32
      %mul3A_270 = arith.muli %add3A_268, %mul3A_269 : i32
      %dma_wait3A_271 = tpu.memref_slice %arg5[%mul3A_270] : memref<10240xi32, #tpu.memory_space<vmem>> -> memref<512xi32, #tpu.memory_space<vmem>>
      %dma_wait3A_272 = arith.constant 0 : i32
      %dma_wait3A_273 = arith.constant 0 : i32
      %dma_wait3A_274 = tpu.memref_slice %arg3[%dma_wait3A_272, %dma_wait3A_273] : memref<1000001x32xf32, #tpu.memory_space<hbm>> -> memref<1000001x32xf32, #tpu.memory_space<hbm>>
      tpu.wait_indirect_dma semaphore(%arg17 : memref<!tpu.dma_semaphore, #tpu.memory_space<semaphore_mem>>) src(%dma_wait3A_274 : memref<1000001x32xf32, #tpu.memory_space<hbm>>) dst(%arg11 : memref<512x32xf32, #tpu.memory_space<vmem>>)
      %dma_start3A_275 = tpu.memref_slice %arg5[%mul3A_270] : memref<10240xi32, #tpu.memory_space<vmem>> -> memref<512xi32, #tpu.memory_space<vmem>>
      %dma_start3A_276 = arith.constant 0 : i32
      %dma_start3A_277 = arith.constant 0 : i32
      %dma_start3A_278 = tpu.memref_slice %arg3[%dma_start3A_276, %dma_start3A_277] : memref<1000001x32xf32, #tpu.memory_space<hbm>> -> memref<1000001x32xf32, #tpu.memory_space<hbm>>
      tpu.enqueue_indirect_dma source(%dma_start3A_278 : memref<1000001x32xf32, #tpu.memory_space<hbm>>) target(%arg11 : memref<512x32xf32, #tpu.memory_space<vmem>>) offsets(%dma_start3A_275 : memref<512xi32, #tpu.memory_space<vmem>>) semaphore(%arg17 : memref<!tpu.dma_semaphore, #tpu.memory_space<semaphore_mem>>) {add = true}
      %scan3A_279 = arith.constant 0 : i32
      scf.yield %scan3A_279 : i32
    }
    %scan3A_75 = arith.constant 4 : i32
    %dma_wait3A_76 = tpu.memref_slice %arg2[%add3A_66] : memref<3276800xi32, #tpu.memory_space<hbm>> -> memref<10240xi32, #tpu.memory_space<hbm>>
    %dma_wait3A_77 = tpu.memref_slice %arg2[%add3A_66] : memref<3276800xi32, #tpu.memory_space<hbm>> -> memref<10240xi32, #tpu.memory_space<hbm>>
    tpu.wait_dma2 semaphore(%arg12 : memref<!tpu.dma_semaphore, #tpu.memory_space<semaphore_mem>>) src(%dma_wait3A_77 : memref<10240xi32, #tpu.memory_space<hbm>>) dst(%arg6 : memref<10240xi32, #tpu.memory_space<vmem>>)
    %mul3A_78 = arith.constant 102400 : i32
    %mul3A_79 = arith.muli %add3A, %mul3A_78 : i32
    %add3A_80 = arith.constant 40960 : i32
    %add3A_81 = arith.addi %mul3A_79, %add3A_80 : i32
    %dma_start3A_82 = tpu.memref_slice %arg2[%add3A_81] : memref<3276800xi32, #tpu.memory_space<hbm>> -> memref<10240xi32, #tpu.memory_space<hbm>>
    %dma_start3A_83 = tpu.memref_slice %arg2[%add3A_81] : memref<3276800xi32, #tpu.memory_space<hbm>> -> memref<10240xi32, #tpu.memory_space<hbm>>
    tpu.enqueue_dma source(%dma_start3A_83 : memref<10240xi32, #tpu.memory_space<hbm>>) target(%arg5 : memref<10240xi32, #tpu.memory_space<vmem>>) target_semaphore(%arg12 : memref<!tpu.dma_semaphore, #tpu.memory_space<semaphore_mem>>)
    %scan3A_84 = arith.constant 0 : i32
    %scan3A_85 = arith.constant 0 : i32
    %scan3A_86 = arith.constant 4 : i32
    %scan3A_87 = arith.addi %scan3A_85, %scan3A_86 : i32
    %scan3A_88 = arith.constant 1 : i32
    %scan3A_89 = scf.for %scan3A_207 = %scan3A_85 to %scan3A_87 step %scan3A_88 iter_args(%scan3A_208 = %scan3A_84) -> (i32)  : i32 {
      %mul3A_209 = arith.constant 5 : i32
      %mul3A_210 = arith.muli %mul3A_209, %scan3A_207 : i32
      %add3A_211 = arith.constant 0 : i32
      %add3A_212 = arith.addi %mul3A_210, %add3A_211 : i32
      %mul3A_213 = arith.constant 512 : i32
      %mul3A_214 = arith.muli %add3A_212, %mul3A_213 : i32
      %dma_wait3A_215 = tpu.memref_slice %arg6[%mul3A_214] : memref<10240xi32, #tpu.memory_space<vmem>> -> memref<512xi32, #tpu.memory_space<vmem>>
      %dma_wait3A_216 = arith.constant 0 : i32
      %dma_wait3A_217 = arith.constant 0 : i32
      %dma_wait3A_218 = tpu.memref_slice %arg3[%dma_wait3A_216, %dma_wait3A_217] : memref<1000001x32xf32, #tpu.memory_space<hbm>> -> memref<1000001x32xf32, #tpu.memory_space<hbm>>
      tpu.wait_indirect_dma semaphore(%arg13 : memref<!tpu.dma_semaphore, #tpu.memory_space<semaphore_mem>>) src(%dma_wait3A_218 : memref<1000001x32xf32, #tpu.memory_space<hbm>>) dst(%arg7 : memref<512x32xf32, #tpu.memory_space<vmem>>)
      %dma_start3A_219 = tpu.memref_slice %arg6[%mul3A_214] : memref<10240xi32, #tpu.memory_space<vmem>> -> memref<512xi32, #tpu.memory_space<vmem>>
      %dma_start3A_220 = arith.constant 0 : i32
      %dma_start3A_221 = arith.constant 0 : i32
      %dma_start3A_222 = tpu.memref_slice %arg3[%dma_start3A_220, %dma_start3A_221] : memref<1000001x32xf32, #tpu.memory_space<hbm>> -> memref<1000001x32xf32, #tpu.memory_space<hbm>>
      tpu.enqueue_indirect_dma source(%dma_start3A_222 : memref<1000001x32xf32, #tpu.memory_space<hbm>>) target(%arg7 : memref<512x32xf32, #tpu.memory_space<vmem>>) offsets(%dma_start3A_219 : memref<512xi32, #tpu.memory_space<vmem>>) semaphore(%arg13 : memref<!tpu.dma_semaphore, #tpu.memory_space<semaphore_mem>>) {add = true}
      %mul3A_223 = arith.constant 5 : i32
      %mul3A_224 = arith.muli %mul3A_223, %scan3A_207 : i32
      %add3A_225 = arith.constant 1 : i32
      %add3A_226 = arith.addi %mul3A_224, %add3A_225 : i32
      %mul3A_227 = arith.constant 512 : i32
      %mul3A_228 = arith.muli %add3A_226, %mul3A_227 : i32
      %dma_wait3A_229 = tpu.memref_slice %arg6[%mul3A_228] : memref<10240xi32, #tpu.memory_space<vmem>> -> memref<512xi32, #tpu.memory_space<vmem>>
      %dma_wait3A_230 = arith.constant 0 : i32
      %dma_wait3A_231 = arith.constant 0 : i32
      %dma_wait3A_232 = tpu.memref_slice %arg3[%dma_wait3A_230, %dma_wait3A_231] : memref<1000001x32xf32, #tpu.memory_space<hbm>> -> memref<1000001x32xf32, #tpu.memory_space<hbm>>
      tpu.wait_indirect_dma semaphore(%arg14 : memref<!tpu.dma_semaphore, #tpu.memory_space<semaphore_mem>>) src(%dma_wait3A_232 : memref<1000001x32xf32, #tpu.memory_space<hbm>>) dst(%arg8 : memref<512x32xf32, #tpu.memory_space<vmem>>)
      %dma_start3A_233 = tpu.memref_slice %arg6[%mul3A_228] : memref<10240xi32, #tpu.memory_space<vmem>> -> memref<512xi32, #tpu.memory_space<vmem>>
      %dma_start3A_234 = arith.constant 0 : i32
      %dma_start3A_235 = arith.constant 0 : i32
      %dma_start3A_236 = tpu.memref_slice %arg3[%dma_start3A_234, %dma_start3A_235] : memref<1000001x32xf32, #tpu.memory_space<hbm>> -> memref<1000001x32xf32, #tpu.memory_space<hbm>>
      tpu.enqueue_indirect_dma source(%dma_start3A_236 : memref<1000001x32xf32, #tpu.memory_space<hbm>>) target(%arg8 : memref<512x32xf32, #tpu.memory_space<vmem>>) offsets(%dma_start3A_233 : memref<512xi32, #tpu.memory_space<vmem>>) semaphore(%arg14 : memref<!tpu.dma_semaphore, #tpu.memory_space<semaphore_mem>>) {add = true}
      %mul3A_237 = arith.constant 5 : i32
      %mul3A_238 = arith.muli %mul3A_237, %scan3A_207 : i32
      %add3A_239 = arith.constant 2 : i32
      %add3A_240 = arith.addi %mul3A_238, %add3A_239 : i32
      %mul3A_241 = arith.constant 512 : i32
      %mul3A_242 = arith.muli %add3A_240, %mul3A_241 : i32
      %dma_wait3A_243 = tpu.memref_slice %arg6[%mul3A_242] : memref<10240xi32, #tpu.memory_space<vmem>> -> memref<512xi32, #tpu.memory_space<vmem>>
      %dma_wait3A_244 = arith.constant 0 : i32
      %dma_wait3A_245 = arith.constant 0 : i32
      %dma_wait3A_246 = tpu.memref_slice %arg3[%dma_wait3A_244, %dma_wait3A_245] : memref<1000001x32xf32, #tpu.memory_space<hbm>> -> memref<1000001x32xf32, #tpu.memory_space<hbm>>
      tpu.wait_indirect_dma semaphore(%arg15 : memref<!tpu.dma_semaphore, #tpu.memory_space<semaphore_mem>>) src(%dma_wait3A_246 : memref<1000001x32xf32, #tpu.memory_space<hbm>>) dst(%arg9 : memref<512x32xf32, #tpu.memory_space<vmem>>)
      %dma_start3A_247 = tpu.memref_slice %arg6[%mul3A_242] : memref<10240xi32, #tpu.memory_space<vmem>> -> memref<512xi32, #tpu.memory_space<vmem>>
      %dma_start3A_248 = arith.constant 0 : i32
      %dma_start3A_249 = arith.constant 0 : i32
      %dma_start3A_250 = tpu.memref_slice %arg3[%dma_start3A_248, %dma_start3A_249] : memref<1000001x32xf32, #tpu.memory_space<hbm>> -> memref<1000001x32xf32, #tpu.memory_space<hbm>>
      tpu.enqueue_indirect_dma source(%dma_start3A_250 : memref<1000001x32xf32, #tpu.memory_space<hbm>>) target(%arg9 : memref<512x32xf32, #tpu.memory_space<vmem>>) offsets(%dma_start3A_247 : memref<512xi32, #tpu.memory_space<vmem>>) semaphore(%arg15 : memref<!tpu.dma_semaphore, #tpu.memory_space<semaphore_mem>>) {add = true}
      %mul3A_251 = arith.constant 5 : i32
      %mul3A_252 = arith.muli %mul3A_251, %scan3A_207 : i32
      %add3A_253 = arith.constant 3 : i32
      %add3A_254 = arith.addi %mul3A_252, %add3A_253 : i32
      %mul3A_255 = arith.constant 512 : i32
      %mul3A_256 = arith.muli %add3A_254, %mul3A_255 : i32
      %dma_wait3A_257 = tpu.memref_slice %arg6[%mul3A_256] : memref<10240xi32, #tpu.memory_space<vmem>> -> memref<512xi32, #tpu.memory_space<vmem>>
      %dma_wait3A_258 = arith.constant 0 : i32
      %dma_wait3A_259 = arith.constant 0 : i32
      %dma_wait3A_260 = tpu.memref_slice %arg3[%dma_wait3A_258, %dma_wait3A_259] : memref<1000001x32xf32, #tpu.memory_space<hbm>> -> memref<1000001x32xf32, #tpu.memory_space<hbm>>
      tpu.wait_indirect_dma semaphore(%arg16 : memref<!tpu.dma_semaphore, #tpu.memory_space<semaphore_mem>>) src(%dma_wait3A_260 : memref<1000001x32xf32, #tpu.memory_space<hbm>>) dst(%arg10 : memref<512x32xf32, #tpu.memory_space<vmem>>)
      %dma_start3A_261 = tpu.memref_slice %arg6[%mul3A_256] : memref<10240xi32, #tpu.memory_space<vmem>> -> memref<512xi32, #tpu.memory_space<vmem>>
      %dma_start3A_262 = arith.constant 0 : i32
      %dma_start3A_263 = arith.constant 0 : i32
      %dma_start3A_264 = tpu.memref_slice %arg3[%dma_start3A_262, %dma_start3A_263] : memref<1000001x32xf32, #tpu.memory_space<hbm>> -> memref<1000001x32xf32, #tpu.memory_space<hbm>>
      tpu.enqueue_indirect_dma source(%dma_start3A_264 : memref<1000001x32xf32, #tpu.memory_space<hbm>>) target(%arg10 : memref<512x32xf32, #tpu.memory_space<vmem>>) offsets(%dma_start3A_261 : memref<512xi32, #tpu.memory_space<vmem>>) semaphore(%arg16 : memref<!tpu.dma_semaphore, #tpu.memory_space<semaphore_mem>>) {add = true}
      %mul3A_265 = arith.constant 5 : i32
      %mul3A_266 = arith.muli %mul3A_265, %scan3A_207 : i32
      %add3A_267 = arith.constant 4 : i32
      %add3A_268 = arith.addi %mul3A_266, %add3A_267 : i32
      %mul3A_269 = arith.constant 512 : i32
      %mul3A_270 = arith.muli %add3A_268, %mul3A_269 : i32
      %dma_wait3A_271 = tpu.memref_slice %arg6[%mul3A_270] : memref<10240xi32, #tpu.memory_space<vmem>> -> memref<512xi32, #tpu.memory_space<vmem>>
      %dma_wait3A_272 = arith.constant 0 : i32
      %dma_wait3A_273 = arith.constant 0 : i32
      %dma_wait3A_274 = tpu.memref_slice %arg3[%dma_wait3A_272, %dma_wait3A_273] : memref<1000001x32xf32, #tpu.memory_space<hbm>> -> memref<1000001x32xf32, #tpu.memory_space<hbm>>
      tpu.wait_indirect_dma semaphore(%arg17 : memref<!tpu.dma_semaphore, #tpu.memory_space<semaphore_mem>>) src(%dma_wait3A_274 : memref<1000001x32xf32, #tpu.memory_space<hbm>>) dst(%arg11 : memref<512x32xf32, #tpu.memory_space<vmem>>)
      %dma_start3A_275 = tpu.memref_slice %arg6[%mul3A_270] : memref<10240xi32, #tpu.memory_space<vmem>> -> memref<512xi32, #tpu.memory_space<vmem>>
      %dma_start3A_276 = arith.constant 0 : i32
      %dma_start3A_277 = arith.constant 0 : i32
      %dma_start3A_278 = tpu.memref_slice %arg3[%dma_start3A_276, %dma_start3A_277] : memref<1000001x32xf32, #tpu.memory_space<hbm>> -> memref<1000001x32xf32, #tpu.memory_space<hbm>>
      tpu.enqueue_indirect_dma source(%dma_start3A_278 : memref<1000001x32xf32, #tpu.memory_space<hbm>>) target(%arg11 : memref<512x32xf32, #tpu.memory_space<vmem>>) offsets(%dma_start3A_275 : memref<512xi32, #tpu.memory_space<vmem>>) semaphore(%arg17 : memref<!tpu.dma_semaphore, #tpu.memory_space<semaphore_mem>>) {add = true}
      %scan3A_279 = arith.constant 0 : i32
      scf.yield %scan3A_279 : i32
    }
    %scan3A_90 = arith.constant 4 : i32
    %dma_wait3A_91 = tpu.memref_slice %arg2[%add3A_81] : memref<3276800xi32, #tpu.memory_space<hbm>> -> memref<10240xi32, #tpu.memory_space<hbm>>
    %dma_wait3A_92 = tpu.memref_slice %arg2[%add3A_81] : memref<3276800xi32, #tpu.memory_space<hbm>> -> memref<10240xi32, #tpu.memory_space<hbm>>
    tpu.wait_dma2 semaphore(%arg12 : memref<!tpu.dma_semaphore, #tpu.memory_space<semaphore_mem>>) src(%dma_wait3A_92 : memref<10240xi32, #tpu.memory_space<hbm>>) dst(%arg5 : memref<10240xi32, #tpu.memory_space<vmem>>)
    %mul3A_93 = arith.constant 102400 : i32
    %mul3A_94 = arith.muli %add3A, %mul3A_93 : i32
    %add3A_95 = arith.constant 51200 : i32
    %add3A_96 = arith.addi %mul3A_94, %add3A_95 : i32
    %dma_start3A_97 = tpu.memref_slice %arg2[%add3A_96] : memref<3276800xi32, #tpu.memory_space<hbm>> -> memref<10240xi32, #tpu.memory_space<hbm>>
    %dma_start3A_98 = tpu.memref_slice %arg2[%add3A_96] : memref<3276800xi32, #tpu.memory_space<hbm>> -> memref<10240xi32, #tpu.memory_space<hbm>>
    tpu.enqueue_dma source(%dma_start3A_98 : memref<10240xi32, #tpu.memory_space<hbm>>) target(%arg6 : memref<10240xi32, #tpu.memory_space<vmem>>) target_semaphore(%arg12 : memref<!tpu.dma_semaphore, #tpu.memory_space<semaphore_mem>>)
    %scan3A_99 = arith.constant 0 : i32
    %scan3A_100 = arith.constant 0 : i32
    %scan3A_101 = arith.constant 4 : i32
    %scan3A_102 = arith.addi %scan3A_100, %scan3A_101 : i32
    %scan3A_103 = arith.constant 1 : i32
    %scan3A_104 = scf.for %scan3A_207 = %scan3A_100 to %scan3A_102 step %scan3A_103 iter_args(%scan3A_208 = %scan3A_99) -> (i32)  : i32 {
      %mul3A_209 = arith.constant 5 : i32
      %mul3A_210 = arith.muli %mul3A_209, %scan3A_207 : i32
      %add3A_211 = arith.constant 0 : i32
      %add3A_212 = arith.addi %mul3A_210, %add3A_211 : i32
      %mul3A_213 = arith.constant 512 : i32
      %mul3A_214 = arith.muli %add3A_212, %mul3A_213 : i32
      %dma_wait3A_215 = tpu.memref_slice %arg5[%mul3A_214] : memref<10240xi32, #tpu.memory_space<vmem>> -> memref<512xi32, #tpu.memory_space<vmem>>
      %dma_wait3A_216 = arith.constant 0 : i32
      %dma_wait3A_217 = arith.constant 0 : i32
      %dma_wait3A_218 = tpu.memref_slice %arg3[%dma_wait3A_216, %dma_wait3A_217] : memref<1000001x32xf32, #tpu.memory_space<hbm>> -> memref<1000001x32xf32, #tpu.memory_space<hbm>>
      tpu.wait_indirect_dma semaphore(%arg13 : memref<!tpu.dma_semaphore, #tpu.memory_space<semaphore_mem>>) src(%dma_wait3A_218 : memref<1000001x32xf32, #tpu.memory_space<hbm>>) dst(%arg7 : memref<512x32xf32, #tpu.memory_space<vmem>>)
      %dma_start3A_219 = tpu.memref_slice %arg5[%mul3A_214] : memref<10240xi32, #tpu.memory_space<vmem>> -> memref<512xi32, #tpu.memory_space<vmem>>
      %dma_start3A_220 = arith.constant 0 : i32
      %dma_start3A_221 = arith.constant 0 : i32
      %dma_start3A_222 = tpu.memref_slice %arg3[%dma_start3A_220, %dma_start3A_221] : memref<1000001x32xf32, #tpu.memory_space<hbm>> -> memref<1000001x32xf32, #tpu.memory_space<hbm>>
      tpu.enqueue_indirect_dma source(%dma_start3A_222 : memref<1000001x32xf32, #tpu.memory_space<hbm>>) target(%arg7 : memref<512x32xf32, #tpu.memory_space<vmem>>) offsets(%dma_start3A_219 : memref<512xi32, #tpu.memory_space<vmem>>) semaphore(%arg13 : memref<!tpu.dma_semaphore, #tpu.memory_space<semaphore_mem>>) {add = true}
      %mul3A_223 = arith.constant 5 : i32
      %mul3A_224 = arith.muli %mul3A_223, %scan3A_207 : i32
      %add3A_225 = arith.constant 1 : i32
      %add3A_226 = arith.addi %mul3A_224, %add3A_225 : i32
      %mul3A_227 = arith.constant 512 : i32
      %mul3A_228 = arith.muli %add3A_226, %mul3A_227 : i32
      %dma_wait3A_229 = tpu.memref_slice %arg5[%mul3A_228] : memref<10240xi32, #tpu.memory_space<vmem>> -> memref<512xi32, #tpu.memory_space<vmem>>
      %dma_wait3A_230 = arith.constant 0 : i32
      %dma_wait3A_231 = arith.constant 0 : i32
      %dma_wait3A_232 = tpu.memref_slice %arg3[%dma_wait3A_230, %dma_wait3A_231] : memref<1000001x32xf32, #tpu.memory_space<hbm>> -> memref<1000001x32xf32, #tpu.memory_space<hbm>>
      tpu.wait_indirect_dma semaphore(%arg14 : memref<!tpu.dma_semaphore, #tpu.memory_space<semaphore_mem>>) src(%dma_wait3A_232 : memref<1000001x32xf32, #tpu.memory_space<hbm>>) dst(%arg8 : memref<512x32xf32, #tpu.memory_space<vmem>>)
      %dma_start3A_233 = tpu.memref_slice %arg5[%mul3A_228] : memref<10240xi32, #tpu.memory_space<vmem>> -> memref<512xi32, #tpu.memory_space<vmem>>
      %dma_start3A_234 = arith.constant 0 : i32
      %dma_start3A_235 = arith.constant 0 : i32
      %dma_start3A_236 = tpu.memref_slice %arg3[%dma_start3A_234, %dma_start3A_235] : memref<1000001x32xf32, #tpu.memory_space<hbm>> -> memref<1000001x32xf32, #tpu.memory_space<hbm>>
      tpu.enqueue_indirect_dma source(%dma_start3A_236 : memref<1000001x32xf32, #tpu.memory_space<hbm>>) target(%arg8 : memref<512x32xf32, #tpu.memory_space<vmem>>) offsets(%dma_start3A_233 : memref<512xi32, #tpu.memory_space<vmem>>) semaphore(%arg14 : memref<!tpu.dma_semaphore, #tpu.memory_space<semaphore_mem>>) {add = true}
      %mul3A_237 = arith.constant 5 : i32
      %mul3A_238 = arith.muli %mul3A_237, %scan3A_207 : i32
      %add3A_239 = arith.constant 2 : i32
      %add3A_240 = arith.addi %mul3A_238, %add3A_239 : i32
      %mul3A_241 = arith.constant 512 : i32
      %mul3A_242 = arith.muli %add3A_240, %mul3A_241 : i32
      %dma_wait3A_243 = tpu.memref_slice %arg5[%mul3A_242] : memref<10240xi32, #tpu.memory_space<vmem>> -> memref<512xi32, #tpu.memory_space<vmem>>
      %dma_wait3A_244 = arith.constant 0 : i32
      %dma_wait3A_245 = arith.constant 0 : i32
      %dma_wait3A_246 = tpu.memref_slice %arg3[%dma_wait3A_244, %dma_wait3A_245] : memref<1000001x32xf32, #tpu.memory_space<hbm>> -> memref<1000001x32xf32, #tpu.memory_space<hbm>>
      tpu.wait_indirect_dma semaphore(%arg15 : memref<!tpu.dma_semaphore, #tpu.memory_space<semaphore_mem>>) src(%dma_wait3A_246 : memref<1000001x32xf32, #tpu.memory_space<hbm>>) dst(%arg9 : memref<512x32xf32, #tpu.memory_space<vmem>>)
      %dma_start3A_247 = tpu.memref_slice %arg5[%mul3A_242] : memref<10240xi32, #tpu.memory_space<vmem>> -> memref<512xi32, #tpu.memory_space<vmem>>
      %dma_start3A_248 = arith.constant 0 : i32
      %dma_start3A_249 = arith.constant 0 : i32
      %dma_start3A_250 = tpu.memref_slice %arg3[%dma_start3A_248, %dma_start3A_249] : memref<1000001x32xf32, #tpu.memory_space<hbm>> -> memref<1000001x32xf32, #tpu.memory_space<hbm>>
      tpu.enqueue_indirect_dma source(%dma_start3A_250 : memref<1000001x32xf32, #tpu.memory_space<hbm>>) target(%arg9 : memref<512x32xf32, #tpu.memory_space<vmem>>) offsets(%dma_start3A_247 : memref<512xi32, #tpu.memory_space<vmem>>) semaphore(%arg15 : memref<!tpu.dma_semaphore, #tpu.memory_space<semaphore_mem>>) {add = true}
      %mul3A_251 = arith.constant 5 : i32
      %mul3A_252 = arith.muli %mul3A_251, %scan3A_207 : i32
      %add3A_253 = arith.constant 3 : i32
      %add3A_254 = arith.addi %mul3A_252, %add3A_253 : i32
      %mul3A_255 = arith.constant 512 : i32
      %mul3A_256 = arith.muli %add3A_254, %mul3A_255 : i32
      %dma_wait3A_257 = tpu.memref_slice %arg5[%mul3A_256] : memref<10240xi32, #tpu.memory_space<vmem>> -> memref<512xi32, #tpu.memory_space<vmem>>
      %dma_wait3A_258 = arith.constant 0 : i32
      %dma_wait3A_259 = arith.constant 0 : i32
      %dma_wait3A_260 = tpu.memref_slice %arg3[%dma_wait3A_258, %dma_wait3A_259] : memref<1000001x32xf32, #tpu.memory_space<hbm>> -> memref<1000001x32xf32, #tpu.memory_space<hbm>>
      tpu.wait_indirect_dma semaphore(%arg16 : memref<!tpu.dma_semaphore, #tpu.memory_space<semaphore_mem>>) src(%dma_wait3A_260 : memref<1000001x32xf32, #tpu.memory_space<hbm>>) dst(%arg10 : memref<512x32xf32, #tpu.memory_space<vmem>>)
      %dma_start3A_261 = tpu.memref_slice %arg5[%mul3A_256] : memref<10240xi32, #tpu.memory_space<vmem>> -> memref<512xi32, #tpu.memory_space<vmem>>
      %dma_start3A_262 = arith.constant 0 : i32
      %dma_start3A_263 = arith.constant 0 : i32
      %dma_start3A_264 = tpu.memref_slice %arg3[%dma_start3A_262, %dma_start3A_263] : memref<1000001x32xf32, #tpu.memory_space<hbm>> -> memref<1000001x32xf32, #tpu.memory_space<hbm>>
      tpu.enqueue_indirect_dma source(%dma_start3A_264 : memref<1000001x32xf32, #tpu.memory_space<hbm>>) target(%arg10 : memref<512x32xf32, #tpu.memory_space<vmem>>) offsets(%dma_start3A_261 : memref<512xi32, #tpu.memory_space<vmem>>) semaphore(%arg16 : memref<!tpu.dma_semaphore, #tpu.memory_space<semaphore_mem>>) {add = true}
      %mul3A_265 = arith.constant 5 : i32
      %mul3A_266 = arith.muli %mul3A_265, %scan3A_207 : i32
      %add3A_267 = arith.constant 4 : i32
      %add3A_268 = arith.addi %mul3A_266, %add3A_267 : i32
      %mul3A_269 = arith.constant 512 : i32
      %mul3A_270 = arith.muli %add3A_268, %mul3A_269 : i32
      %dma_wait3A_271 = tpu.memref_slice %arg5[%mul3A_270] : memref<10240xi32, #tpu.memory_space<vmem>> -> memref<512xi32, #tpu.memory_space<vmem>>
      %dma_wait3A_272 = arith.constant 0 : i32
      %dma_wait3A_273 = arith.constant 0 : i32
      %dma_wait3A_274 = tpu.memref_slice %arg3[%dma_wait3A_272, %dma_wait3A_273] : memref<1000001x32xf32, #tpu.memory_space<hbm>> -> memref<1000001x32xf32, #tpu.memory_space<hbm>>
      tpu.wait_indirect_dma semaphore(%arg17 : memref<!tpu.dma_semaphore, #tpu.memory_space<semaphore_mem>>) src(%dma_wait3A_274 : memref<1000001x32xf32, #tpu.memory_space<hbm>>) dst(%arg11 : memref<512x32xf32, #tpu.memory_space<vmem>>)
      %dma_start3A_275 = tpu.memref_slice %arg5[%mul3A_270] : memref<10240xi32, #tpu.memory_space<vmem>> -> memref<512xi32, #tpu.memory_space<vmem>>
      %dma_start3A_276 = arith.constant 0 : i32
      %dma_start3A_277 = arith.constant 0 : i32
      %dma_start3A_278 = tpu.memref_slice %arg3[%dma_start3A_276, %dma_start3A_277] : memref<1000001x32xf32, #tpu.memory_space<hbm>> -> memref<1000001x32xf32, #tpu.memory_space<hbm>>
      tpu.enqueue_indirect_dma source(%dma_start3A_278 : memref<1000001x32xf32, #tpu.memory_space<hbm>>) target(%arg11 : memref<512x32xf32, #tpu.memory_space<vmem>>) offsets(%dma_start3A_275 : memref<512xi32, #tpu.memory_space<vmem>>) semaphore(%arg17 : memref<!tpu.dma_semaphore, #tpu.memory_space<semaphore_mem>>) {add = true}
      %scan3A_279 = arith.constant 0 : i32
      scf.yield %scan3A_279 : i32
    }
    %scan3A_105 = arith.constant 4 : i32
    %dma_wait3A_106 = tpu.memref_slice %arg2[%add3A_96] : memref<3276800xi32, #tpu.memory_space<hbm>> -> memref<10240xi32, #tpu.memory_space<hbm>>
    %dma_wait3A_107 = tpu.memref_slice %arg2[%add3A_96] : memref<3276800xi32, #tpu.memory_space<hbm>> -> memref<10240xi32, #tpu.memory_space<hbm>>
    tpu.wait_dma2 semaphore(%arg12 : memref<!tpu.dma_semaphore, #tpu.memory_space<semaphore_mem>>) src(%dma_wait3A_107 : memref<10240xi32, #tpu.memory_space<hbm>>) dst(%arg6 : memref<10240xi32, #tpu.memory_space<vmem>>)
    %mul3A_108 = arith.constant 102400 : i32
    %mul3A_109 = arith.muli %add3A, %mul3A_108 : i32
    %add3A_110 = arith.constant 61440 : i32
    %add3A_111 = arith.addi %mul3A_109, %add3A_110 : i32
    %dma_start3A_112 = tpu.memref_slice %arg2[%add3A_111] : memref<3276800xi32, #tpu.memory_space<hbm>> -> memref<10240xi32, #tpu.memory_space<hbm>>
    %dma_start3A_113 = tpu.memref_slice %arg2[%add3A_111] : memref<3276800xi32, #tpu.memory_space<hbm>> -> memref<10240xi32, #tpu.memory_space<hbm>>
    tpu.enqueue_dma source(%dma_start3A_113 : memref<10240xi32, #tpu.memory_space<hbm>>) target(%arg5 : memref<10240xi32, #tpu.memory_space<vmem>>) target_semaphore(%arg12 : memref<!tpu.dma_semaphore, #tpu.memory_space<semaphore_mem>>)
    %scan3A_114 = arith.constant 0 : i32
    %scan3A_115 = arith.constant 0 : i32
    %scan3A_116 = arith.constant 4 : i32
    %scan3A_117 = arith.addi %scan3A_115, %scan3A_116 : i32
    %scan3A_118 = arith.constant 1 : i32
    %scan3A_119 = scf.for %scan3A_207 = %scan3A_115 to %scan3A_117 step %scan3A_118 iter_args(%scan3A_208 = %scan3A_114) -> (i32)  : i32 {
      %mul3A_209 = arith.constant 5 : i32
      %mul3A_210 = arith.muli %mul3A_209, %scan3A_207 : i32
      %add3A_211 = arith.constant 0 : i32
      %add3A_212 = arith.addi %mul3A_210, %add3A_211 : i32
      %mul3A_213 = arith.constant 512 : i32
      %mul3A_214 = arith.muli %add3A_212, %mul3A_213 : i32
      %dma_wait3A_215 = tpu.memref_slice %arg6[%mul3A_214] : memref<10240xi32, #tpu.memory_space<vmem>> -> memref<512xi32, #tpu.memory_space<vmem>>
      %dma_wait3A_216 = arith.constant 0 : i32
      %dma_wait3A_217 = arith.constant 0 : i32
      %dma_wait3A_218 = tpu.memref_slice %arg3[%dma_wait3A_216, %dma_wait3A_217] : memref<1000001x32xf32, #tpu.memory_space<hbm>> -> memref<1000001x32xf32, #tpu.memory_space<hbm>>
      tpu.wait_indirect_dma semaphore(%arg13 : memref<!tpu.dma_semaphore, #tpu.memory_space<semaphore_mem>>) src(%dma_wait3A_218 : memref<1000001x32xf32, #tpu.memory_space<hbm>>) dst(%arg7 : memref<512x32xf32, #tpu.memory_space<vmem>>)
      %dma_start3A_219 = tpu.memref_slice %arg6[%mul3A_214] : memref<10240xi32, #tpu.memory_space<vmem>> -> memref<512xi32, #tpu.memory_space<vmem>>
      %dma_start3A_220 = arith.constant 0 : i32
      %dma_start3A_221 = arith.constant 0 : i32
      %dma_start3A_222 = tpu.memref_slice %arg3[%dma_start3A_220, %dma_start3A_221] : memref<1000001x32xf32, #tpu.memory_space<hbm>> -> memref<1000001x32xf32, #tpu.memory_space<hbm>>
      tpu.enqueue_indirect_dma source(%dma_start3A_222 : memref<1000001x32xf32, #tpu.memory_space<hbm>>) target(%arg7 : memref<512x32xf32, #tpu.memory_space<vmem>>) offsets(%dma_start3A_219 : memref<512xi32, #tpu.memory_space<vmem>>) semaphore(%arg13 : memref<!tpu.dma_semaphore, #tpu.memory_space<semaphore_mem>>) {add = true}
      %mul3A_223 = arith.constant 5 : i32
      %mul3A_224 = arith.muli %mul3A_223, %scan3A_207 : i32
      %add3A_225 = arith.constant 1 : i32
      %add3A_226 = arith.addi %mul3A_224, %add3A_225 : i32
      %mul3A_227 = arith.constant 512 : i32
      %mul3A_228 = arith.muli %add3A_226, %mul3A_227 : i32
      %dma_wait3A_229 = tpu.memref_slice %arg6[%mul3A_228] : memref<10240xi32, #tpu.memory_space<vmem>> -> memref<512xi32, #tpu.memory_space<vmem>>
      %dma_wait3A_230 = arith.constant 0 : i32
      %dma_wait3A_231 = arith.constant 0 : i32
      %dma_wait3A_232 = tpu.memref_slice %arg3[%dma_wait3A_230, %dma_wait3A_231] : memref<1000001x32xf32, #tpu.memory_space<hbm>> -> memref<1000001x32xf32, #tpu.memory_space<hbm>>
      tpu.wait_indirect_dma semaphore(%arg14 : memref<!tpu.dma_semaphore, #tpu.memory_space<semaphore_mem>>) src(%dma_wait3A_232 : memref<1000001x32xf32, #tpu.memory_space<hbm>>) dst(%arg8 : memref<512x32xf32, #tpu.memory_space<vmem>>)
      %dma_start3A_233 = tpu.memref_slice %arg6[%mul3A_228] : memref<10240xi32, #tpu.memory_space<vmem>> -> memref<512xi32, #tpu.memory_space<vmem>>
      %dma_start3A_234 = arith.constant 0 : i32
      %dma_start3A_235 = arith.constant 0 : i32
      %dma_start3A_236 = tpu.memref_slice %arg3[%dma_start3A_234, %dma_start3A_235] : memref<1000001x32xf32, #tpu.memory_space<hbm>> -> memref<1000001x32xf32, #tpu.memory_space<hbm>>
      tpu.enqueue_indirect_dma source(%dma_start3A_236 : memref<1000001x32xf32, #tpu.memory_space<hbm>>) target(%arg8 : memref<512x32xf32, #tpu.memory_space<vmem>>) offsets(%dma_start3A_233 : memref<512xi32, #tpu.memory_space<vmem>>) semaphore(%arg14 : memref<!tpu.dma_semaphore, #tpu.memory_space<semaphore_mem>>) {add = true}
      %mul3A_237 = arith.constant 5 : i32
      %mul3A_238 = arith.muli %mul3A_237, %scan3A_207 : i32
      %add3A_239 = arith.constant 2 : i32
      %add3A_240 = arith.addi %mul3A_238, %add3A_239 : i32
      %mul3A_241 = arith.constant 512 : i32
      %mul3A_242 = arith.muli %add3A_240, %mul3A_241 : i32
      %dma_wait3A_243 = tpu.memref_slice %arg6[%mul3A_242] : memref<10240xi32, #tpu.memory_space<vmem>> -> memref<512xi32, #tpu.memory_space<vmem>>
      %dma_wait3A_244 = arith.constant 0 : i32
      %dma_wait3A_245 = arith.constant 0 : i32
      %dma_wait3A_246 = tpu.memref_slice %arg3[%dma_wait3A_244, %dma_wait3A_245] : memref<1000001x32xf32, #tpu.memory_space<hbm>> -> memref<1000001x32xf32, #tpu.memory_space<hbm>>
      tpu.wait_indirect_dma semaphore(%arg15 : memref<!tpu.dma_semaphore, #tpu.memory_space<semaphore_mem>>) src(%dma_wait3A_246 : memref<1000001x32xf32, #tpu.memory_space<hbm>>) dst(%arg9 : memref<512x32xf32, #tpu.memory_space<vmem>>)
      %dma_start3A_247 = tpu.memref_slice %arg6[%mul3A_242] : memref<10240xi32, #tpu.memory_space<vmem>> -> memref<512xi32, #tpu.memory_space<vmem>>
      %dma_start3A_248 = arith.constant 0 : i32
      %dma_start3A_249 = arith.constant 0 : i32
      %dma_start3A_250 = tpu.memref_slice %arg3[%dma_start3A_248, %dma_start3A_249] : memref<1000001x32xf32, #tpu.memory_space<hbm>> -> memref<1000001x32xf32, #tpu.memory_space<hbm>>
      tpu.enqueue_indirect_dma source(%dma_start3A_250 : memref<1000001x32xf32, #tpu.memory_space<hbm>>) target(%arg9 : memref<512x32xf32, #tpu.memory_space<vmem>>) offsets(%dma_start3A_247 : memref<512xi32, #tpu.memory_space<vmem>>) semaphore(%arg15 : memref<!tpu.dma_semaphore, #tpu.memory_space<semaphore_mem>>) {add = true}
      %mul3A_251 = arith.constant 5 : i32
      %mul3A_252 = arith.muli %mul3A_251, %scan3A_207 : i32
      %add3A_253 = arith.constant 3 : i32
      %add3A_254 = arith.addi %mul3A_252, %add3A_253 : i32
      %mul3A_255 = arith.constant 512 : i32
      %mul3A_256 = arith.muli %add3A_254, %mul3A_255 : i32
      %dma_wait3A_257 = tpu.memref_slice %arg6[%mul3A_256] : memref<10240xi32, #tpu.memory_space<vmem>> -> memref<512xi32, #tpu.memory_space<vmem>>
      %dma_wait3A_258 = arith.constant 0 : i32
      %dma_wait3A_259 = arith.constant 0 : i32
      %dma_wait3A_260 = tpu.memref_slice %arg3[%dma_wait3A_258, %dma_wait3A_259] : memref<1000001x32xf32, #tpu.memory_space<hbm>> -> memref<1000001x32xf32, #tpu.memory_space<hbm>>
      tpu.wait_indirect_dma semaphore(%arg16 : memref<!tpu.dma_semaphore, #tpu.memory_space<semaphore_mem>>) src(%dma_wait3A_260 : memref<1000001x32xf32, #tpu.memory_space<hbm>>) dst(%arg10 : memref<512x32xf32, #tpu.memory_space<vmem>>)
      %dma_start3A_261 = tpu.memref_slice %arg6[%mul3A_256] : memref<10240xi32, #tpu.memory_space<vmem>> -> memref<512xi32, #tpu.memory_space<vmem>>
      %dma_start3A_262 = arith.constant 0 : i32
      %dma_start3A_263 = arith.constant 0 : i32
      %dma_start3A_264 = tpu.memref_slice %arg3[%dma_start3A_262, %dma_start3A_263] : memref<1000001x32xf32, #tpu.memory_space<hbm>> -> memref<1000001x32xf32, #tpu.memory_space<hbm>>
      tpu.enqueue_indirect_dma source(%dma_start3A_264 : memref<1000001x32xf32, #tpu.memory_space<hbm>>) target(%arg10 : memref<512x32xf32, #tpu.memory_space<vmem>>) offsets(%dma_start3A_261 : memref<512xi32, #tpu.memory_space<vmem>>) semaphore(%arg16 : memref<!tpu.dma_semaphore, #tpu.memory_space<semaphore_mem>>) {add = true}
      %mul3A_265 = arith.constant 5 : i32
      %mul3A_266 = arith.muli %mul3A_265, %scan3A_207 : i32
      %add3A_267 = arith.constant 4 : i32
      %add3A_268 = arith.addi %mul3A_266, %add3A_267 : i32
      %mul3A_269 = arith.constant 512 : i32
      %mul3A_270 = arith.muli %add3A_268, %mul3A_269 : i32
      %dma_wait3A_271 = tpu.memref_slice %arg6[%mul3A_270] : memref<10240xi32, #tpu.memory_space<vmem>> -> memref<512xi32, #tpu.memory_space<vmem>>
      %dma_wait3A_272 = arith.constant 0 : i32
      %dma_wait3A_273 = arith.constant 0 : i32
      %dma_wait3A_274 = tpu.memref_slice %arg3[%dma_wait3A_272, %dma_wait3A_273] : memref<1000001x32xf32, #tpu.memory_space<hbm>> -> memref<1000001x32xf32, #tpu.memory_space<hbm>>
      tpu.wait_indirect_dma semaphore(%arg17 : memref<!tpu.dma_semaphore, #tpu.memory_space<semaphore_mem>>) src(%dma_wait3A_274 : memref<1000001x32xf32, #tpu.memory_space<hbm>>) dst(%arg11 : memref<512x32xf32, #tpu.memory_space<vmem>>)
      %dma_start3A_275 = tpu.memref_slice %arg6[%mul3A_270] : memref<10240xi32, #tpu.memory_space<vmem>> -> memref<512xi32, #tpu.memory_space<vmem>>
      %dma_start3A_276 = arith.constant 0 : i32
      %dma_start3A_277 = arith.constant 0 : i32
      %dma_start3A_278 = tpu.memref_slice %arg3[%dma_start3A_276, %dma_start3A_277] : memref<1000001x32xf32, #tpu.memory_space<hbm>> -> memref<1000001x32xf32, #tpu.memory_space<hbm>>
      tpu.enqueue_indirect_dma source(%dma_start3A_278 : memref<1000001x32xf32, #tpu.memory_space<hbm>>) target(%arg11 : memref<512x32xf32, #tpu.memory_space<vmem>>) offsets(%dma_start3A_275 : memref<512xi32, #tpu.memory_space<vmem>>) semaphore(%arg17 : memref<!tpu.dma_semaphore, #tpu.memory_space<semaphore_mem>>) {add = true}
      %scan3A_279 = arith.constant 0 : i32
      scf.yield %scan3A_279 : i32
    }
    %scan3A_120 = arith.constant 4 : i32
    %dma_wait3A_121 = tpu.memref_slice %arg2[%add3A_111] : memref<3276800xi32, #tpu.memory_space<hbm>> -> memref<10240xi32, #tpu.memory_space<hbm>>
    %dma_wait3A_122 = tpu.memref_slice %arg2[%add3A_111] : memref<3276800xi32, #tpu.memory_space<hbm>> -> memref<10240xi32, #tpu.memory_space<hbm>>
    tpu.wait_dma2 semaphore(%arg12 : memref<!tpu.dma_semaphore, #tpu.memory_space<semaphore_mem>>) src(%dma_wait3A_122 : memref<10240xi32, #tpu.memory_space<hbm>>) dst(%arg5 : memref<10240xi32, #tpu.memory_space<vmem>>)
    %mul3A_123 = arith.constant 102400 : i32
    %mul3A_124 = arith.muli %add3A, %mul3A_123 : i32
    %add3A_125 = arith.constant 71680 : i32
    %add3A_126 = arith.addi %mul3A_124, %add3A_125 : i32
    %dma_start3A_127 = tpu.memref_slice %arg2[%add3A_126] : memref<3276800xi32, #tpu.memory_space<hbm>> -> memref<10240xi32, #tpu.memory_space<hbm>>
    %dma_start3A_128 = tpu.memref_slice %arg2[%add3A_126] : memref<3276800xi32, #tpu.memory_space<hbm>> -> memref<10240xi32, #tpu.memory_space<hbm>>
    tpu.enqueue_dma source(%dma_start3A_128 : memref<10240xi32, #tpu.memory_space<hbm>>) target(%arg6 : memref<10240xi32, #tpu.memory_space<vmem>>) target_semaphore(%arg12 : memref<!tpu.dma_semaphore, #tpu.memory_space<semaphore_mem>>)
    %scan3A_129 = arith.constant 0 : i32
    %scan3A_130 = arith.constant 0 : i32
    %scan3A_131 = arith.constant 4 : i32
    %scan3A_132 = arith.addi %scan3A_130, %scan3A_131 : i32
    %scan3A_133 = arith.constant 1 : i32
    %scan3A_134 = scf.for %scan3A_207 = %scan3A_130 to %scan3A_132 step %scan3A_133 iter_args(%scan3A_208 = %scan3A_129) -> (i32)  : i32 {
      %mul3A_209 = arith.constant 5 : i32
      %mul3A_210 = arith.muli %mul3A_209, %scan3A_207 : i32
      %add3A_211 = arith.constant 0 : i32
      %add3A_212 = arith.addi %mul3A_210, %add3A_211 : i32
      %mul3A_213 = arith.constant 512 : i32
      %mul3A_214 = arith.muli %add3A_212, %mul3A_213 : i32
      %dma_wait3A_215 = tpu.memref_slice %arg5[%mul3A_214] : memref<10240xi32, #tpu.memory_space<vmem>> -> memref<512xi32, #tpu.memory_space<vmem>>
      %dma_wait3A_216 = arith.constant 0 : i32
      %dma_wait3A_217 = arith.constant 0 : i32
      %dma_wait3A_218 = tpu.memref_slice %arg3[%dma_wait3A_216, %dma_wait3A_217] : memref<1000001x32xf32, #tpu.memory_space<hbm>> -> memref<1000001x32xf32, #tpu.memory_space<hbm>>
      tpu.wait_indirect_dma semaphore(%arg13 : memref<!tpu.dma_semaphore, #tpu.memory_space<semaphore_mem>>) src(%dma_wait3A_218 : memref<1000001x32xf32, #tpu.memory_space<hbm>>) dst(%arg7 : memref<512x32xf32, #tpu.memory_space<vmem>>)
      %dma_start3A_219 = tpu.memref_slice %arg5[%mul3A_214] : memref<10240xi32, #tpu.memory_space<vmem>> -> memref<512xi32, #tpu.memory_space<vmem>>
      %dma_start3A_220 = arith.constant 0 : i32
      %dma_start3A_221 = arith.constant 0 : i32
      %dma_start3A_222 = tpu.memref_slice %arg3[%dma_start3A_220, %dma_start3A_221] : memref<1000001x32xf32, #tpu.memory_space<hbm>> -> memref<1000001x32xf32, #tpu.memory_space<hbm>>
      tpu.enqueue_indirect_dma source(%dma_start3A_222 : memref<1000001x32xf32, #tpu.memory_space<hbm>>) target(%arg7 : memref<512x32xf32, #tpu.memory_space<vmem>>) offsets(%dma_start3A_219 : memref<512xi32, #tpu.memory_space<vmem>>) semaphore(%arg13 : memref<!tpu.dma_semaphore, #tpu.memory_space<semaphore_mem>>) {add = true}
      %mul3A_223 = arith.constant 5 : i32
      %mul3A_224 = arith.muli %mul3A_223, %scan3A_207 : i32
      %add3A_225 = arith.constant 1 : i32
      %add3A_226 = arith.addi %mul3A_224, %add3A_225 : i32
      %mul3A_227 = arith.constant 512 : i32
      %mul3A_228 = arith.muli %add3A_226, %mul3A_227 : i32
      %dma_wait3A_229 = tpu.memref_slice %arg5[%mul3A_228] : memref<10240xi32, #tpu.memory_space<vmem>> -> memref<512xi32, #tpu.memory_space<vmem>>
      %dma_wait3A_230 = arith.constant 0 : i32
      %dma_wait3A_231 = arith.constant 0 : i32
      %dma_wait3A_232 = tpu.memref_slice %arg3[%dma_wait3A_230, %dma_wait3A_231] : memref<1000001x32xf32, #tpu.memory_space<hbm>> -> memref<1000001x32xf32, #tpu.memory_space<hbm>>
      tpu.wait_indirect_dma semaphore(%arg14 : memref<!tpu.dma_semaphore, #tpu.memory_space<semaphore_mem>>) src(%dma_wait3A_232 : memref<1000001x32xf32, #tpu.memory_space<hbm>>) dst(%arg8 : memref<512x32xf32, #tpu.memory_space<vmem>>)
      %dma_start3A_233 = tpu.memref_slice %arg5[%mul3A_228] : memref<10240xi32, #tpu.memory_space<vmem>> -> memref<512xi32, #tpu.memory_space<vmem>>
      %dma_start3A_234 = arith.constant 0 : i32
      %dma_start3A_235 = arith.constant 0 : i32
      %dma_start3A_236 = tpu.memref_slice %arg3[%dma_start3A_234, %dma_start3A_235] : memref<1000001x32xf32, #tpu.memory_space<hbm>> -> memref<1000001x32xf32, #tpu.memory_space<hbm>>
      tpu.enqueue_indirect_dma source(%dma_start3A_236 : memref<1000001x32xf32, #tpu.memory_space<hbm>>) target(%arg8 : memref<512x32xf32, #tpu.memory_space<vmem>>) offsets(%dma_start3A_233 : memref<512xi32, #tpu.memory_space<vmem>>) semaphore(%arg14 : memref<!tpu.dma_semaphore, #tpu.memory_space<semaphore_mem>>) {add = true}
      %mul3A_237 = arith.constant 5 : i32
      %mul3A_238 = arith.muli %mul3A_237, %scan3A_207 : i32
      %add3A_239 = arith.constant 2 : i32
      %add3A_240 = arith.addi %mul3A_238, %add3A_239 : i32
      %mul3A_241 = arith.constant 512 : i32
      %mul3A_242 = arith.muli %add3A_240, %mul3A_241 : i32
      %dma_wait3A_243 = tpu.memref_slice %arg5[%mul3A_242] : memref<10240xi32, #tpu.memory_space<vmem>> -> memref<512xi32, #tpu.memory_space<vmem>>
      %dma_wait3A_244 = arith.constant 0 : i32
      %dma_wait3A_245 = arith.constant 0 : i32
      %dma_wait3A_246 = tpu.memref_slice %arg3[%dma_wait3A_244, %dma_wait3A_245] : memref<1000001x32xf32, #tpu.memory_space<hbm>> -> memref<1000001x32xf32, #tpu.memory_space<hbm>>
      tpu.wait_indirect_dma semaphore(%arg15 : memref<!tpu.dma_semaphore, #tpu.memory_space<semaphore_mem>>) src(%dma_wait3A_246 : memref<1000001x32xf32, #tpu.memory_space<hbm>>) dst(%arg9 : memref<512x32xf32, #tpu.memory_space<vmem>>)
      %dma_start3A_247 = tpu.memref_slice %arg5[%mul3A_242] : memref<10240xi32, #tpu.memory_space<vmem>> -> memref<512xi32, #tpu.memory_space<vmem>>
      %dma_start3A_248 = arith.constant 0 : i32
      %dma_start3A_249 = arith.constant 0 : i32
      %dma_start3A_250 = tpu.memref_slice %arg3[%dma_start3A_248, %dma_start3A_249] : memref<1000001x32xf32, #tpu.memory_space<hbm>> -> memref<1000001x32xf32, #tpu.memory_space<hbm>>
      tpu.enqueue_indirect_dma source(%dma_start3A_250 : memref<1000001x32xf32, #tpu.memory_space<hbm>>) target(%arg9 : memref<512x32xf32, #tpu.memory_space<vmem>>) offsets(%dma_start3A_247 : memref<512xi32, #tpu.memory_space<vmem>>) semaphore(%arg15 : memref<!tpu.dma_semaphore, #tpu.memory_space<semaphore_mem>>) {add = true}
      %mul3A_251 = arith.constant 5 : i32
      %mul3A_252 = arith.muli %mul3A_251, %scan3A_207 : i32
      %add3A_253 = arith.constant 3 : i32
      %add3A_254 = arith.addi %mul3A_252, %add3A_253 : i32
      %mul3A_255 = arith.constant 512 : i32
      %mul3A_256 = arith.muli %add3A_254, %mul3A_255 : i32
      %dma_wait3A_257 = tpu.memref_slice %arg5[%mul3A_256] : memref<10240xi32, #tpu.memory_space<vmem>> -> memref<512xi32, #tpu.memory_space<vmem>>
      %dma_wait3A_258 = arith.constant 0 : i32
      %dma_wait3A_259 = arith.constant 0 : i32
      %dma_wait3A_260 = tpu.memref_slice %arg3[%dma_wait3A_258, %dma_wait3A_259] : memref<1000001x32xf32, #tpu.memory_space<hbm>> -> memref<1000001x32xf32, #tpu.memory_space<hbm>>
      tpu.wait_indirect_dma semaphore(%arg16 : memref<!tpu.dma_semaphore, #tpu.memory_space<semaphore_mem>>) src(%dma_wait3A_260 : memref<1000001x32xf32, #tpu.memory_space<hbm>>) dst(%arg10 : memref<512x32xf32, #tpu.memory_space<vmem>>)
      %dma_start3A_261 = tpu.memref_slice %arg5[%mul3A_256] : memref<10240xi32, #tpu.memory_space<vmem>> -> memref<512xi32, #tpu.memory_space<vmem>>
      %dma_start3A_262 = arith.constant 0 : i32
      %dma_start3A_263 = arith.constant 0 : i32
      %dma_start3A_264 = tpu.memref_slice %arg3[%dma_start3A_262, %dma_start3A_263] : memref<1000001x32xf32, #tpu.memory_space<hbm>> -> memref<1000001x32xf32, #tpu.memory_space<hbm>>
      tpu.enqueue_indirect_dma source(%dma_start3A_264 : memref<1000001x32xf32, #tpu.memory_space<hbm>>) target(%arg10 : memref<512x32xf32, #tpu.memory_space<vmem>>) offsets(%dma_start3A_261 : memref<512xi32, #tpu.memory_space<vmem>>) semaphore(%arg16 : memref<!tpu.dma_semaphore, #tpu.memory_space<semaphore_mem>>) {add = true}
      %mul3A_265 = arith.constant 5 : i32
      %mul3A_266 = arith.muli %mul3A_265, %scan3A_207 : i32
      %add3A_267 = arith.constant 4 : i32
      %add3A_268 = arith.addi %mul3A_266, %add3A_267 : i32
      %mul3A_269 = arith.constant 512 : i32
      %mul3A_270 = arith.muli %add3A_268, %mul3A_269 : i32
      %dma_wait3A_271 = tpu.memref_slice %arg5[%mul3A_270] : memref<10240xi32, #tpu.memory_space<vmem>> -> memref<512xi32, #tpu.memory_space<vmem>>
      %dma_wait3A_272 = arith.constant 0 : i32
      %dma_wait3A_273 = arith.constant 0 : i32
      %dma_wait3A_274 = tpu.memref_slice %arg3[%dma_wait3A_272, %dma_wait3A_273] : memref<1000001x32xf32, #tpu.memory_space<hbm>> -> memref<1000001x32xf32, #tpu.memory_space<hbm>>
      tpu.wait_indirect_dma semaphore(%arg17 : memref<!tpu.dma_semaphore, #tpu.memory_space<semaphore_mem>>) src(%dma_wait3A_274 : memref<1000001x32xf32, #tpu.memory_space<hbm>>) dst(%arg11 : memref<512x32xf32, #tpu.memory_space<vmem>>)
      %dma_start3A_275 = tpu.memref_slice %arg5[%mul3A_270] : memref<10240xi32, #tpu.memory_space<vmem>> -> memref<512xi32, #tpu.memory_space<vmem>>
      %dma_start3A_276 = arith.constant 0 : i32
      %dma_start3A_277 = arith.constant 0 : i32
      %dma_start3A_278 = tpu.memref_slice %arg3[%dma_start3A_276, %dma_start3A_277] : memref<1000001x32xf32, #tpu.memory_space<hbm>> -> memref<1000001x32xf32, #tpu.memory_space<hbm>>
      tpu.enqueue_indirect_dma source(%dma_start3A_278 : memref<1000001x32xf32, #tpu.memory_space<hbm>>) target(%arg11 : memref<512x32xf32, #tpu.memory_space<vmem>>) offsets(%dma_start3A_275 : memref<512xi32, #tpu.memory_space<vmem>>) semaphore(%arg17 : memref<!tpu.dma_semaphore, #tpu.memory_space<semaphore_mem>>) {add = true}
      %scan3A_279 = arith.constant 0 : i32
      scf.yield %scan3A_279 : i32
    }
    %scan3A_135 = arith.constant 4 : i32
    %dma_wait3A_136 = tpu.memref_slice %arg2[%add3A_126] : memref<3276800xi32, #tpu.memory_space<hbm>> -> memref<10240xi32, #tpu.memory_space<hbm>>
    %dma_wait3A_137 = tpu.memref_slice %arg2[%add3A_126] : memref<3276800xi32, #tpu.memory_space<hbm>> -> memref<10240xi32, #tpu.memory_space<hbm>>
    tpu.wait_dma2 semaphore(%arg12 : memref<!tpu.dma_semaphore, #tpu.memory_space<semaphore_mem>>) src(%dma_wait3A_137 : memref<10240xi32, #tpu.memory_space<hbm>>) dst(%arg6 : memref<10240xi32, #tpu.memory_space<vmem>>)
    %mul3A_138 = arith.constant 102400 : i32
    %mul3A_139 = arith.muli %add3A, %mul3A_138 : i32
    %add3A_140 = arith.constant 81920 : i32
    %add3A_141 = arith.addi %mul3A_139, %add3A_140 : i32
    %dma_start3A_142 = tpu.memref_slice %arg2[%add3A_141] : memref<3276800xi32, #tpu.memory_space<hbm>> -> memref<10240xi32, #tpu.memory_space<hbm>>
    %dma_start3A_143 = tpu.memref_slice %arg2[%add3A_141] : memref<3276800xi32, #tpu.memory_space<hbm>> -> memref<10240xi32, #tpu.memory_space<hbm>>
    tpu.enqueue_dma source(%dma_start3A_143 : memref<10240xi32, #tpu.memory_space<hbm>>) target(%arg5 : memref<10240xi32, #tpu.memory_space<vmem>>) target_semaphore(%arg12 : memref<!tpu.dma_semaphore, #tpu.memory_space<semaphore_mem>>)
    %scan3A_144 = arith.constant 0 : i32
    %scan3A_145 = arith.constant 0 : i32
    %scan3A_146 = arith.constant 4 : i32
    %scan3A_147 = arith.addi %scan3A_145, %scan3A_146 : i32
    %scan3A_148 = arith.constant 1 : i32
    %scan3A_149 = scf.for %scan3A_207 = %scan3A_145 to %scan3A_147 step %scan3A_148 iter_args(%scan3A_208 = %scan3A_144) -> (i32)  : i32 {
      %mul3A_209 = arith.constant 5 : i32
      %mul3A_210 = arith.muli %mul3A_209, %scan3A_207 : i32
      %add3A_211 = arith.constant 0 : i32
      %add3A_212 = arith.addi %mul3A_210, %add3A_211 : i32
      %mul3A_213 = arith.constant 512 : i32
      %mul3A_214 = arith.muli %add3A_212, %mul3A_213 : i32
      %dma_wait3A_215 = tpu.memref_slice %arg6[%mul3A_214] : memref<10240xi32, #tpu.memory_space<vmem>> -> memref<512xi32, #tpu.memory_space<vmem>>
      %dma_wait3A_216 = arith.constant 0 : i32
      %dma_wait3A_217 = arith.constant 0 : i32
      %dma_wait3A_218 = tpu.memref_slice %arg3[%dma_wait3A_216, %dma_wait3A_217] : memref<1000001x32xf32, #tpu.memory_space<hbm>> -> memref<1000001x32xf32, #tpu.memory_space<hbm>>
      tpu.wait_indirect_dma semaphore(%arg13 : memref<!tpu.dma_semaphore, #tpu.memory_space<semaphore_mem>>) src(%dma_wait3A_218 : memref<1000001x32xf32, #tpu.memory_space<hbm>>) dst(%arg7 : memref<512x32xf32, #tpu.memory_space<vmem>>)
      %dma_start3A_219 = tpu.memref_slice %arg6[%mul3A_214] : memref<10240xi32, #tpu.memory_space<vmem>> -> memref<512xi32, #tpu.memory_space<vmem>>
      %dma_start3A_220 = arith.constant 0 : i32
      %dma_start3A_221 = arith.constant 0 : i32
      %dma_start3A_222 = tpu.memref_slice %arg3[%dma_start3A_220, %dma_start3A_221] : memref<1000001x32xf32, #tpu.memory_space<hbm>> -> memref<1000001x32xf32, #tpu.memory_space<hbm>>
      tpu.enqueue_indirect_dma source(%dma_start3A_222 : memref<1000001x32xf32, #tpu.memory_space<hbm>>) target(%arg7 : memref<512x32xf32, #tpu.memory_space<vmem>>) offsets(%dma_start3A_219 : memref<512xi32, #tpu.memory_space<vmem>>) semaphore(%arg13 : memref<!tpu.dma_semaphore, #tpu.memory_space<semaphore_mem>>) {add = true}
      %mul3A_223 = arith.constant 5 : i32
      %mul3A_224 = arith.muli %mul3A_223, %scan3A_207 : i32
      %add3A_225 = arith.constant 1 : i32
      %add3A_226 = arith.addi %mul3A_224, %add3A_225 : i32
      %mul3A_227 = arith.constant 512 : i32
      %mul3A_228 = arith.muli %add3A_226, %mul3A_227 : i32
      %dma_wait3A_229 = tpu.memref_slice %arg6[%mul3A_228] : memref<10240xi32, #tpu.memory_space<vmem>> -> memref<512xi32, #tpu.memory_space<vmem>>
      %dma_wait3A_230 = arith.constant 0 : i32
      %dma_wait3A_231 = arith.constant 0 : i32
      %dma_wait3A_232 = tpu.memref_slice %arg3[%dma_wait3A_230, %dma_wait3A_231] : memref<1000001x32xf32, #tpu.memory_space<hbm>> -> memref<1000001x32xf32, #tpu.memory_space<hbm>>
      tpu.wait_indirect_dma semaphore(%arg14 : memref<!tpu.dma_semaphore, #tpu.memory_space<semaphore_mem>>) src(%dma_wait3A_232 : memref<1000001x32xf32, #tpu.memory_space<hbm>>) dst(%arg8 : memref<512x32xf32, #tpu.memory_space<vmem>>)
      %dma_start3A_233 = tpu.memref_slice %arg6[%mul3A_228] : memref<10240xi32, #tpu.memory_space<vmem>> -> memref<512xi32, #tpu.memory_space<vmem>>
      %dma_start3A_234 = arith.constant 0 : i32
      %dma_start3A_235 = arith.constant 0 : i32
      %dma_start3A_236 = tpu.memref_slice %arg3[%dma_start3A_234, %dma_start3A_235] : memref<1000001x32xf32, #tpu.memory_space<hbm>> -> memref<1000001x32xf32, #tpu.memory_space<hbm>>
      tpu.enqueue_indirect_dma source(%dma_start3A_236 : memref<1000001x32xf32, #tpu.memory_space<hbm>>) target(%arg8 : memref<512x32xf32, #tpu.memory_space<vmem>>) offsets(%dma_start3A_233 : memref<512xi32, #tpu.memory_space<vmem>>) semaphore(%arg14 : memref<!tpu.dma_semaphore, #tpu.memory_space<semaphore_mem>>) {add = true}
      %mul3A_237 = arith.constant 5 : i32
      %mul3A_238 = arith.muli %mul3A_237, %scan3A_207 : i32
      %add3A_239 = arith.constant 2 : i32
      %add3A_240 = arith.addi %mul3A_238, %add3A_239 : i32
      %mul3A_241 = arith.constant 512 : i32
      %mul3A_242 = arith.muli %add3A_240, %mul3A_241 : i32
      %dma_wait3A_243 = tpu.memref_slice %arg6[%mul3A_242] : memref<10240xi32, #tpu.memory_space<vmem>> -> memref<512xi32, #tpu.memory_space<vmem>>
      %dma_wait3A_244 = arith.constant 0 : i32
      %dma_wait3A_245 = arith.constant 0 : i32
      %dma_wait3A_246 = tpu.memref_slice %arg3[%dma_wait3A_244, %dma_wait3A_245] : memref<1000001x32xf32, #tpu.memory_space<hbm>> -> memref<1000001x32xf32, #tpu.memory_space<hbm>>
      tpu.wait_indirect_dma semaphore(%arg15 : memref<!tpu.dma_semaphore, #tpu.memory_space<semaphore_mem>>) src(%dma_wait3A_246 : memref<1000001x32xf32, #tpu.memory_space<hbm>>) dst(%arg9 : memref<512x32xf32, #tpu.memory_space<vmem>>)
      %dma_start3A_247 = tpu.memref_slice %arg6[%mul3A_242] : memref<10240xi32, #tpu.memory_space<vmem>> -> memref<512xi32, #tpu.memory_space<vmem>>
      %dma_start3A_248 = arith.constant 0 : i32
      %dma_start3A_249 = arith.constant 0 : i32
      %dma_start3A_250 = tpu.memref_slice %arg3[%dma_start3A_248, %dma_start3A_249] : memref<1000001x32xf32, #tpu.memory_space<hbm>> -> memref<1000001x32xf32, #tpu.memory_space<hbm>>
      tpu.enqueue_indirect_dma source(%dma_start3A_250 : memref<1000001x32xf32, #tpu.memory_space<hbm>>) target(%arg9 : memref<512x32xf32, #tpu.memory_space<vmem>>) offsets(%dma_start3A_247 : memref<512xi32, #tpu.memory_space<vmem>>) semaphore(%arg15 : memref<!tpu.dma_semaphore, #tpu.memory_space<semaphore_mem>>) {add = true}
      %mul3A_251 = arith.constant 5 : i32
      %mul3A_252 = arith.muli %mul3A_251, %scan3A_207 : i32
      %add3A_253 = arith.constant 3 : i32
      %add3A_254 = arith.addi %mul3A_252, %add3A_253 : i32
      %mul3A_255 = arith.constant 512 : i32
      %mul3A_256 = arith.muli %add3A_254, %mul3A_255 : i32
      %dma_wait3A_257 = tpu.memref_slice %arg6[%mul3A_256] : memref<10240xi32, #tpu.memory_space<vmem>> -> memref<512xi32, #tpu.memory_space<vmem>>
      %dma_wait3A_258 = arith.constant 0 : i32
      %dma_wait3A_259 = arith.constant 0 : i32
      %dma_wait3A_260 = tpu.memref_slice %arg3[%dma_wait3A_258, %dma_wait3A_259] : memref<1000001x32xf32, #tpu.memory_space<hbm>> -> memref<1000001x32xf32, #tpu.memory_space<hbm>>
      tpu.wait_indirect_dma semaphore(%arg16 : memref<!tpu.dma_semaphore, #tpu.memory_space<semaphore_mem>>) src(%dma_wait3A_260 : memref<1000001x32xf32, #tpu.memory_space<hbm>>) dst(%arg10 : memref<512x32xf32, #tpu.memory_space<vmem>>)
      %dma_start3A_261 = tpu.memref_slice %arg6[%mul3A_256] : memref<10240xi32, #tpu.memory_space<vmem>> -> memref<512xi32, #tpu.memory_space<vmem>>
      %dma_start3A_262 = arith.constant 0 : i32
      %dma_start3A_263 = arith.constant 0 : i32
      %dma_start3A_264 = tpu.memref_slice %arg3[%dma_start3A_262, %dma_start3A_263] : memref<1000001x32xf32, #tpu.memory_space<hbm>> -> memref<1000001x32xf32, #tpu.memory_space<hbm>>
      tpu.enqueue_indirect_dma source(%dma_start3A_264 : memref<1000001x32xf32, #tpu.memory_space<hbm>>) target(%arg10 : memref<512x32xf32, #tpu.memory_space<vmem>>) offsets(%dma_start3A_261 : memref<512xi32, #tpu.memory_space<vmem>>) semaphore(%arg16 : memref<!tpu.dma_semaphore, #tpu.memory_space<semaphore_mem>>) {add = true}
      %mul3A_265 = arith.constant 5 : i32
      %mul3A_266 = arith.muli %mul3A_265, %scan3A_207 : i32
      %add3A_267 = arith.constant 4 : i32
      %add3A_268 = arith.addi %mul3A_266, %add3A_267 : i32
      %mul3A_269 = arith.constant 512 : i32
      %mul3A_270 = arith.muli %add3A_268, %mul3A_269 : i32
      %dma_wait3A_271 = tpu.memref_slice %arg6[%mul3A_270] : memref<10240xi32, #tpu.memory_space<vmem>> -> memref<512xi32, #tpu.memory_space<vmem>>
      %dma_wait3A_272 = arith.constant 0 : i32
      %dma_wait3A_273 = arith.constant 0 : i32
      %dma_wait3A_274 = tpu.memref_slice %arg3[%dma_wait3A_272, %dma_wait3A_273] : memref<1000001x32xf32, #tpu.memory_space<hbm>> -> memref<1000001x32xf32, #tpu.memory_space<hbm>>
      tpu.wait_indirect_dma semaphore(%arg17 : memref<!tpu.dma_semaphore, #tpu.memory_space<semaphore_mem>>) src(%dma_wait3A_274 : memref<1000001x32xf32, #tpu.memory_space<hbm>>) dst(%arg11 : memref<512x32xf32, #tpu.memory_space<vmem>>)
      %dma_start3A_275 = tpu.memref_slice %arg6[%mul3A_270] : memref<10240xi32, #tpu.memory_space<vmem>> -> memref<512xi32, #tpu.memory_space<vmem>>
      %dma_start3A_276 = arith.constant 0 : i32
      %dma_start3A_277 = arith.constant 0 : i32
      %dma_start3A_278 = tpu.memref_slice %arg3[%dma_start3A_276, %dma_start3A_277] : memref<1000001x32xf32, #tpu.memory_space<hbm>> -> memref<1000001x32xf32, #tpu.memory_space<hbm>>
      tpu.enqueue_indirect_dma source(%dma_start3A_278 : memref<1000001x32xf32, #tpu.memory_space<hbm>>) target(%arg11 : memref<512x32xf32, #tpu.memory_space<vmem>>) offsets(%dma_start3A_275 : memref<512xi32, #tpu.memory_space<vmem>>) semaphore(%arg17 : memref<!tpu.dma_semaphore, #tpu.memory_space<semaphore_mem>>) {add = true}
      %scan3A_279 = arith.constant 0 : i32
      scf.yield %scan3A_279 : i32
    }
    %scan3A_150 = arith.constant 4 : i32
    %dma_wait3A_151 = tpu.memref_slice %arg2[%add3A_141] : memref<3276800xi32, #tpu.memory_space<hbm>> -> memref<10240xi32, #tpu.memory_space<hbm>>
    %dma_wait3A_152 = tpu.memref_slice %arg2[%add3A_141] : memref<3276800xi32, #tpu.memory_space<hbm>> -> memref<10240xi32, #tpu.memory_space<hbm>>
    tpu.wait_dma2 semaphore(%arg12 : memref<!tpu.dma_semaphore, #tpu.memory_space<semaphore_mem>>) src(%dma_wait3A_152 : memref<10240xi32, #tpu.memory_space<hbm>>) dst(%arg5 : memref<10240xi32, #tpu.memory_space<vmem>>)
    %mul3A_153 = arith.constant 102400 : i32
    %mul3A_154 = arith.muli %add3A, %mul3A_153 : i32
    %add3A_155 = arith.constant 92160 : i32
    %add3A_156 = arith.addi %mul3A_154, %add3A_155 : i32
    %dma_start3A_157 = tpu.memref_slice %arg2[%add3A_156] : memref<3276800xi32, #tpu.memory_space<hbm>> -> memref<10240xi32, #tpu.memory_space<hbm>>
    %dma_start3A_158 = tpu.memref_slice %arg2[%add3A_156] : memref<3276800xi32, #tpu.memory_space<hbm>> -> memref<10240xi32, #tpu.memory_space<hbm>>
    tpu.enqueue_dma source(%dma_start3A_158 : memref<10240xi32, #tpu.memory_space<hbm>>) target(%arg6 : memref<10240xi32, #tpu.memory_space<vmem>>) target_semaphore(%arg12 : memref<!tpu.dma_semaphore, #tpu.memory_space<semaphore_mem>>)
    %scan3A_159 = arith.constant 0 : i32
    %scan3A_160 = arith.constant 0 : i32
    %scan3A_161 = arith.constant 4 : i32
    %scan3A_162 = arith.addi %scan3A_160, %scan3A_161 : i32
    %scan3A_163 = arith.constant 1 : i32
    %scan3A_164 = scf.for %scan3A_207 = %scan3A_160 to %scan3A_162 step %scan3A_163 iter_args(%scan3A_208 = %scan3A_159) -> (i32)  : i32 {
      %mul3A_209 = arith.constant 5 : i32
      %mul3A_210 = arith.muli %mul3A_209, %scan3A_207 : i32
      %add3A_211 = arith.constant 0 : i32
      %add3A_212 = arith.addi %mul3A_210, %add3A_211 : i32
      %mul3A_213 = arith.constant 512 : i32
      %mul3A_214 = arith.muli %add3A_212, %mul3A_213 : i32
      %dma_wait3A_215 = tpu.memref_slice %arg5[%mul3A_214] : memref<10240xi32, #tpu.memory_space<vmem>> -> memref<512xi32, #tpu.memory_space<vmem>>
      %dma_wait3A_216 = arith.constant 0 : i32
      %dma_wait3A_217 = arith.constant 0 : i32
      %dma_wait3A_218 = tpu.memref_slice %arg3[%dma_wait3A_216, %dma_wait3A_217] : memref<1000001x32xf32, #tpu.memory_space<hbm>> -> memref<1000001x32xf32, #tpu.memory_space<hbm>>
      tpu.wait_indirect_dma semaphore(%arg13 : memref<!tpu.dma_semaphore, #tpu.memory_space<semaphore_mem>>) src(%dma_wait3A_218 : memref<1000001x32xf32, #tpu.memory_space<hbm>>) dst(%arg7 : memref<512x32xf32, #tpu.memory_space<vmem>>)
      %dma_start3A_219 = tpu.memref_slice %arg5[%mul3A_214] : memref<10240xi32, #tpu.memory_space<vmem>> -> memref<512xi32, #tpu.memory_space<vmem>>
      %dma_start3A_220 = arith.constant 0 : i32
      %dma_start3A_221 = arith.constant 0 : i32
      %dma_start3A_222 = tpu.memref_slice %arg3[%dma_start3A_220, %dma_start3A_221] : memref<1000001x32xf32, #tpu.memory_space<hbm>> -> memref<1000001x32xf32, #tpu.memory_space<hbm>>
      tpu.enqueue_indirect_dma source(%dma_start3A_222 : memref<1000001x32xf32, #tpu.memory_space<hbm>>) target(%arg7 : memref<512x32xf32, #tpu.memory_space<vmem>>) offsets(%dma_start3A_219 : memref<512xi32, #tpu.memory_space<vmem>>) semaphore(%arg13 : memref<!tpu.dma_semaphore, #tpu.memory_space<semaphore_mem>>) {add = true}
      %mul3A_223 = arith.constant 5 : i32
      %mul3A_224 = arith.muli %mul3A_223, %scan3A_207 : i32
      %add3A_225 = arith.constant 1 : i32
      %add3A_226 = arith.addi %mul3A_224, %add3A_225 : i32
      %mul3A_227 = arith.constant 512 : i32
      %mul3A_228 = arith.muli %add3A_226, %mul3A_227 : i32
      %dma_wait3A_229 = tpu.memref_slice %arg5[%mul3A_228] : memref<10240xi32, #tpu.memory_space<vmem>> -> memref<512xi32, #tpu.memory_space<vmem>>
      %dma_wait3A_230 = arith.constant 0 : i32
      %dma_wait3A_231 = arith.constant 0 : i32
      %dma_wait3A_232 = tpu.memref_slice %arg3[%dma_wait3A_230, %dma_wait3A_231] : memref<1000001x32xf32, #tpu.memory_space<hbm>> -> memref<1000001x32xf32, #tpu.memory_space<hbm>>
      tpu.wait_indirect_dma semaphore(%arg14 : memref<!tpu.dma_semaphore, #tpu.memory_space<semaphore_mem>>) src(%dma_wait3A_232 : memref<1000001x32xf32, #tpu.memory_space<hbm>>) dst(%arg8 : memref<512x32xf32, #tpu.memory_space<vmem>>)
      %dma_start3A_233 = tpu.memref_slice %arg5[%mul3A_228] : memref<10240xi32, #tpu.memory_space<vmem>> -> memref<512xi32, #tpu.memory_space<vmem>>
      %dma_start3A_234 = arith.constant 0 : i32
      %dma_start3A_235 = arith.constant 0 : i32
      %dma_start3A_236 = tpu.memref_slice %arg3[%dma_start3A_234, %dma_start3A_235] : memref<1000001x32xf32, #tpu.memory_space<hbm>> -> memref<1000001x32xf32, #tpu.memory_space<hbm>>
      tpu.enqueue_indirect_dma source(%dma_start3A_236 : memref<1000001x32xf32, #tpu.memory_space<hbm>>) target(%arg8 : memref<512x32xf32, #tpu.memory_space<vmem>>) offsets(%dma_start3A_233 : memref<512xi32, #tpu.memory_space<vmem>>) semaphore(%arg14 : memref<!tpu.dma_semaphore, #tpu.memory_space<semaphore_mem>>) {add = true}
      %mul3A_237 = arith.constant 5 : i32
      %mul3A_238 = arith.muli %mul3A_237, %scan3A_207 : i32
      %add3A_239 = arith.constant 2 : i32
      %add3A_240 = arith.addi %mul3A_238, %add3A_239 : i32
      %mul3A_241 = arith.constant 512 : i32
      %mul3A_242 = arith.muli %add3A_240, %mul3A_241 : i32
      %dma_wait3A_243 = tpu.memref_slice %arg5[%mul3A_242] : memref<10240xi32, #tpu.memory_space<vmem>> -> memref<512xi32, #tpu.memory_space<vmem>>
      %dma_wait3A_244 = arith.constant 0 : i32
      %dma_wait3A_245 = arith.constant 0 : i32
      %dma_wait3A_246 = tpu.memref_slice %arg3[%dma_wait3A_244, %dma_wait3A_245] : memref<1000001x32xf32, #tpu.memory_space<hbm>> -> memref<1000001x32xf32, #tpu.memory_space<hbm>>
      tpu.wait_indirect_dma semaphore(%arg15 : memref<!tpu.dma_semaphore, #tpu.memory_space<semaphore_mem>>) src(%dma_wait3A_246 : memref<1000001x32xf32, #tpu.memory_space<hbm>>) dst(%arg9 : memref<512x32xf32, #tpu.memory_space<vmem>>)
      %dma_start3A_247 = tpu.memref_slice %arg5[%mul3A_242] : memref<10240xi32, #tpu.memory_space<vmem>> -> memref<512xi32, #tpu.memory_space<vmem>>
      %dma_start3A_248 = arith.constant 0 : i32
      %dma_start3A_249 = arith.constant 0 : i32
      %dma_start3A_250 = tpu.memref_slice %arg3[%dma_start3A_248, %dma_start3A_249] : memref<1000001x32xf32, #tpu.memory_space<hbm>> -> memref<1000001x32xf32, #tpu.memory_space<hbm>>
      tpu.enqueue_indirect_dma source(%dma_start3A_250 : memref<1000001x32xf32, #tpu.memory_space<hbm>>) target(%arg9 : memref<512x32xf32, #tpu.memory_space<vmem>>) offsets(%dma_start3A_247 : memref<512xi32, #tpu.memory_space<vmem>>) semaphore(%arg15 : memref<!tpu.dma_semaphore, #tpu.memory_space<semaphore_mem>>) {add = true}
      %mul3A_251 = arith.constant 5 : i32
      %mul3A_252 = arith.muli %mul3A_251, %scan3A_207 : i32
      %add3A_253 = arith.constant 3 : i32
      %add3A_254 = arith.addi %mul3A_252, %add3A_253 : i32
      %mul3A_255 = arith.constant 512 : i32
      %mul3A_256 = arith.muli %add3A_254, %mul3A_255 : i32
      %dma_wait3A_257 = tpu.memref_slice %arg5[%mul3A_256] : memref<10240xi32, #tpu.memory_space<vmem>> -> memref<512xi32, #tpu.memory_space<vmem>>
      %dma_wait3A_258 = arith.constant 0 : i32
      %dma_wait3A_259 = arith.constant 0 : i32
      %dma_wait3A_260 = tpu.memref_slice %arg3[%dma_wait3A_258, %dma_wait3A_259] : memref<1000001x32xf32, #tpu.memory_space<hbm>> -> memref<1000001x32xf32, #tpu.memory_space<hbm>>
      tpu.wait_indirect_dma semaphore(%arg16 : memref<!tpu.dma_semaphore, #tpu.memory_space<semaphore_mem>>) src(%dma_wait3A_260 : memref<1000001x32xf32, #tpu.memory_space<hbm>>) dst(%arg10 : memref<512x32xf32, #tpu.memory_space<vmem>>)
      %dma_start3A_261 = tpu.memref_slice %arg5[%mul3A_256] : memref<10240xi32, #tpu.memory_space<vmem>> -> memref<512xi32, #tpu.memory_space<vmem>>
      %dma_start3A_262 = arith.constant 0 : i32
      %dma_start3A_263 = arith.constant 0 : i32
      %dma_start3A_264 = tpu.memref_slice %arg3[%dma_start3A_262, %dma_start3A_263] : memref<1000001x32xf32, #tpu.memory_space<hbm>> -> memref<1000001x32xf32, #tpu.memory_space<hbm>>
      tpu.enqueue_indirect_dma source(%dma_start3A_264 : memref<1000001x32xf32, #tpu.memory_space<hbm>>) target(%arg10 : memref<512x32xf32, #tpu.memory_space<vmem>>) offsets(%dma_start3A_261 : memref<512xi32, #tpu.memory_space<vmem>>) semaphore(%arg16 : memref<!tpu.dma_semaphore, #tpu.memory_space<semaphore_mem>>) {add = true}
      %mul3A_265 = arith.constant 5 : i32
      %mul3A_266 = arith.muli %mul3A_265, %scan3A_207 : i32
      %add3A_267 = arith.constant 4 : i32
      %add3A_268 = arith.addi %mul3A_266, %add3A_267 : i32
      %mul3A_269 = arith.constant 512 : i32
      %mul3A_270 = arith.muli %add3A_268, %mul3A_269 : i32
      %dma_wait3A_271 = tpu.memref_slice %arg5[%mul3A_270] : memref<10240xi32, #tpu.memory_space<vmem>> -> memref<512xi32, #tpu.memory_space<vmem>>
      %dma_wait3A_272 = arith.constant 0 : i32
      %dma_wait3A_273 = arith.constant 0 : i32
      %dma_wait3A_274 = tpu.memref_slice %arg3[%dma_wait3A_272, %dma_wait3A_273] : memref<1000001x32xf32, #tpu.memory_space<hbm>> -> memref<1000001x32xf32, #tpu.memory_space<hbm>>
      tpu.wait_indirect_dma semaphore(%arg17 : memref<!tpu.dma_semaphore, #tpu.memory_space<semaphore_mem>>) src(%dma_wait3A_274 : memref<1000001x32xf32, #tpu.memory_space<hbm>>) dst(%arg11 : memref<512x32xf32, #tpu.memory_space<vmem>>)
      %dma_start3A_275 = tpu.memref_slice %arg5[%mul3A_270] : memref<10240xi32, #tpu.memory_space<vmem>> -> memref<512xi32, #tpu.memory_space<vmem>>
      %dma_start3A_276 = arith.constant 0 : i32
      %dma_start3A_277 = arith.constant 0 : i32
      %dma_start3A_278 = tpu.memref_slice %arg3[%dma_start3A_276, %dma_start3A_277] : memref<1000001x32xf32, #tpu.memory_space<hbm>> -> memref<1000001x32xf32, #tpu.memory_space<hbm>>
      tpu.enqueue_indirect_dma source(%dma_start3A_278 : memref<1000001x32xf32, #tpu.memory_space<hbm>>) target(%arg11 : memref<512x32xf32, #tpu.memory_space<vmem>>) offsets(%dma_start3A_275 : memref<512xi32, #tpu.memory_space<vmem>>) semaphore(%arg17 : memref<!tpu.dma_semaphore, #tpu.memory_space<semaphore_mem>>) {add = true}
      %scan3A_279 = arith.constant 0 : i32
      scf.yield %scan3A_279 : i32
    }
    %scan3A_165 = arith.constant 4 : i32
    %dma_wait3A_166 = tpu.memref_slice %arg2[%add3A_156] : memref<3276800xi32, #tpu.memory_space<hbm>> -> memref<10240xi32, #tpu.memory_space<hbm>>
    %dma_wait3A_167 = tpu.memref_slice %arg2[%add3A_156] : memref<3276800xi32, #tpu.memory_space<hbm>> -> memref<10240xi32, #tpu.memory_space<hbm>>
    tpu.wait_dma2 semaphore(%arg12 : memref<!tpu.dma_semaphore, #tpu.memory_space<semaphore_mem>>) src(%dma_wait3A_167 : memref<10240xi32, #tpu.memory_space<hbm>>) dst(%arg6 : memref<10240xi32, #tpu.memory_space<vmem>>)
    %scan3A_168 = arith.constant 0 : i32
    %scan3A_169 = arith.constant 0 : i32
    %scan3A_170 = arith.constant 4 : i32
    %scan3A_171 = arith.addi %scan3A_169, %scan3A_170 : i32
    %scan3A_172 = arith.constant 1 : i32
    %scan3A_173 = scf.for %scan3A_207 = %scan3A_169 to %scan3A_171 step %scan3A_172 iter_args(%scan3A_208 = %scan3A_168) -> (i32)  : i32 {
      %mul3A_209 = arith.constant 5 : i32
      %mul3A_210 = arith.muli %mul3A_209, %scan3A_207 : i32
      %add3A_211 = arith.constant 0 : i32
      %add3A_212 = arith.addi %mul3A_210, %add3A_211 : i32
      %mul3A_213 = arith.constant 512 : i32
      %mul3A_214 = arith.muli %add3A_212, %mul3A_213 : i32
      %dma_wait3A_215 = tpu.memref_slice %arg6[%mul3A_214] : memref<10240xi32, #tpu.memory_space<vmem>> -> memref<512xi32, #tpu.memory_space<vmem>>
      %dma_wait3A_216 = arith.constant 0 : i32
      %dma_wait3A_217 = arith.constant 0 : i32
      %dma_wait3A_218 = tpu.memref_slice %arg3[%dma_wait3A_216, %dma_wait3A_217] : memref<1000001x32xf32, #tpu.memory_space<hbm>> -> memref<1000001x32xf32, #tpu.memory_space<hbm>>
      tpu.wait_indirect_dma semaphore(%arg13 : memref<!tpu.dma_semaphore, #tpu.memory_space<semaphore_mem>>) src(%dma_wait3A_218 : memref<1000001x32xf32, #tpu.memory_space<hbm>>) dst(%arg7 : memref<512x32xf32, #tpu.memory_space<vmem>>)
      %dma_start3A_219 = tpu.memref_slice %arg6[%mul3A_214] : memref<10240xi32, #tpu.memory_space<vmem>> -> memref<512xi32, #tpu.memory_space<vmem>>
      %dma_start3A_220 = arith.constant 0 : i32
      %dma_start3A_221 = arith.constant 0 : i32
      %dma_start3A_222 = tpu.memref_slice %arg3[%dma_start3A_220, %dma_start3A_221] : memref<1000001x32xf32, #tpu.memory_space<hbm>> -> memref<1000001x32xf32, #tpu.memory_space<hbm>>
      tpu.enqueue_indirect_dma source(%dma_start3A_222 : memref<1000001x32xf32, #tpu.memory_space<hbm>>) target(%arg7 : memref<512x32xf32, #tpu.memory_space<vmem>>) offsets(%dma_start3A_219 : memref<512xi32, #tpu.memory_space<vmem>>) semaphore(%arg13 : memref<!tpu.dma_semaphore, #tpu.memory_space<semaphore_mem>>) {add = true}
      %mul3A_223 = arith.constant 5 : i32
      %mul3A_224 = arith.muli %mul3A_223, %scan3A_207 : i32
      %add3A_225 = arith.constant 1 : i32
      %add3A_226 = arith.addi %mul3A_224, %add3A_225 : i32
      %mul3A_227 = arith.constant 512 : i32
      %mul3A_228 = arith.muli %add3A_226, %mul3A_227 : i32
      %dma_wait3A_229 = tpu.memref_slice %arg6[%mul3A_228] : memref<10240xi32, #tpu.memory_space<vmem>> -> memref<512xi32, #tpu.memory_space<vmem>>
      %dma_wait3A_230 = arith.constant 0 : i32
      %dma_wait3A_231 = arith.constant 0 : i32
      %dma_wait3A_232 = tpu.memref_slice %arg3[%dma_wait3A_230, %dma_wait3A_231] : memref<1000001x32xf32, #tpu.memory_space<hbm>> -> memref<1000001x32xf32, #tpu.memory_space<hbm>>
      tpu.wait_indirect_dma semaphore(%arg14 : memref<!tpu.dma_semaphore, #tpu.memory_space<semaphore_mem>>) src(%dma_wait3A_232 : memref<1000001x32xf32, #tpu.memory_space<hbm>>) dst(%arg8 : memref<512x32xf32, #tpu.memory_space<vmem>>)
      %dma_start3A_233 = tpu.memref_slice %arg6[%mul3A_228] : memref<10240xi32, #tpu.memory_space<vmem>> -> memref<512xi32, #tpu.memory_space<vmem>>
      %dma_start3A_234 = arith.constant 0 : i32
      %dma_start3A_235 = arith.constant 0 : i32
      %dma_start3A_236 = tpu.memref_slice %arg3[%dma_start3A_234, %dma_start3A_235] : memref<1000001x32xf32, #tpu.memory_space<hbm>> -> memref<1000001x32xf32, #tpu.memory_space<hbm>>
      tpu.enqueue_indirect_dma source(%dma_start3A_236 : memref<1000001x32xf32, #tpu.memory_space<hbm>>) target(%arg8 : memref<512x32xf32, #tpu.memory_space<vmem>>) offsets(%dma_start3A_233 : memref<512xi32, #tpu.memory_space<vmem>>) semaphore(%arg14 : memref<!tpu.dma_semaphore, #tpu.memory_space<semaphore_mem>>) {add = true}
      %mul3A_237 = arith.constant 5 : i32
      %mul3A_238 = arith.muli %mul3A_237, %scan3A_207 : i32
      %add3A_239 = arith.constant 2 : i32
      %add3A_240 = arith.addi %mul3A_238, %add3A_239 : i32
      %mul3A_241 = arith.constant 512 : i32
      %mul3A_242 = arith.muli %add3A_240, %mul3A_241 : i32
      %dma_wait3A_243 = tpu.memref_slice %arg6[%mul3A_242] : memref<10240xi32, #tpu.memory_space<vmem>> -> memref<512xi32, #tpu.memory_space<vmem>>
      %dma_wait3A_244 = arith.constant 0 : i32
      %dma_wait3A_245 = arith.constant 0 : i32
      %dma_wait3A_246 = tpu.memref_slice %arg3[%dma_wait3A_244, %dma_wait3A_245] : memref<1000001x32xf32, #tpu.memory_space<hbm>> -> memref<1000001x32xf32, #tpu.memory_space<hbm>>
      tpu.wait_indirect_dma semaphore(%arg15 : memref<!tpu.dma_semaphore, #tpu.memory_space<semaphore_mem>>) src(%dma_wait3A_246 : memref<1000001x32xf32, #tpu.memory_space<hbm>>) dst(%arg9 : memref<512x32xf32, #tpu.memory_space<vmem>>)
      %dma_start3A_247 = tpu.memref_slice %arg6[%mul3A_242] : memref<10240xi32, #tpu.memory_space<vmem>> -> memref<512xi32, #tpu.memory_space<vmem>>
      %dma_start3A_248 = arith.constant 0 : i32
      %dma_start3A_249 = arith.constant 0 : i32
      %dma_start3A_250 = tpu.memref_slice %arg3[%dma_start3A_248, %dma_start3A_249] : memref<1000001x32xf32, #tpu.memory_space<hbm>> -> memref<1000001x32xf32, #tpu.memory_space<hbm>>
      tpu.enqueue_indirect_dma source(%dma_start3A_250 : memref<1000001x32xf32, #tpu.memory_space<hbm>>) target(%arg9 : memref<512x32xf32, #tpu.memory_space<vmem>>) offsets(%dma_start3A_247 : memref<512xi32, #tpu.memory_space<vmem>>) semaphore(%arg15 : memref<!tpu.dma_semaphore, #tpu.memory_space<semaphore_mem>>) {add = true}
      %mul3A_251 = arith.constant 5 : i32
      %mul3A_252 = arith.muli %mul3A_251, %scan3A_207 : i32
      %add3A_253 = arith.constant 3 : i32
      %add3A_254 = arith.addi %mul3A_252, %add3A_253 : i32
      %mul3A_255 = arith.constant 512 : i32
      %mul3A_256 = arith.muli %add3A_254, %mul3A_255 : i32
      %dma_wait3A_257 = tpu.memref_slice %arg6[%mul3A_256] : memref<10240xi32, #tpu.memory_space<vmem>> -> memref<512xi32, #tpu.memory_space<vmem>>
      %dma_wait3A_258 = arith.constant 0 : i32
      %dma_wait3A_259 = arith.constant 0 : i32
      %dma_wait3A_260 = tpu.memref_slice %arg3[%dma_wait3A_258, %dma_wait3A_259] : memref<1000001x32xf32, #tpu.memory_space<hbm>> -> memref<1000001x32xf32, #tpu.memory_space<hbm>>
      tpu.wait_indirect_dma semaphore(%arg16 : memref<!tpu.dma_semaphore, #tpu.memory_space<semaphore_mem>>) src(%dma_wait3A_260 : memref<1000001x32xf32, #tpu.memory_space<hbm>>) dst(%arg10 : memref<512x32xf32, #tpu.memory_space<vmem>>)
      %dma_start3A_261 = tpu.memref_slice %arg6[%mul3A_256] : memref<10240xi32, #tpu.memory_space<vmem>> -> memref<512xi32, #tpu.memory_space<vmem>>
      %dma_start3A_262 = arith.constant 0 : i32
      %dma_start3A_263 = arith.constant 0 : i32
      %dma_start3A_264 = tpu.memref_slice %arg3[%dma_start3A_262, %dma_start3A_263] : memref<1000001x32xf32, #tpu.memory_space<hbm>> -> memref<1000001x32xf32, #tpu.memory_space<hbm>>
      tpu.enqueue_indirect_dma source(%dma_start3A_264 : memref<1000001x32xf32, #tpu.memory_space<hbm>>) target(%arg10 : memref<512x32xf32, #tpu.memory_space<vmem>>) offsets(%dma_start3A_261 : memref<512xi32, #tpu.memory_space<vmem>>) semaphore(%arg16 : memref<!tpu.dma_semaphore, #tpu.memory_space<semaphore_mem>>) {add = true}
      %mul3A_265 = arith.constant 5 : i32
      %mul3A_266 = arith.muli %mul3A_265, %scan3A_207 : i32
      %add3A_267 = arith.constant 4 : i32
      %add3A_268 = arith.addi %mul3A_266, %add3A_267 : i32
      %mul3A_269 = arith.constant 512 : i32
      %mul3A_270 = arith.muli %add3A_268, %mul3A_269 : i32
      %dma_wait3A_271 = tpu.memref_slice %arg6[%mul3A_270] : memref<10240xi32, #tpu.memory_space<vmem>> -> memref<512xi32, #tpu.memory_space<vmem>>
      %dma_wait3A_272 = arith.constant 0 : i32
      %dma_wait3A_273 = arith.constant 0 : i32
      %dma_wait3A_274 = tpu.memref_slice %arg3[%dma_wait3A_272, %dma_wait3A_273] : memref<1000001x32xf32, #tpu.memory_space<hbm>> -> memref<1000001x32xf32, #tpu.memory_space<hbm>>
      tpu.wait_indirect_dma semaphore(%arg17 : memref<!tpu.dma_semaphore, #tpu.memory_space<semaphore_mem>>) src(%dma_wait3A_274 : memref<1000001x32xf32, #tpu.memory_space<hbm>>) dst(%arg11 : memref<512x32xf32, #tpu.memory_space<vmem>>)
      %dma_start3A_275 = tpu.memref_slice %arg6[%mul3A_270] : memref<10240xi32, #tpu.memory_space<vmem>> -> memref<512xi32, #tpu.memory_space<vmem>>
      %dma_start3A_276 = arith.constant 0 : i32
      %dma_start3A_277 = arith.constant 0 : i32
      %dma_start3A_278 = tpu.memref_slice %arg3[%dma_start3A_276, %dma_start3A_277] : memref<1000001x32xf32, #tpu.memory_space<hbm>> -> memref<1000001x32xf32, #tpu.memory_space<hbm>>
      tpu.enqueue_indirect_dma source(%dma_start3A_278 : memref<1000001x32xf32, #tpu.memory_space<hbm>>) target(%arg11 : memref<512x32xf32, #tpu.memory_space<vmem>>) offsets(%dma_start3A_275 : memref<512xi32, #tpu.memory_space<vmem>>) semaphore(%arg17 : memref<!tpu.dma_semaphore, #tpu.memory_space<semaphore_mem>>) {add = true}
      %scan3A_279 = arith.constant 0 : i32
      scf.yield %scan3A_279 : i32
    }
    %scan3A_174 = arith.constant 4 : i32
    %dma_wait3A_175 = arith.constant 0 : i32
    %dma_wait3A_176 = tpu.memref_slice %arg5[%dma_wait3A_175] : memref<10240xi32, #tpu.memory_space<vmem>> -> memref<512xi32, #tpu.memory_space<vmem>>
    %dma_wait3A_177 = arith.constant 0 : i32
    %dma_wait3A_178 = arith.constant 0 : i32
    %dma_wait3A_179 = tpu.memref_slice %arg3[%dma_wait3A_177, %dma_wait3A_178] : memref<1000001x32xf32, #tpu.memory_space<hbm>> -> memref<1000001x32xf32, #tpu.memory_space<hbm>>
    tpu.wait_indirect_dma semaphore(%arg13 : memref<!tpu.dma_semaphore, #tpu.memory_space<semaphore_mem>>) src(%dma_wait3A_179 : memref<1000001x32xf32, #tpu.memory_space<hbm>>) dst(%arg7 : memref<512x32xf32, #tpu.memory_space<vmem>>)
    %dma_wait3A_180 = arith.constant 0 : i32
    %dma_wait3A_181 = tpu.memref_slice %arg5[%dma_wait3A_180] : memref<10240xi32, #tpu.memory_space<vmem>> -> memref<512xi32, #tpu.memory_space<vmem>>
    %dma_wait3A_182 = arith.constant 0 : i32
    %dma_wait3A_183 = arith.constant 0 : i32
    %dma_wait3A_184 = tpu.memref_slice %arg3[%dma_wait3A_182, %dma_wait3A_183] : memref<1000001x32xf32, #tpu.memory_space<hbm>> -> memref<1000001x32xf32, #tpu.memory_space<hbm>>
    tpu.wait_indirect_dma semaphore(%arg14 : memref<!tpu.dma_semaphore, #tpu.memory_space<semaphore_mem>>) src(%dma_wait3A_184 : memref<1000001x32xf32, #tpu.memory_space<hbm>>) dst(%arg8 : memref<512x32xf32, #tpu.memory_space<vmem>>)
    %dma_wait3A_185 = arith.constant 0 : i32
    %dma_wait3A_186 = tpu.memref_slice %arg5[%dma_wait3A_185] : memref<10240xi32, #tpu.memory_space<vmem>> -> memref<512xi32, #tpu.memory_space<vmem>>
    %dma_wait3A_187 = arith.constant 0 : i32
    %dma_wait3A_188 = arith.constant 0 : i32
    %dma_wait3A_189 = tpu.memref_slice %arg3[%dma_wait3A_187, %dma_wait3A_188] : memref<1000001x32xf32, #tpu.memory_space<hbm>> -> memref<1000001x32xf32, #tpu.memory_space<hbm>>
    tpu.wait_indirect_dma semaphore(%arg15 : memref<!tpu.dma_semaphore, #tpu.memory_space<semaphore_mem>>) src(%dma_wait3A_189 : memref<1000001x32xf32, #tpu.memory_space<hbm>>) dst(%arg9 : memref<512x32xf32, #tpu.memory_space<vmem>>)
    %dma_wait3A_190 = arith.constant 0 : i32
    %dma_wait3A_191 = tpu.memref_slice %arg5[%dma_wait3A_190] : memref<10240xi32, #tpu.memory_space<vmem>> -> memref<512xi32, #tpu.memory_space<vmem>>
    %dma_wait3A_192 = arith.constant 0 : i32
    %dma_wait3A_193 = arith.constant 0 : i32
    %dma_wait3A_194 = tpu.memref_slice %arg3[%dma_wait3A_192, %dma_wait3A_193] : memref<1000001x32xf32, #tpu.memory_space<hbm>> -> memref<1000001x32xf32, #tpu.memory_space<hbm>>
    tpu.wait_indirect_dma semaphore(%arg16 : memref<!tpu.dma_semaphore, #tpu.memory_space<semaphore_mem>>) src(%dma_wait3A_194 : memref<1000001x32xf32, #tpu.memory_space<hbm>>) dst(%arg10 : memref<512x32xf32, #tpu.memory_space<vmem>>)
    %dma_wait3A_195 = arith.constant 0 : i32
    %dma_wait3A_196 = tpu.memref_slice %arg5[%dma_wait3A_195] : memref<10240xi32, #tpu.memory_space<vmem>> -> memref<512xi32, #tpu.memory_space<vmem>>
    %dma_wait3A_197 = arith.constant 0 : i32
    %dma_wait3A_198 = arith.constant 0 : i32
    %dma_wait3A_199 = tpu.memref_slice %arg3[%dma_wait3A_197, %dma_wait3A_198] : memref<1000001x32xf32, #tpu.memory_space<hbm>> -> memref<1000001x32xf32, #tpu.memory_space<hbm>>
    tpu.wait_indirect_dma semaphore(%arg17 : memref<!tpu.dma_semaphore, #tpu.memory_space<semaphore_mem>>) src(%dma_wait3A_199 : memref<1000001x32xf32, #tpu.memory_space<hbm>>) dst(%arg11 : memref<512x32xf32, #tpu.memory_space<vmem>>)
    %scan3A_200 = arith.constant 0 : i32
    %scan3A_201 = arith.constant 0 : i32
    %scan3A_202 = arith.constant 512 : i32
    %scan3A_203 = arith.addi %scan3A_201, %scan3A_202 : i32
    %scan3A_204 = arith.constant 1 : i32
    %scan3A_205 = scf.for %scan3A_207 = %scan3A_201 to %scan3A_203 step %scan3A_204 iter_args(%scan3A_208 = %scan3A_200) -> (i32)  : i32 {
      %get3A = arith.index_cast %scan3A_207 : i32 to index
      %get3A_209 = arith.constant 0 : index
      %get3A_210 = tpu.vector_load %arg7[%get3A, %get3A_209] {strides = array<i32>} : memref<512x32xf32, #tpu.memory_space<vmem>>, vector<1x16xf32>,
      %get3A_211 = vector.shape_cast %get3A_210 : vector<1x16xf32> to vector<16xf32>
      %get3A_212 = arith.index_cast %scan3A_207 : i32 to index
      %get3A_213 = arith.constant 0 : index
      %get3A_214 = tpu.vector_load %arg8[%get3A_212, %get3A_213] {strides = array<i32>} : memref<512x32xf32, #tpu.memory_space<vmem>>, vector<1x16xf32>,
      %get3A_215 = vector.shape_cast %get3A_214 : vector<1x16xf32> to vector<16xf32>
      %add3A_216 = arith.addf %get3A_211, %get3A_215 : vector<16xf32>
      %get3A_217 = arith.index_cast %scan3A_207 : i32 to index
      %get3A_218 = arith.constant 0 : index
      %get3A_219 = tpu.vector_load %arg9[%get3A_217, %get3A_218] {strides = array<i32>} : memref<512x32xf32, #tpu.memory_space<vmem>>, vector<1x16xf32>,
      %get3A_220 = vector.shape_cast %get3A_219 : vector<1x16xf32> to vector<16xf32>
      %get3A_221 = arith.index_cast %scan3A_207 : i32 to index
      %get3A_222 = arith.constant 0 : index
      %get3A_223 = tpu.vector_load %arg10[%get3A_221, %get3A_222] {strides = array<i32>} : memref<512x32xf32, #tpu.memory_space<vmem>>, vector<1x16xf32>,
      %get3A_224 = vector.shape_cast %get3A_223 : vector<1x16xf32> to vector<16xf32>
      %add3A_225 = arith.addf %get3A_220, %get3A_224 : vector<16xf32>
      %add3A_226 = arith.addf %add3A_216, %add3A_225 : vector<16xf32>
      %get3A_227 = arith.index_cast %scan3A_207 : i32 to index
      %get3A_228 = arith.constant 0 : index
      %get3A_229 = tpu.vector_load %arg11[%get3A_227, %get3A_228] {strides = array<i32>} : memref<512x32xf32, #tpu.memory_space<vmem>>, vector<1x16xf32>,
      %get3A_230 = vector.shape_cast %get3A_229 : vector<1x16xf32> to vector<16xf32>
      %add3A_231 = arith.addf %add3A_226, %get3A_230 : vector<16xf32>
      %swap3A = arith.index_cast %scan3A_207 : i32 to index
      %swap3A_232 = arith.constant 0 : index
      %swap3A_233 = tpu.vector_load %arg7[%swap3A, %swap3A_232] {strides = array<i32>} : memref<512x32xf32, #tpu.memory_space<vmem>>, vector<1x16xf32>,
      %swap3A_234 = vector.shape_cast %swap3A_233 : vector<1x16xf32> to vector<16xf32>
      %swap3A_235 = vector.shape_cast %add3A_231 : vector<16xf32> to vector<1x16xf32>
      tpu.vector_store %arg7[%swap3A, %swap3A_232], %swap3A_235 {strides = array<i32>} : memref<512x32xf32, #tpu.memory_space<vmem>>, vector<1x16xf32>,
      %get3A_236 = arith.index_cast %scan3A_207 : i32 to index
      %get3A_237 = arith.constant 16 : index
      %get3A_238 = tpu.vector_load %arg7[%get3A_236, %get3A_237] {strides = array<i32>} : memref<512x32xf32, #tpu.memory_space<vmem>>, vector<1x16xf32>,
      %get3A_239 = vector.shape_cast %get3A_238 : vector<1x16xf32> to vector<16xf32>
      %get3A_240 = arith.index_cast %scan3A_207 : i32 to index
      %get3A_241 = arith.constant 16 : index
      %get3A_242 = tpu.vector_load %arg8[%get3A_240, %get3A_241] {strides = array<i32>} : memref<512x32xf32, #tpu.memory_space<vmem>>, vector<1x16xf32>,
      %get3A_243 = vector.shape_cast %get3A_242 : vector<1x16xf32> to vector<16xf32>
      %add3A_244 = arith.addf %get3A_239, %get3A_243 : vector<16xf32>
      %get3A_245 = arith.index_cast %scan3A_207 : i32 to index
      %get3A_246 = arith.constant 16 : index
      %get3A_247 = tpu.vector_load %arg9[%get3A_245, %get3A_246] {strides = array<i32>} : memref<512x32xf32, #tpu.memory_space<vmem>>, vector<1x16xf32>,
      %get3A_248 = vector.shape_cast %get3A_247 : vector<1x16xf32> to vector<16xf32>
      %get3A_249 = arith.index_cast %scan3A_207 : i32 to index
      %get3A_250 = arith.constant 16 : index
      %get3A_251 = tpu.vector_load %arg10[%get3A_249, %get3A_250] {strides = array<i32>} : memref<512x32xf32, #tpu.memory_space<vmem>>, vector<1x16xf32>,
      %get3A_252 = vector.shape_cast %get3A_251 : vector<1x16xf32> to vector<16xf32>
      %add3A_253 = arith.addf %get3A_248, %get3A_252 : vector<16xf32>
      %add3A_254 = arith.addf %add3A_244, %add3A_253 : vector<16xf32>
      %get3A_255 = arith.index_cast %scan3A_207 : i32 to index
      %get3A_256 = arith.constant 16 : index
      %get3A_257 = tpu.vector_load %arg11[%get3A_255, %get3A_256] {strides = array<i32>} : memref<512x32xf32, #tpu.memory_space<vmem>>, vector<1x16xf32>,
      %get3A_258 = vector.shape_cast %get3A_257 : vector<1x16xf32> to vector<16xf32>
      %add3A_259 = arith.addf %add3A_254, %get3A_258 : vector<16xf32>
      %swap3A_260 = arith.index_cast %scan3A_207 : i32 to index
      %swap3A_261 = arith.constant 16 : index
      %swap3A_262 = tpu.vector_load %arg7[%swap3A_260, %swap3A_261] {strides = array<i32>} : memref<512x32xf32, #tpu.memory_space<vmem>>, vector<1x16xf32>,
      %swap3A_263 = vector.shape_cast %swap3A_262 : vector<1x16xf32> to vector<16xf32>
      %swap3A_264 = vector.shape_cast %add3A_259 : vector<16xf32> to vector<1x16xf32>
      tpu.vector_store %arg7[%swap3A_260, %swap3A_261], %swap3A_264 {strides = array<i32>} : memref<512x32xf32, #tpu.memory_space<vmem>>, vector<1x16xf32>,
      %scan3A_265 = arith.constant 0 : i32
      scf.yield %scan3A_265 : i32
    }
    %scan3A_206 = arith.constant 512 : i32
    "tpu.region"() ({
      %run_scoped3A = tpu.sem_alloc : memref<!tpu.dma_semaphore, #tpu.memory_space<semaphore_mem>>
      %dma_start3A_207 = arith.constant 0 : i32
      %dma_start3A_208 = tpu.memref_slice %arg4[%mul3A_2, %dma_start3A_207] : memref<16384x32xf32, #tpu.memory_space<hbm>> -> memref<512x32xf32, #tpu.memory_space<hbm>>
      %dma_start3A_209 = arith.constant 0 : i32
      %dma_start3A_210 = tpu.memref_slice %arg4[%mul3A_2, %dma_start3A_209] : memref<16384x32xf32, #tpu.memory_space<hbm>> -> memref<512x32xf32, #tpu.memory_space<hbm>>
      tpu.enqueue_dma source(%arg7 : memref<512x32xf32, #tpu.memory_space<vmem>>) target(%dma_start3A_210 : memref<512x32xf32, #tpu.memory_space<hbm>>) target_semaphore(%run_scoped3A : memref<!tpu.dma_semaphore, #tpu.memory_space<semaphore_mem>>)
      %dma_wait3A_211 = arith.constant 0 : i32
      %dma_wait3A_212 = tpu.memref_slice %arg4[%mul3A_2, %dma_wait3A_211] : memref<16384x32xf32, #tpu.memory_space<hbm>> -> memref<512x32xf32, #tpu.memory_space<hbm>>
      %dma_wait3A_213 = arith.constant 0 : i32
      %dma_wait3A_214 = tpu.memref_slice %arg4[%mul3A_2, %dma_wait3A_213] : memref<16384x32xf32, #tpu.memory_space<hbm>> -> memref<512x32xf32, #tpu.memory_space<hbm>>
      tpu.wait_dma2 semaphore(%run_scoped3A : memref<!tpu.dma_semaphore, #tpu.memory_space<semaphore_mem>>) src(%arg7 : memref<512x32xf32, #tpu.memory_space<vmem>>) dst(%dma_wait3A_214 : memref<512x32xf32, #tpu.memory_space<hbm>>)
      tpu.yield
    }) : () -> ()
    return
  }
}

module attributes {stable_mosaic.version = 14 : i64} {
  func.func @_perm_body(%arg0: i32, %arg1: memref<512x200xi32, #tpu.memory_space<vmem>>, %arg2: memref<102400xi32, #tpu.memory_space<vmem>>) attributes {dimension_semantics = [#tpu.dimension_semantics<arbitrary>], iteration_bounds = array<i64: 32>, scalar_prefetch = 0 : i64, scratch_operands = 0 : i64, tpu.core_type = #tpu.core_type<tc>, window_params = [{transform_indices = @transform_0, window_bounds = array<i64: 512, 200>}, {transform_indices = @transform_1, window_bounds = array<i64: 102400>}]} {
    %get3A = arith.constant 0 : index
    %get3A_0 = arith.constant 0 : index
    %get3A_1 = vector.load %arg1[%get3A, %get3A_0] : memref<512x200xi32, #tpu.memory_space<vmem>>, vector<512x200xi32>
    %transpose3A = tpu.transpose %get3A_1, [1, 0] : vector<512x200xi32> -> vector<200x512xi32>
    %reshape3A = vector.shape_cast %transpose3A : vector<200x512xi32> to vector<102400xi32>
    %swap3A = arith.constant 0 : index
    %swap3A_2 = vector.load %arg2[%swap3A] : memref<102400xi32, #tpu.memory_space<vmem>>, vector<102400xi32>
    tpu.vector_store %arg2[%swap3A], %reshape3A {strides = array<i32>} : memref<102400xi32, #tpu.memory_space<vmem>>, vector<102400xi32>,
    return
  }
  func.func @transform_0(%arg0: i32) -> (i32, i32) {
    %c0_i32 = arith.constant 0 : i32
    %c0_i32_0 = arith.constant 0 : i32
    return %arg0, %c0_i32 : i32, i32
  }
  func.func @transform_1(%arg0: i32) -> i32 {
    %c0_i32 = arith.constant 0 : i32
    return %arg0 : i32
  }
}

module attributes {stable_mosaic.version = 14 : i64} {
  func.func @_mlp_body(%arg0: memref<16384x32xf32, #tpu.memory_space<vmem>>, %arg1: memref<32x8xf32, #tpu.memory_space<vmem>>, %arg2: memref<1x8xf32, #tpu.memory_space<vmem>>, %arg3: memref<8x1xf32, #tpu.memory_space<vmem>>, %arg4: memref<1x1xf32, #tpu.memory_space<vmem>>, %arg5: memref<16384x1xf32, #tpu.memory_space<vmem>>) attributes {dimension_semantics = [], scalar_prefetch = 0 : i64, scratch_operands = 0 : i64, tpu.core_type = #tpu.core_type<tc>} {
    %get3A = arith.constant 0 : index
    %get3A_0 = arith.constant 0 : index
    %get3A_1 = vector.load %arg0[%get3A, %get3A_0] : memref<16384x32xf32, #tpu.memory_space<vmem>>, vector<16384x32xf32>
    %mul3A = arith.constant 5.000000e-03 : f32
    %mul3A_2 = vector.broadcast %mul3A : f32 to vector<16384x32xf32>
    %mul3A_3 = arith.mulf %get3A_1, %mul3A_2 : vector<16384x32xf32>
    %get3A_4 = arith.constant 0 : index
    %get3A_5 = arith.constant 0 : index
    %get3A_6 = vector.load %arg1[%get3A_4, %get3A_5] : memref<32x8xf32, #tpu.memory_space<vmem>>, vector<32x8xf32>
    %dot_general3A = arith.constant dense<0.000000e+00> : vector<16384x8xf32>
    %dot_general3A_7 = tpu.matmul %mul3A_3, %get3A_6, %dot_general3A {dimension_numbers = #tpu.dot_dimension_numbers<[1], [0], [0], [1], [0, 0, 1, 1], [], []>, transpose_lhs_hint = false} : vector<16384x32xf32>, vector<32x8xf32>, vector<16384x8xf32> -> vector<16384x8xf32>
    %get3A_8 = arith.constant 0 : index
    %get3A_9 = arith.constant 0 : index
    %get3A_10 = vector.load %arg2[%get3A_8, %get3A_9] : memref<1x8xf32, #tpu.memory_space<vmem>>, vector<1x8xf32>
    %add3A = vector.broadcast %get3A_10 : vector<1x8xf32> to vector<16384x8xf32>
    %add3A_11 = arith.addf %dot_general3A_7, %add3A : vector<16384x8xf32>
    %max3A = arith.constant 0.000000e+00 : f32
    %max3A_12 = vector.broadcast %max3A : f32 to vector<16384x8xf32>
    %max3A_13 = arith.maximumf %add3A_11, %max3A_12 : vector<16384x8xf32>
    %get3A_14 = arith.constant 0 : index
    %get3A_15 = arith.constant 0 : index
    %get3A_16 = vector.load %arg3[%get3A_14, %get3A_15] : memref<8x1xf32, #tpu.memory_space<vmem>>, vector<8x1xf32>
    %dot_general3A_17 = arith.constant dense<0.000000e+00> : vector<16384x1xf32>
    %dot_general3A_18 = tpu.matmul %max3A_13, %get3A_16, %dot_general3A_17 {dimension_numbers = #tpu.dot_dimension_numbers<[1], [0], [0], [1], [0, 0, 1, 1], [], []>, transpose_lhs_hint = false} : vector<16384x8xf32>, vector<8x1xf32>, vector<16384x1xf32> -> vector<16384x1xf32>
    %get3A_19 = arith.constant 0 : index
    %get3A_20 = arith.constant 0 : index
    %get3A_21 = vector.load %arg4[%get3A_19, %get3A_20] : memref<1x1xf32, #tpu.memory_space<vmem>>, vector<1x1xf32>
    %add3A_22 = vector.broadcast %get3A_21 : vector<1x1xf32> to vector<16384x1xf32>
    %add3A_23 = arith.addf %dot_general3A_18, %add3A_22 : vector<16384x1xf32>
    %swap3A = arith.constant 0 : index
    %swap3A_24 = arith.constant 0 : index
    %swap3A_25 = vector.load %arg5[%swap3A, %swap3A_24] : memref<16384x1xf32, #tpu.memory_space<vmem>>, vector<16384x1xf32>
    tpu.vector_store %arg5[%swap3A, %swap3A_24], %add3A_23 {strides = array<i32>} : memref<16384x1xf32, #tpu.memory_space<vmem>>, vector<16384x1xf32>,
    return
  }
}

</mosaic_0001>

<sc_bundles>
// kernel: kernel.5.cloned.1.call-start
scs
__scs_entry_jumppad:
0x0: {  	(pc) =	sbr.rel $0x88, $3  }
0x1: {  	(tag) =	ssettag $0x0;
	lr =	simm.s32 $0x1  }
0x2: {  	[smem:$0x3F9B] =	sst lr;
	_ =	strace $0xD0000000  }
0x3: {  	_ = 	snop  }
0x4: {  	_ = 	snop  }
0x5: {  	_ = 	snop  }
0x6: {  	_ = 	snop  }
0x7: {  	_ = 	snop  }
__scs_overlays_trampoline_lowered:
0x8: {  	[smem:$0x3FAA] =	sst s0  }
0x9: {  	[smem:$0x3FAB] =	sst s1  }
0xa: {  	[smem:$0x3FAC] =	sst s2  }
0xb: {  	[smem:$0x3FAD] =	sst s3  }
0xc: {  	[smem:$0x3FAE] =	sst s4  }
0xd: {  	[smem:$0x3FAF] =	sst s5  }
0xe: {  	[smem:$0x3FB0] =	sst s6  }
0xf: {  	[smem:$0x3FB1] =	sst s7  }
0x10: {  	[smem:$0x3FB2] =	sst s8  }
0x11: {  	[smem:$0x3FB3] =	sst s9;
	s0 =	simm.s32 @!p0 $0x0  }
0x12: {  	s1 =	sld [smem:$0x3F99];
	s0 =	simm.s32 @p0 $0x1  }
0x13: {  	[smem:$0x3FB4] =	sst s0;
	s0 =	simm.s32 @!p1 $0x0  }
0x14: {  	s2 =	sld [smem:$0x3F98];
	s0 =	simm.s32 @p1 $0x1  }
0x15: {  	[smem:$0x3FB5] =	sst s0;
	s0 =	simm.s32 @!p2 $0x0  }
0x16: {  	s3 =	sld [smem:$0x3FDB];
	s0 =	simm.s32 @p2 $0x1  }
0x17: {  	s4 =	simm.s32 $0x1BF5;
	[smem:$0x3FB7] =	sst s0  }
0x18: {  	s0 =	sld [smem:$0x3F9A];
	_ =	swait.ge [sflag:s4], $0x0  }
0x19: {  	s7 =	sld [smem:$0x3F9B]  }
0x1a: {  	s8 =	sadd.s32 $0xFFFFE003, lr  }
0x1b: {  	s9 =	sadd.s32 $0xFFFFFEF7, lr;
	s5 =	simm.s32 $0xFFFFFFFF;
	p2 =	slt.u32 s8, $0xFFFFF086  }
0x1c: {  	p1 =	slt.u32 s9, $0xF7A;
	s5 =	simm.s32 @!p2 $0x0  }
0x1d: {  	s5 =	simm.s32 @p1 $0x1;
	p0 =	seq.s32 s7, s2  }
0x1e: {  	s7 =	smul.u32 @!p0 $0xF7A, s2;
	p2 =	seq.s32 @!p0 s5, $0x0  }
0x1f: {  	s9 =	smul.u32 $0xF7A, s1;
	s8 =	simm.s32 @!p0 $0x1BF5;
	p2 =	por !p2, p0  }
0x20: {  	[sflag:s8] =	ssyncset.s32 @!p0 $0xFFFFF086;
	s6 =	sadd.s32 @!p0 s3, s7;
	s7 =	simm.s32 @!p0 $0x108  }
0x21: {  	s3 =	sadd.s32 s3, s9;
	s6 =	sadd.s32 @!p0 $0x88, s6;
	s7 =	simm.s32 @p2 $0x1082  }
0x22: {  	[simem:s7], [sflag:s8] =	dma.local @!p0 [hbm:s6], $0xF7A  }
0x23: {  	s9 =	sor.u32 $0xD0000000, s2;
	s6 =	simm.s32 $0x108;
	_ =	swait.ge @!p0 [sflag:s8], $0x0  }
0x24: {  	s3 =	sadd.s32 $0x88, s3;
	s6 =	simm.s32 @!p1 $0x1082;
	[sflag:s4] =	ssyncset.s32 $0xFFFFF086  }
0x25: {  	[simem:s6], [sflag:s4] =	dma.local [hbm:s3], $0xF7A  }
0x26: {  	[smem:$0x3F9B] =	sst s1;
	(tag) =	ssettag s2;
	_ =	strace s9  }
0x27: {  	s1 =	sld [smem:$0x3FAB]  }
0x28: {  	s2 =	sld [smem:$0x3FAC]  }
0x29: {  	s4 =	sld [smem:$0x3FAE]  }
0x2a: {  	p0 =	seq.s32 s5, $0x0;
	s5 =	sld [smem:$0x3FAF]  }
0x2b: {  	s6 =	sld [smem:$0x3FB0]  }
0x2c: {  	s7 =	sld [smem:$0x3FB1]  }
0x2d: {  	s3 =	simm.s32 $0x108;
	s8 =	sld [smem:$0x3FB2]  }
0x2e: {  	s3 =	simm.s32 @!p0 $0x1082;
	s9 =	sld [smem:$0x3FB3]  }
0x2f: {  	lr =	sadd.s32 s0, s3;
	s0 =	sld [smem:$0x3FAA]  }
0x30: {  	s3 =	sld [smem:$0x3FAD]  }
0x31: {  	[smem:$0x3FB6] =	sst s10  }
0x32: {  	s10 =	sld [smem:$0x3FB4];
	_ =	sdelay $0x3  }
0x33: {  	p0 =	seq.s32 s10, $0x1;
	s10 =	sld [smem:$0x3FB6];
	_ =	sdelay $0x3  }
0x34: {  	[smem:$0x3FB6] =	sst s10  }
0x35: {  	s10 =	sld [smem:$0x3FB5];
	_ =	sdelay $0x3  }
0x36: {  	p1 =	seq.s32 s10, $0x1;
	s10 =	sld [smem:$0x3FB6];
	_ =	sdelay $0x3  }
0x37: {  	[smem:$0x3FB6] =	sst s10  }
0x38: {  	s10 =	sld [smem:$0x3FB7]  }
0x39: {  	_ = 	snop;
	(pc) =	sbr.ind lr, $3  }
0x3a: {  	_ = 	snop  }
0x3b: {  	_ = 	snop  }
0x3c: {  	p2 =	seq.s32 s10, $0x1;
	s10 =	sld [smem:$0x3FB6]  }
0x3d: {  	_ =	shalt  }
0x3e: {  	_ =	shalt  }
0x3f: {  	_ =	shalt  }
0x40: {  	_ =	shalt  }
0x41: {  	_ =	shalt  }
0x42: {  	_ =	shalt  }
0x43: {  	_ =	shalt  }
0x44: {  	_ =	shalt  }
0x45: {  	_ =	shalt  }
0x46: {  	_ =	shalt  }
0x47: {  	_ =	shalt  }
0x48: {  	_ =	shalt  }
0x49: {  	_ =	shalt  }
0x4a: {  	_ =	shalt  }
0x4b: {  	_ =	shalt  }
0x4c: {  	_ =	shalt  }
0x4d: {  	_ =	shalt  }
0x4e: {  	_ =	shalt  }
0x4f: {  	_ =	shalt  }
0x50: {  	_ =	shalt  }
0x51: {  	_ =	shalt  }
0x52: {  	_ =	shalt  }
0x53: {  	_ =	shalt  }
0x54: {  	_ =	shalt  }
0x55: {  	_ =	shalt  }
0x56: {  	_ =	shalt  }
0x57: {  	_ =	shalt  }
0x58: {  	_ =	shalt  }
0x59: {  	_ =	shalt  }
0x5a: {  	_ =	shalt  }
0x5b: {  	_ =	shalt  }
0x5c: {  	_ =	shalt  }
0x5d: {  	_ =	shalt  }
0x5e: {  	_ =	shalt  }
0x5f: {  	_ =	shalt  }
0x60: {  	_ =	shalt  }
0x61: {  	_ =	shalt  }
0x62: {  	_ =	shalt  }
0x63: {  	_ =	shalt  }
0x64: {  	_ =	shalt  }
0x65: {  	_ =	shalt  }
0x66: {  	_ =	shalt  }
0x67: {  	_ =	shalt  }
0x68: {  	_ =	shalt  }
0x69: {  	_ =	shalt  }
0x6a: {  	_ =	shalt  }
0x6b: {  	_ =	shalt  }
0x6c: {  	_ =	shalt  }
0x6d: {  	_ =	shalt  }
0x6e: {  	_ =	shalt  }
0x6f: {  	_ =	shalt  }
0x70: {  	_ =	shalt  }
0x71: {  	_ =	shalt  }
0x72: {  	_ =	shalt  }
0x73: {  	_ =	shalt  }
0x74: {  	_ =	shalt  }
0x75: {  	_ =	shalt  }
0x76: {  	_ =	shalt  }
0x77: {  	_ =	shalt  }
0x78: {  	_ =	shalt  }
0x79: {  	_ =	shalt  }
0x7a: {  	_ =	shalt  }
0x7b: {  	_ =	shalt  }
0x7c: {  	_ =	shalt  }
0x7d: {  	_ =	shalt  }
0x7e: {  	_ =	shalt  }
0x7f: {  	_ =	shalt  }
0x80: {  	_ =	shalt  }
0x81: {  	_ =	shalt  }
0x82: {  	_ =	shalt  }
0x83: {  	_ =	shalt  }
0x84: {  	_ =	shalt  }
0x85: {  	_ =	shalt  }
0x86: {  	_ =	shalt  }
0x87: {  	_ =	shalt  }
.Lfunc_end0:
.L_simem_size_0:
called_computation_lowered:
.L_overlay_start_0:
0x88: {  	s2 =	sld [smem:$0x3FD9]  }
0x89: {  	s3 =	sld [smem:$0x3FFE];
	_ =	sdelay $0x1  }
0x8a: {  	s1 =	srdreg.scid  }
0x8b: {  	s0 =	sand.u32 $0x1, s1  }
0x8c: {  	s16 =	sshll.u32 s0, $0xA;
	s2 =	sadd.s32 s3, s2  }
0x8d: {  	s2 =	sadd.s32 s2, s16  }
0x8e: {  	[smem:$0x3FC2] =	sst s2  }
0x8f: {  	_ = 	snop  }
0x90: {  	(tm) =	ssettm $0x1  }
0x91: {  	s17 =	sld [smem:$0x3FFB];
	_ =	sdelay $0x3  }
0x92: {  	_ =	strace s17  }
0x93: {  	s2 =	sld [smem:$0x3FFC];
	_ =	sdelay $0x3  }
0x94: {  	_ =	strace s2  }
0x95: {  	s2 =	sld [smem:$0x3FFD];
	_ =	sdelay $0x3  }
0x96: {  	_ =	strace s2  }
0x97: {  	_ =	strace $0x8FFFFFFF  }
0x98: {  	s18 =	sld [smem:$0x3FDB];
	_ =	sdelay $0x1  }
0x99: {  	s19 =	simm.s32 $_scs_section_size  }
0x9a: {  	s4 =	simm.s32 $_size__tile_overlayer_lowered;
	s5 =	simm.s32 $_tile_overlayer_lowered  }
0x9b: {  	s22 =	simm.s32 $0x1BFF;
	s21 =	sshll.u32 s5, $0x1;
	s2 =	sadd.s32 s19, s18  }
0x9c: {  	s6 =	simm.s32 $0x0;
	s20 =	sshll.u32 s4, $0x1;
	s4 =	sadd.s32 s21, s2  }
0x9d: {  	[timem:s6], [sflag:s22] =	dma.local [hbm:s4], s20  }
0x9e: {  	_ =	swait.ge [sflag:s22], s20  }
0x9f: {  	s3 =	ssub.s32 $0x0, s20;
	[sflag:s22] =	ssyncset.done $0x0  }
0xa0: {  	[sflag:s22] =	ssyncadd.s32 s3;
	_ =	sdelay $0x1  }
0xa1: {  	s23 =	simm.s32 $0x1B8B  }
0xa2: {  	_ =	swait.ge [sflag:s23], $0x1  }
0xa3: {  	[sflag:s23] =	ssyncset.done $0x0  }
0xa4: {  	s25 =	simm.s32 $0x1B8E;
	s24 =	sld [smem:$0x3FFE];
	[sflag:s23] =	ssyncadd.s32 $0xFFFFFFFF  }
0xa5: {  	s26 =	simm.s32 $execute0_lowered;
	[smem:$0x3FD2] =	sst s25  }
0xa6: {  	s4 =	sshll.u32 s26, $0x1;
	_ =	strace $0x80000046;
	[dreg:$0x1] =	wrdreg $0xFFFFFFFF  }
0xa7: {  	s28 =	simm.s32 $_size_execute0_lowered;
	s2 =	sadd.s32 s2, s4;
	[dreg:$0x0] =	wrdreg $0x0  }
0xa8: {  	s4 =	sshll.u32 s28, $0x1;
	[dreg:$0x2] =	wrdreg s2  }
0xa9: {  	[dreg:$0x3] =	wrdreg s4  }
0xaa: {  	[dreg:$0x4] =	wrdreg $0xC0  }
0xab: {  	_ =	task [dreg:s6], $0x5FFFF  }
0xac: {  	[dreg:$0x1] =	wrdreg $0xFFFFFFFF  }
0xad: {  	[dreg:$0x0] =	wrdreg $0x60  }
0xae: {  	[dreg:$0x2] =	wrdreg s24  }
0xaf: {  	[dreg:$0x3] =	wrdreg $0x9  }
0xb0: {  	_ =	task.clear_ibuf [dreg:s6], $0x4FFFF;
	_ =	strace $0x90000046  }
0xb1: {  	s29 =	simm.s32 $0x9;
	_ =	strace $0x80000048  }
0xb2: {  	_ =	swait.ge [sflag:s29], $0x1  }
0xb3: {  	[sflag:s29] =	ssyncadd.s32 $0xFFFFFFFF  }
0xb4: {  	_ =	strace $0x90000048  }
0xb5: {  	_ =	sfence  }
0xb6: {  	s30 =	sld [smem:$0x0];
	_ =	sdelay $0x2  }
0xb7: {  	s31 =	sshll.u32 s1, $0xD;
	s1 =	sshrl.u32 s1, $0x2  }
0xb8: {  	s3 =	sand.u32 $0x4000, s31;
	s1 =	sadd.s32 s1, s30  }
0xb9: {  	s0 =	sor.u32 s3, s0;
	s1 =	sshll.u32 s1, $0x11  }
0xba: {  	s0 =	sor.u32 s1, s0  }
0xbb: {  	s0 =	sadd.s32 $0x8F2B, s0  }
0xbc: {  	[sflag:s0] =	ssyncadd.remote.s32 $0x1  }
0xbd: {  	_ =	sfence.sel $0xFFFF  }
0xbe: {  	[dreg:$0x0] =	wrdreg $0xFFFFFFFF;
	(pc) =	sbr.abs _section_cstart, $3  }
0xbf: {  	[dreg:$0x1] =	wrdreg $0xFFFFFFFF  }
0xc0: {  	_ =	task.clear_ibuf [dreg:s6], $0x2FFFF;
	_ =	strace $0x9FFFFFFF  }
0xc1: {  	(tm) =	ssettm $0x7FFFFFFF  }
tec
execute0_lowered:
.L_overlay_start_1:
0x0: {  	(tag) =	ssettag $0x1  }
0x1: {  	s0 =	srdreg.scid  }
0x2: {  	s1 =	stileid.u32;
	s4 =	rddreg [dreg:$0x0]  }
0x3: {  	s2 =	simm.s32 $0x0;
	s0 =	sand.u32 $0x1, s0;
	s1 =	sshll.u32 s1, $0x1  }
0x4: {  	[smem:$0x7FF] =	sst s2;
	s1 =	sor.u32 s0, s1  }
0x5: {  	s0 =	ssub.s32 $0x2, s0;
	s3 =	smul.u32 $0x19000, s1;
	s1 =	sshll.u32 s1, $0xB  }
0x6: {  	_ =	strace $0x80000047;
	s6 =	sshrl.u32 s0, $0x1;
	s1 =	sadd.s32 s1, s4  }
0x7: {  	s0 =	ssub.s32 s0, s6;
	s3 =	sshrl.u32 s3, $0x3;
	s1 =	sadd.s32 $0x64E00, s1  }
0x8: {  	s0 =	smax.u32 s0, $0x1;
	s5 =	sadd.s32 s3, s4;
	[dreg:$0xc] =	wrdreg s1  }
0x9: {  	[dreg:$0xd] =	wrdreg s0;
	s19 =	sadd.s32 $0xE00, s5  }
0xa: {  	s16 =	simm.s32 $0x1;
	s20 =	sadd.s32 $0x1300, s5;
	[dreg:$0x2] =	wrdreg s19  }
0xb: {  	s18 =	simm.s32 $0x200;
	s21 =	sadd.s32 $0x1800, s5;
	[dreg:$0x3] =	wrdreg s20  }
0xc: {  	s28 =	simm.s32 $0x2;
	s22 =	sadd.s32 $0x1D00, s5;
	[dreg:$0x4] =	wrdreg s21  }
0xd: {  	s30 =	simm.s32 $0x3;
	s23 =	sadd.s32 $0x2200, s5;
	[dreg:$0x5] =	wrdreg s22  }
0xe: {  	s6 =	simm.s32 $0x6;
	s24 =	sadd.s32 $0x2700, s5;
	[dreg:$0x6] =	wrdreg s23  }
0xf: {  	s3 =	sadd.s32 $0xF43400, s4;
	s25 =	sadd.s32 $0x2C00, s5;
	[dreg:$0x7] =	wrdreg s24  }
0x10: {  	s1 =	simm.s32 $0x4;
	s26 =	sadd.s32 $0x3100, s5;
	[dreg:$0x8] =	wrdreg s25  }
0x11: {  	s4 =	simm.s32 $0x5;
	s29 =	sadd.s32 $0x3600, s5;
	[dreg:$0x9] =	wrdreg s26  }
0x12: {  	s0 =	simm.s32 $0x0;
	s31 =	sadd.s32 $0x3B00, s5;
	[dreg:$0xa] =	wrdreg s29  }
0x13: {  	[dreg:$0xb] =	wrdreg s31;
	s19 =	simm.s32 $0x5000;
	s20 =	simm.s32 $0x9000  }
0x14: {  	s22 =	simm.s32 $0xD000;
	s24 =	simm.s32 $0x11000;
	s26 =	simm.s32 $0x15000  }
.LBB2_1:
0x15: {  	s5 =	rddreg [dreg:$0x2]  }
0x16: {  	[tilespmem:s2], [sflag:$0x1] =	stream.linear.gather [hbm4b:s5+s2], $0x2800, $0x38;
	[tilespmem:$0x19000] =	vst v63  }
0x17: {  	_ =	swait.ge [sflag:s16], $0x2800  }
0x18: {  	[sflag:s16] =	ssyncset.done $0x0  }
0x19: {  	s7 =	simm.s32 $0x2800;
	s17 =	rddreg [dreg:$0x3];
	[sflag:s16] =	ssyncadd.s32 $0xFFFFD800  }
0x1a: {  	[tilespmem:s7], [sflag:$0x1] =	stream.linear.gather [hbm4b:s17+s2], $0x2800, $0x38;
	[tilespmem:$0x19000] =	vst v63  }
0x1b: {  	_ = 	snop  }
0x1c: {  	[tilespmem:s19], [sflag:$0x2] =	stream.indirect.gather [hbm4b:s3+s18], $0x20, s2, s18, $0xb8;
	[tilespmem:$0x19000] =	vst v63  }
0x1d: {  	_ = 	snop  }
0x1e: {  	[tilespmem:s20], [sflag:$0x3] =	stream.indirect.gather [hbm4b:s3+s18], $0x20, s18, s18, $0xb8;
	[tilespmem:$0x19000] =	vst v63  }
0x1f: {  	s21 =	simm.s32 $0x400  }
0x20: {  	[tilespmem:s22], [sflag:$0x4] =	stream.indirect.gather [hbm4b:s3+s18], $0x20, s21, s18, $0xb8;
	[tilespmem:$0x19000] =	vst v63  }
0x21: {  	s23 =	simm.s32 $0x600  }
0x22: {  	[tilespmem:s24], [sflag:$0x5] =	stream.indirect.gather [hbm4b:s3+s18], $0x20, s23, s18, $0xb8;
	[tilespmem:$0x19000] =	vst v63  }
0x23: {  	s25 =	simm.s32 $0x800  }
0x24: {  	[tilespmem:s26], [sflag:$0x6] =	stream.indirect.gather [hbm4b:s3+s18], $0x20, s25, s18, $0xb8;
	[tilespmem:$0x19000] =	vst v63  }
0x25: {  	_ =	swait.ge [sflag:s28], $0x4000  }
0x26: {  	[sflag:s28] =	ssyncset.done $0x0  }
0x27: {  	s29 =	simm.s32 $0xA00;
	[sflag:s28] =	ssyncadd.s32 $0xFFFFC000  }
0x28: {  	[tilespmem:s19], [sflag:$0x2] =	stream.indirect.gather.add.f32 [hbm:s3], $0x20, s29, s18, $0xb8;
	[tilespmem:$0x19000] =	vst v63  }
0x29: {  	_ =	swait.ge [sflag:s30], $0x4000  }
0x2a: {  	[sflag:s30] =	ssyncset.done $0x0  }
0x2b: {  	s31 =	simm.s32 $0xC00;
	[sflag:s30] =	ssyncadd.s32 $0xFFFFC000  }
0x2c: {  	[tilespmem:s20], [sflag:$0x3] =	stream.indirect.gather.add.f32 [hbm:s3], $0x20, s31, s18, $0xb8;
	[tilespmem:$0x19000] =	vst v63  }
0x2d: {  	_ =	swait.ge [sflag:s1], $0x4000  }
0x2e: {  	[sflag:s1] =	ssyncset.done $0x0  }
0x2f: {  	s10 =	simm.s32 $0xE00;
	[sflag:s1] =	ssyncadd.s32 $0xFFFFC000  }
0x30: {  	[tilespmem:s22], [sflag:$0x4] =	stream.indirect.gather.add.f32 [hbm:s3], $0x20, s10, s18, $0xb8;
	[tilespmem:$0x19000] =	vst v63  }
0x31: {  	_ =	swait.ge [sflag:s4], $0x4000  }
0x32: {  	[sflag:s4] =	ssyncset.done $0x0  }
0x33: {  	s11 =	simm.s32 $0x1000;
	[sflag:s4] =	ssyncadd.s32 $0xFFFFC000  }
0x34: {  	[tilespmem:s24], [sflag:$0x5] =	stream.indirect.gather.add.f32 [hbm:s3], $0x20, s11, s18, $0xb8;
	[tilespmem:$0x19000] =	vst v63  }
0x35: {  	_ =	swait.ge [sflag:s6], $0x4000  }
0x36: {  	[sflag:s6] =	ssyncset.done $0x0  }
0x37: {  	s12 =	simm.s32 $0x1200;
	[sflag:s6] =	ssyncadd.s32 $0xFFFFC000  }
0x38: {  	[tilespmem:s26], [sflag:$0x6] =	stream.indirect.gather.add.f32 [hbm:s3], $0x20, s12, s18, $0xb8;
	[tilespmem:$0x19000] =	vst v63  }
0x39: {  	_ =	swait.ge [sflag:s28], $0x4000  }
0x3a: {  	[sflag:s28] =	ssyncset.done $0x0  }
0x3b: {  	s13 =	simm.s32 $0x1400;
	[sflag:s28] =	ssyncadd.s32 $0xFFFFC000  }
0x3c: {  	[tilespmem:s19], [sflag:$0x2] =	stream.indirect.gather.add.f32 [hbm:s3], $0x20, s13, s18, $0xb8;
	[tilespmem:$0x19000] =	vst v63  }
0x3d: {  	_ =	swait.ge [sflag:s30], $0x4000  }
0x3e: {  	[sflag:s30] =	ssyncset.done $0x0  }
0x3f: {  	s14 =	simm.s32 $0x1600;
	[sflag:s30] =	ssyncadd.s32 $0xFFFFC000  }
0x40: {  	[tilespmem:s20], [sflag:$0x3] =	stream.indirect.gather.add.f32 [hbm:s3], $0x20, s14, s18, $0xb8;
	[tilespmem:$0x19000] =	vst v63  }
0x41: {  	_ =	swait.ge [sflag:s1], $0x4000  }
0x42: {  	[sflag:s1] =	ssyncset.done $0x0  }
0x43: {  	s15 =	simm.s32 $0x1800;
	[sflag:s1] =	ssyncadd.s32 $0xFFFFC000  }
0x44: {  	[tilespmem:s22], [sflag:$0x4] =	stream.indirect.gather.add.f32 [hbm:s3], $0x20, s15, s18, $0xb8;
	[tilespmem:$0x19000] =	vst v63  }
0x45: {  	_ =	swait.ge [sflag:s4], $0x4000  }
0x46: {  	[sflag:s4] =	ssyncset.done $0x0  }
0x47: {  	s17 =	simm.s32 $0x1A00;
	[sflag:s4] =	ssyncadd.s32 $0xFFFFC000  }
0x48: {  	[tilespmem:s24], [sflag:$0x5] =	stream.indirect.gather.add.f32 [hbm:s3], $0x20, s17, s18, $0xb8;
	[tilespmem:$0x19000] =	vst v63  }
0x49: {  	_ =	swait.ge [sflag:s6], $0x4000  }
0x4a: {  	[sflag:s6] =	ssyncset.done $0x0  }
0x4b: {  	s21 =	simm.s32 $0x1C00;
	[sflag:s6] =	ssyncadd.s32 $0xFFFFC000  }
0x4c: {  	[tilespmem:s26], [sflag:$0x6] =	stream.indirect.gather.add.f32 [hbm:s3], $0x20, s21, s18, $0xb8;
	[tilespmem:$0x19000] =	vst v63  }
0x4d: {  	_ =	swait.ge [sflag:s28], $0x4000  }
0x4e: {  	[sflag:s28] =	ssyncset.done $0x0  }
0x4f: {  	s23 =	simm.s32 $0x1E00;
	[sflag:s28] =	ssyncadd.s32 $0xFFFFC000  }
0x50: {  	[tilespmem:s19], [sflag:$0x2] =	stream.indirect.gather.add.f32 [hbm:s3], $0x20, s23, s18, $0xb8;
	[tilespmem:$0x19000] =	vst v63  }
0x51: {  	_ =	swait.ge [sflag:s30], $0x4000  }
0x52: {  	[sflag:s30] =	ssyncset.done $0x0  }
0x53: {  	s25 =	simm.s32 $0x2000;
	[sflag:s30] =	ssyncadd.s32 $0xFFFFC000  }
0x54: {  	[tilespmem:s20], [sflag:$0x3] =	stream.indirect.gather.add.f32 [hbm:s3], $0x20, s25, s18, $0xb8;
	[tilespmem:$0x19000] =	vst v63  }
0x55: {  	_ =	swait.ge [sflag:s1], $0x4000  }
0x56: {  	[sflag:s1] =	ssyncset.done $0x0  }
0x57: {  	s29 =	simm.s32 $0x2200;
	[sflag:s1] =	ssyncadd.s32 $0xFFFFC000  }
0x58: {  	[tilespmem:s22], [sflag:$0x4] =	stream.indirect.gather.add.f32 [hbm:s3], $0x20, s29, s18, $0xb8;
	[tilespmem:$0x19000] =	vst v63  }
0x59: {  	_ =	swait.ge [sflag:s4], $0x4000  }
0x5a: {  	[sflag:s4] =	ssyncset.done $0x0  }
0x5b: {  	s31 =	simm.s32 $0x2400;
	[sflag:s4] =	ssyncadd.s32 $0xFFFFC000  }
0x5c: {  	[tilespmem:s24], [sflag:$0x5] =	stream.indirect.gather.add.f32 [hbm:s3], $0x20, s31, s18, $0xb8;
	[tilespmem:$0x19000] =	vst v63  }
0x5d: {  	_ =	swait.ge [sflag:s6], $0x4000  }
0x5e: {  	[sflag:s6] =	ssyncset.done $0x0  }
0x5f: {  	s5 =	simm.s32 $0x2600;
	[sflag:s6] =	ssyncadd.s32 $0xFFFFC000  }
0x60: {  	[tilespmem:s26], [sflag:$0x6] =	stream.indirect.gather.add.f32 [hbm:s3], $0x20, s5, s18, $0xb8;
	[tilespmem:$0x19000] =	vst v63  }
0x61: {  	_ =	swait.ge [sflag:s16], $0x2800  }
0x62: {  	[sflag:s16] =	ssyncset.done $0x0  }
0x63: {  	s5 =	rddreg [dreg:$0x4];
	[sflag:s16] =	ssyncadd.s32 $0xFFFFD800  }
0x64: {  	[tilespmem:s2], [sflag:$0x1] =	stream.linear.gather [hbm4b:s5+s2], $0x2800, $0x38;
	[tilespmem:$0x19000] =	vst v63  }
0x65: {  	_ =	swait.ge [sflag:s28], $0x4000  }
0x66: {  	[sflag:s28] =	ssyncset.done $0x0  }
0x67: {  	[sflag:s28] =	ssyncadd.s32 $0xFFFFC000  }
0x68: {  	[tilespmem:s19], [sflag:$0x2] =	stream.indirect.gather.add.f32 [hbm:s3], $0x20, s7, s18, $0xb8;
	[tilespmem:$0x19000] =	vst v63  }
0x69: {  	_ =	swait.ge [sflag:s30], $0x4000  }
0x6a: {  	[sflag:s30] =	ssyncset.done $0x0  }
0x6b: {  	s5 =	simm.s32 $0x2A00;
	[sflag:s30] =	ssyncadd.s32 $0xFFFFC000  }
0x6c: {  	[tilespmem:s20], [sflag:$0x3] =	stream.indirect.gather.add.f32 [hbm:s3], $0x20, s5, s18, $0xb8;
	[tilespmem:$0x19000] =	vst v63  }
0x6d: {  	_ =	swait.ge [sflag:s1], $0x4000  }
0x6e: {  	[sflag:s1] =	ssyncset.done $0x0  }
0x6f: {  	s5 =	simm.s32 $0x2C00;
	[sflag:s1] =	ssyncadd.s32 $0xFFFFC000  }
0x70: {  	[tilespmem:s22], [sflag:$0x4] =	stream.indirect.gather.add.f32 [hbm:s3], $0x20, s5, s18, $0xb8;
	[tilespmem:$0x19000] =	vst v63  }
0x71: {  	_ =	swait.ge [sflag:s4], $0x4000  }
0x72: {  	[sflag:s4] =	ssyncset.done $0x0  }
0x73: {  	s5 =	simm.s32 $0x2E00;
	[sflag:s4] =	ssyncadd.s32 $0xFFFFC000  }
0x74: {  	[tilespmem:s24], [sflag:$0x5] =	stream.indirect.gather.add.f32 [hbm:s3], $0x20, s5, s18, $0xb8;
	[tilespmem:$0x19000] =	vst v63  }
0x75: {  	_ =	swait.ge [sflag:s6], $0x4000  }
0x76: {  	[sflag:s6] =	ssyncset.done $0x0  }
0x77: {  	s5 =	simm.s32 $0x3000;
	[sflag:s6] =	ssyncadd.s32 $0xFFFFC000  }
0x78: {  	[tilespmem:s26], [sflag:$0x6] =	stream.indirect.gather.add.f32 [hbm:s3], $0x20, s5, s18, $0xb8;
	[tilespmem:$0x19000] =	vst v63  }
0x79: {  	_ =	swait.ge [sflag:s28], $0x4000  }
0x7a: {  	[sflag:s28] =	ssyncset.done $0x0  }
0x7b: {  	s5 =	simm.s32 $0x3200;
	[sflag:s28] =	ssyncadd.s32 $0xFFFFC000  }
0x7c: {  	[tilespmem:s19], [sflag:$0x2] =	stream.indirect.gather.add.f32 [hbm:s3], $0x20, s5, s18, $0xb8;
	[tilespmem:$0x19000] =	vst v63  }
0x7d: {  	_ =	swait.ge [sflag:s30], $0x4000  }
0x7e: {  	[sflag:s30] =	ssyncset.done $0x0  }
0x7f: {  	s5 =	simm.s32 $0x3400;
	[sflag:s30] =	ssyncadd.s32 $0xFFFFC000  }
0x80: {  	[tilespmem:s20], [sflag:$0x3] =	stream.indirect.gather.add.f32 [hbm:s3], $0x20, s5, s18, $0xb8;
	[tilespmem:$0x19000] =	vst v63  }
0x81: {  	_ =	swait.ge [sflag:s1], $0x4000  }
0x82: {  	[sflag:s1] =	ssyncset.done $0x0  }
0x83: {  	s5 =	simm.s32 $0x3600;
	[sflag:s1] =	ssyncadd.s32 $0xFFFFC000  }
0x84: {  	[tilespmem:s22], [sflag:$0x4] =	stream.indirect.gather.add.f32 [hbm:s3], $0x20, s5, s18, $0xb8;
	[tilespmem:$0x19000] =	vst v63  }
0x85: {  	_ =	swait.ge [sflag:s4], $0x4000  }
0x86: {  	[sflag:s4] =	ssyncset.done $0x0  }
0x87: {  	s5 =	simm.s32 $0x3800;
	[sflag:s4] =	ssyncadd.s32 $0xFFFFC000  }
0x88: {  	[tilespmem:s24], [sflag:$0x5] =	stream.indirect.gather.add.f32 [hbm:s3], $0x20, s5, s18, $0xb8;
	[tilespmem:$0x19000] =	vst v63  }
0x89: {  	_ =	swait.ge [sflag:s6], $0x4000  }
0x8a: {  	[sflag:s6] =	ssyncset.done $0x0  }
0x8b: {  	s5 =	simm.s32 $0x3A00;
	[sflag:s6] =	ssyncadd.s32 $0xFFFFC000  }
0x8c: {  	[tilespmem:s26], [sflag:$0x6] =	stream.indirect.gather.add.f32 [hbm:s3], $0x20, s5, s18, $0xb8;
	[tilespmem:$0x19000] =	vst v63  }
0x8d: {  	_ =	swait.ge [sflag:s28], $0x4000  }
0x8e: {  	[sflag:s28] =	ssyncset.done $0x0  }
0x8f: {  	s5 =	simm.s32 $0x3C00;
	[sflag:s28] =	ssyncadd.s32 $0xFFFFC000  }
0x90: {  	[tilespmem:s19], [sflag:$0x2] =	stream.indirect.gather.add.f32 [hbm:s3], $0x20, s5, s18, $0xb8;
	[tilespmem:$0x19000] =	vst v63  }
0x91: {  	_ =	swait.ge [sflag:s30], $0x4000  }
0x92: {  	[sflag:s30] =	ssyncset.done $0x0  }
0x93: {  	s5 =	simm.s32 $0x3E00;
	[sflag:s30] =	ssyncadd.s32 $0xFFFFC000  }
0x94: {  	[tilespmem:s20], [sflag:$0x3] =	stream.indirect.gather.add.f32 [hbm:s3], $0x20, s5, s18, $0xb8;
	[tilespmem:$0x19000] =	vst v63  }
0x95: {  	_ =	swait.ge [sflag:s1], $0x4000  }
0x96: {  	[sflag:s1] =	ssyncset.done $0x0  }
0x97: {  	s5 =	simm.s32 $0x4000;
	[sflag:s1] =	ssyncadd.s32 $0xFFFFC000  }
0x98: {  	[tilespmem:s22], [sflag:$0x4] =	stream.indirect.gather.add.f32 [hbm:s3], $0x20, s5, s18, $0xb8;
	[tilespmem:$0x19000] =	vst v63  }
0x99: {  	_ =	swait.ge [sflag:s4], $0x4000  }
0x9a: {  	[sflag:s4] =	ssyncset.done $0x0  }
0x9b: {  	s5 =	simm.s32 $0x4200;
	[sflag:s4] =	ssyncadd.s32 $0xFFFFC000  }
0x9c: {  	[tilespmem:s24], [sflag:$0x5] =	stream.indirect.gather.add.f32 [hbm:s3], $0x20, s5, s18, $0xb8;
	[tilespmem:$0x19000] =	vst v63  }
0x9d: {  	_ =	swait.ge [sflag:s6], $0x4000  }
0x9e: {  	[sflag:s6] =	ssyncset.done $0x0  }
0x9f: {  	s5 =	simm.s32 $0x4400;
	[sflag:s6] =	ssyncadd.s32 $0xFFFFC000  }
0xa0: {  	[tilespmem:s26], [sflag:$0x6] =	stream.indirect.gather.add.f32 [hbm:s3], $0x20, s5, s18, $0xb8;
	[tilespmem:$0x19000] =	vst v63  }
0xa1: {  	_ =	swait.ge [sflag:s28], $0x4000  }
0xa2: {  	[sflag:s28] =	ssyncset.done $0x0  }
0xa3: {  	s5 =	simm.s32 $0x4600;
	[sflag:s28] =	ssyncadd.s32 $0xFFFFC000  }
0xa4: {  	[tilespmem:s19], [sflag:$0x2] =	stream.indirect.gather.add.f32 [hbm:s3], $0x20, s5, s18, $0xb8;
	[tilespmem:$0x19000] =	vst v63  }
0xa5: {  	_ =	swait.ge [sflag:s30], $0x4000  }
0xa6: {  	[sflag:s30] =	ssyncset.done $0x0  }
0xa7: {  	s5 =	simm.s32 $0x4800;
	[sflag:s30] =	ssyncadd.s32 $0xFFFFC000  }
0xa8: {  	[tilespmem:s20], [sflag:$0x3] =	stream.indirect.gather.add.f32 [hbm:s3], $0x20, s5, s18, $0xb8;
	[tilespmem:$0x19000] =	vst v63  }
0xa9: {  	_ =	swait.ge [sflag:s1], $0x4000  }
0xaa: {  	[sflag:s1] =	ssyncset.done $0x0  }
0xab: {  	s5 =	simm.s32 $0x4A00;
	[sflag:s1] =	ssyncadd.s32 $0xFFFFC000  }
0xac: {  	[tilespmem:s22], [sflag:$0x4] =	stream.indirect.gather.add.f32 [hbm:s3], $0x20, s5, s18, $0xb8;
	[tilespmem:$0x19000] =	vst v63  }
0xad: {  	_ =	swait.ge [sflag:s4], $0x4000  }
0xae: {  	[sflag:s4] =	ssyncset.done $0x0  }
0xaf: {  	s5 =	simm.s32 $0x4C00;
	[sflag:s4] =	ssyncadd.s32 $0xFFFFC000  }
0xb0: {  	[tilespmem:s24], [sflag:$0x5] =	stream.indirect.gather.add.f32 [hbm:s3], $0x20, s5, s18, $0xb8;
	[tilespmem:$0x19000] =	vst v63  }
0xb1: {  	_ =	swait.ge [sflag:s6], $0x4000  }
0xb2: {  	[sflag:s6] =	ssyncset.done $0x0  }
0xb3: {  	s5 =	simm.s32 $0x4E00;
	[sflag:s6] =	ssyncadd.s32 $0xFFFFC000  }
0xb4: {  	[tilespmem:s26], [sflag:$0x6] =	stream.indirect.gather.add.f32 [hbm:s3], $0x20, s5, s18, $0xb8;
	[tilespmem:$0x19000] =	vst v63  }
0xb5: {  	_ =	swait.ge [sflag:s16], $0x2800  }
0xb6: {  	[sflag:s16] =	ssyncset.done $0x0  }
0xb7: {  	s5 =	rddreg [dreg:$0x5];
	[sflag:s16] =	ssyncadd.s32 $0xFFFFD800  }
0xb8: {  	[tilespmem:s7], [sflag:$0x1] =	stream.linear.gather [hbm4b:s5+s2], $0x2800, $0x38;
	[tilespmem:$0x19000] =	vst v63  }
0xb9: {  	_ =	swait.ge [sflag:s28], $0x4000  }
0xba: {  	[sflag:s28] =	ssyncset.done $0x0  }
0xbb: {  	[sflag:s28] =	ssyncadd.s32 $0xFFFFC000  }
0xbc: {  	[tilespmem:s19], [sflag:$0x2] =	stream.indirect.gather.add.f32 [hbm:s3], $0x20, s2, s18, $0xb8;
	[tilespmem:$0x19000] =	vst v63  }
0xbd: {  	_ =	swait.ge [sflag:s30], $0x4000  }
0xbe: {  	[sflag:s30] =	ssyncset.done $0x0  }
0xbf: {  	[sflag:s30] =	ssyncadd.s32 $0xFFFFC000  }
0xc0: {  	[tilespmem:s20], [sflag:$0x3] =	stream.indirect.gather.add.f32 [hbm:s3], $0x20, s18, s18, $0xb8;
	[tilespmem:$0x19000] =	vst v63  }
0xc1: {  	_ =	swait.ge [sflag:s1], $0x4000  }
0xc2: {  	[sflag:s1] =	ssyncset.done $0x0  }
0xc3: {  	s8 =	simm.s32 $0x400;
	[sflag:s1] =	ssyncadd.s32 $0xFFFFC000  }
0xc4: {  	[tilespmem:s22], [sflag:$0x4] =	stream.indirect.gather.add.f32 [hbm:s3], $0x20, s8, s18, $0xb8;
	[tilespmem:$0x19000] =	vst v63  }
0xc5: {  	_ =	swait.ge [sflag:s4], $0x4000  }
0xc6: {  	[sflag:s4] =	ssyncset.done $0x0  }
0xc7: {  	s9 =	simm.s32 $0x600;
	[sflag:s4] =	ssyncadd.s32 $0xFFFFC000  }
0xc8: {  	[tilespmem:s24], [sflag:$0x5] =	stream.indirect.gather.add.f32 [hbm:s3], $0x20, s9, s18, $0xb8;
	[tilespmem:$0x19000] =	vst v63  }
0xc9: {  	_ =	swait.ge [sflag:s6], $0x4000  }
0xca: {  	[sflag:s6] =	ssyncset.done $0x0  }
0xcb: {  	s8 =	simm.s32 $0x800;
	[sflag:s6] =	ssyncadd.s32 $0xFFFFC000  }
0xcc: {  	[tilespmem:s26], [sflag:$0x6] =	stream.indirect.gather.add.f32 [hbm:s3], $0x20, s8, s18, $0xb8;
	[tilespmem:$0x19000] =	vst v63  }
0xcd: {  	_ =	swait.ge [sflag:s28], $0x4000  }
0xce: {  	[sflag:s28] =	ssyncset.done $0x0  }
0xcf: {  	s9 =	simm.s32 $0xA00;
	[sflag:s28] =	ssyncadd.s32 $0xFFFFC000  }
0xd0: {  	[tilespmem:s19], [sflag:$0x2] =	stream.indirect.gather.add.f32 [hbm:s3], $0x20, s9, s18, $0xb8;
	[tilespmem:$0x19000] =	vst v63  }
0xd1: {  	_ =	swait.ge [sflag:s30], $0x4000  }
0xd2: {  	[sflag:s30] =	ssyncset.done $0x0  }
0xd3: {  	s5 =	simm.s32 $0xC00;
	[sflag:s30] =	ssyncadd.s32 $0xFFFFC000  }
0xd4: {  	[tilespmem:s20], [sflag:$0x3] =	stream.indirect.gather.add.f32 [hbm:s3], $0x20, s5, s18, $0xb8;
	[tilespmem:$0x19000] =	vst v63  }
0xd5: {  	_ =	swait.ge [sflag:s1], $0x4000  }
0xd6: {  	[sflag:s1] =	ssyncset.done $0x0  }
0xd7: {  	s10 =	simm.s32 $0xE00;
	[sflag:s1] =	ssyncadd.s32 $0xFFFFC000  }
0xd8: {  	[tilespmem:s22], [sflag:$0x4] =	stream.indirect.gather.add.f32 [hbm:s3], $0x20, s10, s18, $0xb8;
	[tilespmem:$0x19000] =	vst v63  }
0xd9: {  	_ =	swait.ge [sflag:s4], $0x4000  }
0xda: {  	[sflag:s4] =	ssyncset.done $0x0  }
0xdb: {  	s11 =	simm.s32 $0x1000;
	[sflag:s4] =	ssyncadd.s32 $0xFFFFC000  }
0xdc: {  	[tilespmem:s24], [sflag:$0x5] =	stream.indirect.gather.add.f32 [hbm:s3], $0x20, s11, s18, $0xb8;
	[tilespmem:$0x19000] =	vst v63  }
0xdd: {  	_ =	swait.ge [sflag:s6], $0x4000  }
0xde: {  	[sflag:s6] =	ssyncset.done $0x0  }
0xdf: {  	s12 =	simm.s32 $0x1200;
	[sflag:s6] =	ssyncadd.s32 $0xFFFFC000  }
0xe0: {  	[tilespmem:s26], [sflag:$0x6] =	stream.indirect.gather.add.f32 [hbm:s3], $0x20, s12, s18, $0xb8;
	[tilespmem:$0x19000] =	vst v63  }
0xe1: {  	_ =	swait.ge [sflag:s28], $0x4000  }
0xe2: {  	[sflag:s28] =	ssyncset.done $0x0  }
0xe3: {  	s13 =	simm.s32 $0x1400;
	[sflag:s28] =	ssyncadd.s32 $0xFFFFC000  }
0xe4: {  	[tilespmem:s19], [sflag:$0x2] =	stream.indirect.gather.add.f32 [hbm:s3], $0x20, s13, s18, $0xb8;
	[tilespmem:$0x19000] =	vst v63  }
0xe5: {  	_ =	swait.ge [sflag:s30], $0x4000  }
0xe6: {  	[sflag:s30] =	ssyncset.done $0x0  }
0xe7: {  	s14 =	simm.s32 $0x1600;
	[sflag:s30] =	ssyncadd.s32 $0xFFFFC000  }
0xe8: {  	[tilespmem:s20], [sflag:$0x3] =	stream.indirect.gather.add.f32 [hbm:s3], $0x20, s14, s18, $0xb8;
	[tilespmem:$0x19000] =	vst v63  }
0xe9: {  	_ =	swait.ge [sflag:s1], $0x4000  }
0xea: {  	[sflag:s1] =	ssyncset.done $0x0  }
0xeb: {  	s15 =	simm.s32 $0x1800;
	[sflag:s1] =	ssyncadd.s32 $0xFFFFC000  }
0xec: {  	[tilespmem:s22], [sflag:$0x4] =	stream.indirect.gather.add.f32 [hbm:s3], $0x20, s15, s18, $0xb8;
	[tilespmem:$0x19000] =	vst v63  }
0xed: {  	_ =	swait.ge [sflag:s4], $0x4000  }
0xee: {  	[sflag:s4] =	ssyncset.done $0x0  }
0xef: {  	s17 =	simm.s32 $0x1A00;
	[sflag:s4] =	ssyncadd.s32 $0xFFFFC000  }
0xf0: {  	[tilespmem:s24], [sflag:$0x5] =	stream.indirect.gather.add.f32 [hbm:s3], $0x20, s17, s18, $0xb8;
	[tilespmem:$0x19000] =	vst v63  }
0xf1: {  	_ =	swait.ge [sflag:s6], $0x4000  }
0xf2: {  	[sflag:s6] =	ssyncset.done $0x0  }
0xf3: {  	s21 =	simm.s32 $0x1C00;
	[sflag:s6] =	ssyncadd.s32 $0xFFFFC000  }
0xf4: {  	[tilespmem:s26], [sflag:$0x6] =	stream.indirect.gather.add.f32 [hbm:s3], $0x20, s21, s18, $0xb8;
	[tilespmem:$0x19000] =	vst v63  }
0xf5: {  	_ =	swait.ge [sflag:s28], $0x4000  }
0xf6: {  	[sflag:s28] =	ssyncset.done $0x0  }
0xf7: {  	s23 =	simm.s32 $0x1E00;
	[sflag:s28] =	ssyncadd.s32 $0xFFFFC000  }
0xf8: {  	[tilespmem:s19], [sflag:$0x2] =	stream.indirect.gather.add.f32 [hbm:s3], $0x20, s23, s18, $0xb8;
	[tilespmem:$0x19000] =	vst v63  }
0xf9: {  	_ =	swait.ge [sflag:s30], $0x4000  }
0xfa: {  	[sflag:s30] =	ssyncset.done $0x0  }
0xfb: {  	s25 =	simm.s32 $0x2000;
	[sflag:s30] =	ssyncadd.s32 $0xFFFFC000  }
0xfc: {  	[tilespmem:s20], [sflag:$0x3] =	stream.indirect.gather.add.f32 [hbm:s3], $0x20, s25, s18, $0xb8;
	[tilespmem:$0x19000] =	vst v63  }
0xfd: {  	_ =	swait.ge [sflag:s1], $0x4000  }
0xfe: {  	[sflag:s1] =	ssyncset.done $0x0  }
0xff: {  	s29 =	simm.s32 $0x2200;
	[sflag:s1] =	ssyncadd.s32 $0xFFFFC000  }
0x100: {  	[tilespmem:s22], [sflag:$0x4] =	stream.indirect.gather.add.f32 [hbm:s3], $0x20, s29, s18, $0xb8;
	[tilespmem:$0x19000] =	vst v63  }
0x101: {  	_ =	swait.ge [sflag:s4], $0x4000  }
0x102: {  	[sflag:s4] =	ssyncset.done $0x0  }
0x103: {  	s31 =	simm.s32 $0x2400;
	[sflag:s4] =	ssyncadd.s32 $0xFFFFC000  }
0x104: {  	[tilespmem:s24], [sflag:$0x5] =	stream.indirect.gather.add.f32 [hbm:s3], $0x20, s31, s18, $0xb8;
	[tilespmem:$0x19000] =	vst v63  }
0x105: {  	_ =	swait.ge [sflag:s6], $0x4000  }
0x106: {  	[sflag:s6] =	ssyncset.done $0x0  }
0x107: {  	s5 =	simm.s32 $0x2600;
	[sflag:s6] =	ssyncadd.s32 $0xFFFFC000  }
0x108: {  	[tilespmem:s26], [sflag:$0x6] =	stream.indirect.gather.add.f32 [hbm:s3], $0x20, s5, s18, $0xb8;
	[tilespmem:$0x19000] =	vst v63  }
0x109: {  	_ =	swait.ge [sflag:s16], $0x2800  }
0x10a: {  	[sflag:s16] =	ssyncset.done $0x0  }
0x10b: {  	s5 =	rddreg [dreg:$0x6];
	[sflag:s16] =	ssyncadd.s32 $0xFFFFD800  }
0x10c: {  	[tilespmem:s2], [sflag:$0x1] =	stream.linear.gather [hbm4b:s5+s2], $0x2800, $0x38;
	[tilespmem:$0x19000] =	vst v63  }
0x10d: {  	_ =	swait.ge [sflag:s28], $0x4000  }
0x10e: {  	[sflag:s28] =	ssyncset.done $0x0  }
0x10f: {  	[sflag:s28] =	ssyncadd.s32 $0xFFFFC000  }
0x110: {  	[tilespmem:s19], [sflag:$0x2] =	stream.indirect.gather.add.f32 [hbm:s3], $0x20, s7, s18, $0xb8;
	[tilespmem:$0x19000] =	vst v63  }
0x111: {  	_ =	swait.ge [sflag:s30], $0x4000  }
0x112: {  	[sflag:s30] =	ssyncset.done $0x0  }
0x113: {  	s5 =	simm.s32 $0x2A00;
	[sflag:s30] =	ssyncadd.s32 $0xFFFFC000  }
0x114: {  	[tilespmem:s20], [sflag:$0x3] =	stream.indirect.gather.add.f32 [hbm:s3], $0x20, s5, s18, $0xb8;
	[tilespmem:$0x19000] =	vst v63  }
0x115: {  	_ =	swait.ge [sflag:s1], $0x4000  }
0x116: {  	[sflag:s1] =	ssyncset.done $0x0  }
0x117: {  	s5 =	simm.s32 $0x2C00;
	[sflag:s1] =	ssyncadd.s32 $0xFFFFC000  }
0x118: {  	[tilespmem:s22], [sflag:$0x4] =	stream.indirect.gather.add.f32 [hbm:s3], $0x20, s5, s18, $0xb8;
	[tilespmem:$0x19000] =	vst v63  }
0x119: {  	_ =	swait.ge [sflag:s4], $0x4000  }
0x11a: {  	[sflag:s4] =	ssyncset.done $0x0  }
0x11b: {  	s5 =	simm.s32 $0x2E00;
	[sflag:s4] =	ssyncadd.s32 $0xFFFFC000  }
0x11c: {  	[tilespmem:s24], [sflag:$0x5] =	stream.indirect.gather.add.f32 [hbm:s3], $0x20, s5, s18, $0xb8;
	[tilespmem:$0x19000] =	vst v63  }
0x11d: {  	_ =	swait.ge [sflag:s6], $0x4000  }
0x11e: {  	[sflag:s6] =	ssyncset.done $0x0  }
0x11f: {  	s5 =	simm.s32 $0x3000;
	[sflag:s6] =	ssyncadd.s32 $0xFFFFC000  }
0x120: {  	[tilespmem:s26], [sflag:$0x6] =	stream.indirect.gather.add.f32 [hbm:s3], $0x20, s5, s18, $0xb8;
	[tilespmem:$0x19000] =	vst v63  }
0x121: {  	_ =	swait.ge [sflag:s28], $0x4000  }
0x122: {  	[sflag:s28] =	ssyncset.done $0x0  }
0x123: {  	s5 =	simm.s32 $0x3200;
	[sflag:s28] =	ssyncadd.s32 $0xFFFFC000  }
0x124: {  	[tilespmem:s19], [sflag:$0x2] =	stream.indirect.gather.add.f32 [hbm:s3], $0x20, s5, s18, $0xb8;
	[tilespmem:$0x19000] =	vst v63  }
0x125: {  	_ =	swait.ge [sflag:s30], $0x4000  }
0x126: {  	[sflag:s30] =	ssyncset.done $0x0  }
0x127: {  	s5 =	simm.s32 $0x3400;
	[sflag:s30] =	ssyncadd.s32 $0xFFFFC000  }
0x128: {  	[tilespmem:s20], [sflag:$0x3] =	stream.indirect.gather.add.f32 [hbm:s3], $0x20, s5, s18, $0xb8;
	[tilespmem:$0x19000] =	vst v63  }
0x129: {  	_ =	swait.ge [sflag:s1], $0x4000  }
0x12a: {  	[sflag:s1] =	ssyncset.done $0x0  }
0x12b: {  	s5 =	simm.s32 $0x3600;
	[sflag:s1] =	ssyncadd.s32 $0xFFFFC000  }
0x12c: {  	[tilespmem:s22], [sflag:$0x4] =	stream.indirect.gather.add.f32 [hbm:s3], $0x20, s5, s18, $0xb8;
	[tilespmem:$0x19000] =	vst v63  }
0x12d: {  	_ =	swait.ge [sflag:s4], $0x4000  }
0x12e: {  	[sflag:s4] =	ssyncset.done $0x0  }
0x12f: {  	s5 =	simm.s32 $0x3800;
	[sflag:s4] =	ssyncadd.s32 $0xFFFFC000  }
0x130: {  	[tilespmem:s24], [sflag:$0x5] =	stream.indirect.gather.add.f32 [hbm:s3], $0x20, s5, s18, $0xb8;
	[tilespmem:$0x19000] =	vst v63  }
0x131: {  	_ =	swait.ge [sflag:s6], $0x4000  }
0x132: {  	[sflag:s6] =	ssyncset.done $0x0  }
0x133: {  	s5 =	simm.s32 $0x3A00;
	[sflag:s6] =	ssyncadd.s32 $0xFFFFC000  }
0x134: {  	[tilespmem:s26], [sflag:$0x6] =	stream.indirect.gather.add.f32 [hbm:s3], $0x20, s5, s18, $0xb8;
	[tilespmem:$0x19000] =	vst v63  }
0x135: {  	_ =	swait.ge [sflag:s28], $0x4000  }
0x136: {  	[sflag:s28] =	ssyncset.done $0x0  }
0x137: {  	s5 =	simm.s32 $0x3C00;
	[sflag:s28] =	ssyncadd.s32 $0xFFFFC000  }
0x138: {  	[tilespmem:s19], [sflag:$0x2] =	stream.indirect.gather.add.f32 [hbm:s3], $0x20, s5, s18, $0xb8;
	[tilespmem:$0x19000] =	vst v63  }
0x139: {  	_ =	swait.ge [sflag:s30], $0x4000  }
0x13a: {  	[sflag:s30] =	ssyncset.done $0x0  }
0x13b: {  	s5 =	simm.s32 $0x3E00;
	[sflag:s30] =	ssyncadd.s32 $0xFFFFC000  }
0x13c: {  	[tilespmem:s20], [sflag:$0x3] =	stream.indirect.gather.add.f32 [hbm:s3], $0x20, s5, s18, $0xb8;
	[tilespmem:$0x19000] =	vst v63  }
0x13d: {  	_ =	swait.ge [sflag:s1], $0x4000  }
0x13e: {  	[sflag:s1] =	ssyncset.done $0x0  }
0x13f: {  	s5 =	simm.s32 $0x4000;
	[sflag:s1] =	ssyncadd.s32 $0xFFFFC000  }
0x140: {  	[tilespmem:s22], [sflag:$0x4] =	stream.indirect.gather.add.f32 [hbm:s3], $0x20, s5, s18, $0xb8;
	[tilespmem:$0x19000] =	vst v63  }
0x141: {  	_ =	swait.ge [sflag:s4], $0x4000  }
0x142: {  	[sflag:s4] =	ssyncset.done $0x0  }
0x143: {  	s5 =	simm.s32 $0x4200;
	[sflag:s4] =	ssyncadd.s32 $0xFFFFC000  }
0x144: {  	[tilespmem:s24], [sflag:$0x5] =	stream.indirect.gather.add.f32 [hbm:s3], $0x20, s5, s18, $0xb8;
	[tilespmem:$0x19000] =	vst v63  }
0x145: {  	_ =	swait.ge [sflag:s6], $0x4000  }
0x146: {  	[sflag:s6] =	ssyncset.done $0x0  }
0x147: {  	s5 =	simm.s32 $0x4400;
	[sflag:s6] =	ssyncadd.s32 $0xFFFFC000  }
0x148: {  	[tilespmem:s26], [sflag:$0x6] =	stream.indirect.gather.add.f32 [hbm:s3], $0x20, s5, s18, $0xb8;
	[tilespmem:$0x19000] =	vst v63  }
0x149: {  	_ =	swait.ge [sflag:s28], $0x4000  }
0x14a: {  	[sflag:s28] =	ssyncset.done $0x0  }
0x14b: {  	s5 =	simm.s32 $0x4600;
	[sflag:s28] =	ssyncadd.s32 $0xFFFFC000  }
0x14c: {  	[tilespmem:s19], [sflag:$0x2] =	stream.indirect.gather.add.f32 [hbm:s3], $0x20, s5, s18, $0xb8;
	[tilespmem:$0x19000] =	vst v63  }
0x14d: {  	_ =	swait.ge [sflag:s30], $0x4000  }
0x14e: {  	[sflag:s30] =	ssyncset.done $0x0  }
0x14f: {  	s5 =	simm.s32 $0x4800;
	[sflag:s30] =	ssyncadd.s32 $0xFFFFC000  }
0x150: {  	[tilespmem:s20], [sflag:$0x3] =	stream.indirect.gather.add.f32 [hbm:s3], $0x20, s5, s18, $0xb8;
	[tilespmem:$0x19000] =	vst v63  }
0x151: {  	_ =	swait.ge [sflag:s1], $0x4000  }
0x152: {  	[sflag:s1] =	ssyncset.done $0x0  }
0x153: {  	s5 =	simm.s32 $0x4A00;
	[sflag:s1] =	ssyncadd.s32 $0xFFFFC000  }
0x154: {  	[tilespmem:s22], [sflag:$0x4] =	stream.indirect.gather.add.f32 [hbm:s3], $0x20, s5, s18, $0xb8;
	[tilespmem:$0x19000] =	vst v63  }
0x155: {  	_ =	swait.ge [sflag:s4], $0x4000  }
0x156: {  	[sflag:s4] =	ssyncset.done $0x0  }
0x157: {  	s5 =	simm.s32 $0x4C00;
	[sflag:s4] =	ssyncadd.s32 $0xFFFFC000  }
0x158: {  	[tilespmem:s24], [sflag:$0x5] =	stream.indirect.gather.add.f32 [hbm:s3], $0x20, s5, s18, $0xb8;
	[tilespmem:$0x19000] =	vst v63  }
0x159: {  	_ =	swait.ge [sflag:s6], $0x4000  }
0x15a: {  	[sflag:s6] =	ssyncset.done $0x0  }
0x15b: {  	s5 =	simm.s32 $0x4E00;
	[sflag:s6] =	ssyncadd.s32 $0xFFFFC000  }
0x15c: {  	[tilespmem:s26], [sflag:$0x6] =	stream.indirect.gather.add.f32 [hbm:s3], $0x20, s5, s18, $0xb8;
	[tilespmem:$0x19000] =	vst v63  }
0x15d: {  	_ =	swait.ge [sflag:s16], $0x2800  }
0x15e: {  	[sflag:s16] =	ssyncset.done $0x0  }
0x15f: {  	s5 =	rddreg [dreg:$0x7];
	[sflag:s16] =	ssyncadd.s32 $0xFFFFD800  }
0x160: {  	[tilespmem:s7], [sflag:$0x1] =	stream.linear.gather [hbm4b:s5+s2], $0x2800, $0x38;
	[tilespmem:$0x19000] =	vst v63  }
0x161: {  	_ =	swait.ge [sflag:s28], $0x4000  }
0x162: {  	[sflag:s28] =	ssyncset.done $0x0  }
0x163: {  	[sflag:s28] =	ssyncadd.s32 $0xFFFFC000  }
0x164: {  	[tilespmem:s19], [sflag:$0x2] =	stream.indirect.gather.add.f32 [hbm:s3], $0x20, s2, s18, $0xb8;
	[tilespmem:$0x19000] =	vst v63  }
0x165: {  	_ =	swait.ge [sflag:s30], $0x4000  }
0x166: {  	[sflag:s30] =	ssyncset.done $0x0  }
0x167: {  	[sflag:s30] =	ssyncadd.s32 $0xFFFFC000  }
0x168: {  	[tilespmem:s20], [sflag:$0x3] =	stream.indirect.gather.add.f32 [hbm:s3], $0x20, s18, s18, $0xb8;
	[tilespmem:$0x19000] =	vst v63  }
0x169: {  	_ =	swait.ge [sflag:s1], $0x4000  }
0x16a: {  	[sflag:s1] =	ssyncset.done $0x0  }
0x16b: {  	s5 =	simm.s32 $0x400;
	[sflag:s1] =	ssyncadd.s32 $0xFFFFC000  }
0x16c: {  	[tilespmem:s22], [sflag:$0x4] =	stream.indirect.gather.add.f32 [hbm:s3], $0x20, s5, s18, $0xb8;
	[tilespmem:$0x19000] =	vst v63  }
0x16d: {  	_ =	swait.ge [sflag:s4], $0x4000  }
0x16e: {  	[sflag:s4] =	ssyncset.done $0x0  }
0x16f: {  	s5 =	simm.s32 $0x600;
	[sflag:s4] =	ssyncadd.s32 $0xFFFFC000  }
0x170: {  	[tilespmem:s24], [sflag:$0x5] =	stream.indirect.gather.add.f32 [hbm:s3], $0x20, s5, s18, $0xb8;
	[tilespmem:$0x19000] =	vst v63  }
0x171: {  	_ =	swait.ge [sflag:s6], $0x4000  }
0x172: {  	[sflag:s6] =	ssyncset.done $0x0  }
0x173: {  	s8 =	simm.s32 $0x800;
	[sflag:s6] =	ssyncadd.s32 $0xFFFFC000  }
0x174: {  	[tilespmem:s26], [sflag:$0x6] =	stream.indirect.gather.add.f32 [hbm:s3], $0x20, s8, s18, $0xb8;
	[tilespmem:$0x19000] =	vst v63  }
0x175: {  	_ =	swait.ge [sflag:s28], $0x4000  }
0x176: {  	[sflag:s28] =	ssyncset.done $0x0  }
0x177: {  	s9 =	simm.s32 $0xA00;
	[sflag:s28] =	ssyncadd.s32 $0xFFFFC000  }
0x178: {  	[tilespmem:s19], [sflag:$0x2] =	stream.indirect.gather.add.f32 [hbm:s3], $0x20, s9, s18, $0xb8;
	[tilespmem:$0x19000] =	vst v63  }
0x179: {  	_ =	swait.ge [sflag:s30], $0x4000  }
0x17a: {  	[sflag:s30] =	ssyncset.done $0x0  }
0x17b: {  	s5 =	simm.s32 $0xC00;
	[sflag:s30] =	ssyncadd.s32 $0xFFFFC000  }
0x17c: {  	[tilespmem:s20], [sflag:$0x3] =	stream.indirect.gather.add.f32 [hbm:s3], $0x20, s5, s18, $0xb8;
	[tilespmem:$0x19000] =	vst v63  }
0x17d: {  	_ =	swait.ge [sflag:s1], $0x4000  }
0x17e: {  	[sflag:s1] =	ssyncset.done $0x0  }
0x17f: {  	s10 =	simm.s32 $0xE00;
	[sflag:s1] =	ssyncadd.s32 $0xFFFFC000  }
0x180: {  	[tilespmem:s22], [sflag:$0x4] =	stream.indirect.gather.add.f32 [hbm:s3], $0x20, s10, s18, $0xb8;
	[tilespmem:$0x19000] =	vst v63  }
0x181: {  	_ =	swait.ge [sflag:s4], $0x4000  }
0x182: {  	[sflag:s4] =	ssyncset.done $0x0  }
0x183: {  	s11 =	simm.s32 $0x1000;
	[sflag:s4] =	ssyncadd.s32 $0xFFFFC000  }
0x184: {  	[tilespmem:s24], [sflag:$0x5] =	stream.indirect.gather.add.f32 [hbm:s3], $0x20, s11, s18, $0xb8;
	[tilespmem:$0x19000] =	vst v63  }
0x185: {  	_ =	swait.ge [sflag:s6], $0x4000  }
0x186: {  	[sflag:s6] =	ssyncset.done $0x0  }
0x187: {  	s12 =	simm.s32 $0x1200;
	[sflag:s6] =	ssyncadd.s32 $0xFFFFC000  }
0x188: {  	[tilespmem:s26], [sflag:$0x6] =	stream.indirect.gather.add.f32 [hbm:s3], $0x20, s12, s18, $0xb8;
	[tilespmem:$0x19000] =	vst v63  }
0x189: {  	_ =	swait.ge [sflag:s28], $0x4000  }
0x18a: {  	[sflag:s28] =	ssyncset.done $0x0  }
0x18b: {  	s13 =	simm.s32 $0x1400;
	[sflag:s28] =	ssyncadd.s32 $0xFFFFC000  }
0x18c: {  	[tilespmem:s19], [sflag:$0x2] =	stream.indirect.gather.add.f32 [hbm:s3], $0x20, s13, s18, $0xb8;
	[tilespmem:$0x19000] =	vst v63  }
0x18d: {  	_ =	swait.ge [sflag:s30], $0x4000  }
0x18e: {  	[sflag:s30] =	ssyncset.done $0x0  }
0x18f: {  	s14 =	simm.s32 $0x1600;
	[sflag:s30] =	ssyncadd.s32 $0xFFFFC000  }
0x190: {  	[tilespmem:s20], [sflag:$0x3] =	stream.indirect.gather.add.f32 [hbm:s3], $0x20, s14, s18, $0xb8;
	[tilespmem:$0x19000] =	vst v63  }
0x191: {  	_ =	swait.ge [sflag:s1], $0x4000  }
0x192: {  	[sflag:s1] =	ssyncset.done $0x0  }
0x193: {  	s15 =	simm.s32 $0x1800;
	[sflag:s1] =	ssyncadd.s32 $0xFFFFC000  }
0x194: {  	[tilespmem:s22], [sflag:$0x4] =	stream.indirect.gather.add.f32 [hbm:s3], $0x20, s15, s18, $0xb8;
	[tilespmem:$0x19000] =	vst v63  }
0x195: {  	_ =	swait.ge [sflag:s4], $0x4000  }
0x196: {  	[sflag:s4] =	ssyncset.done $0x0  }
0x197: {  	s17 =	simm.s32 $0x1A00;
	[sflag:s4] =	ssyncadd.s32 $0xFFFFC000  }
0x198: {  	[tilespmem:s24], [sflag:$0x5] =	stream.indirect.gather.add.f32 [hbm:s3], $0x20, s17, s18, $0xb8;
	[tilespmem:$0x19000] =	vst v63  }
0x199: {  	_ =	swait.ge [sflag:s6], $0x4000  }
0x19a: {  	[sflag:s6] =	ssyncset.done $0x0  }
0x19b: {  	s21 =	simm.s32 $0x1C00;
	[sflag:s6] =	ssyncadd.s32 $0xFFFFC000  }
0x19c: {  	[tilespmem:s26], [sflag:$0x6] =	stream.indirect.gather.add.f32 [hbm:s3], $0x20, s21, s18, $0xb8;
	[tilespmem:$0x19000] =	vst v63  }
0x19d: {  	_ =	swait.ge [sflag:s28], $0x4000  }
0x19e: {  	[sflag:s28] =	ssyncset.done $0x0  }
0x19f: {  	s23 =	simm.s32 $0x1E00;
	[sflag:s28] =	ssyncadd.s32 $0xFFFFC000  }
0x1a0: {  	[tilespmem:s19], [sflag:$0x2] =	stream.indirect.gather.add.f32 [hbm:s3], $0x20, s23, s18, $0xb8;
	[tilespmem:$0x19000] =	vst v63  }
0x1a1: {  	_ =	swait.ge [sflag:s30], $0x4000  }
0x1a2: {  	[sflag:s30] =	ssyncset.done $0x0  }
0x1a3: {  	s25 =	simm.s32 $0x2000;
	[sflag:s30] =	ssyncadd.s32 $0xFFFFC000  }
0x1a4: {  	[tilespmem:s20], [sflag:$0x3] =	stream.indirect.gather.add.f32 [hbm:s3], $0x20, s25, s18, $0xb8;
	[tilespmem:$0x19000] =	vst v63  }
0x1a5: {  	_ =	swait.ge [sflag:s1], $0x4000  }
0x1a6: {  	[sflag:s1] =	ssyncset.done $0x0  }
0x1a7: {  	s29 =	simm.s32 $0x2200;
	[sflag:s1] =	ssyncadd.s32 $0xFFFFC000  }
0x1a8: {  	[tilespmem:s22], [sflag:$0x4] =	stream.indirect.gather.add.f32 [hbm:s3], $0x20, s29, s18, $0xb8;
	[tilespmem:$0x19000] =	vst v63  }
0x1a9: {  	_ =	swait.ge [sflag:s4], $0x4000  }
0x1aa: {  	[sflag:s4] =	ssyncset.done $0x0  }
0x1ab: {  	s31 =	simm.s32 $0x2400;
	[sflag:s4] =	ssyncadd.s32 $0xFFFFC000  }
0x1ac: {  	[tilespmem:s24], [sflag:$0x5] =	stream.indirect.gather.add.f32 [hbm:s3], $0x20, s31, s18, $0xb8;
	[tilespmem:$0x19000] =	vst v63  }
0x1ad: {  	_ =	swait.ge [sflag:s6], $0x4000  }
0x1ae: {  	[sflag:s6] =	ssyncset.done $0x0  }
0x1af: {  	s13 =	simm.s32 $0x2600;
	[sflag:s6] =	ssyncadd.s32 $0xFFFFC000  }
0x1b0: {  	[tilespmem:s26], [sflag:$0x6] =	stream.indirect.gather.add.f32 [hbm:s3], $0x20, s13, s18, $0xb8;
	[tilespmem:$0x19000] =	vst v63  }
0x1b1: {  	_ =	swait.ge [sflag:s16], $0x2800  }
0x1b2: {  	[sflag:s16] =	ssyncset.done $0x0  }
0x1b3: {  	s14 =	rddreg [dreg:$0x8];
	[sflag:s16] =	ssyncadd.s32 $0xFFFFD800  }
0x1b4: {  	[tilespmem:s2], [sflag:$0x1] =	stream.linear.gather [hbm4b:s14+s2], $0x2800, $0x38;
	[tilespmem:$0x19000] =	vst v63  }
0x1b5: {  	_ =	swait.ge [sflag:s28], $0x4000  }
0x1b6: {  	[sflag:s28] =	ssyncset.done $0x0  }
0x1b7: {  	[sflag:s28] =	ssyncadd.s32 $0xFFFFC000  }
0x1b8: {  	[tilespmem:s19], [sflag:$0x2] =	stream.indirect.gather.add.f32 [hbm:s3], $0x20, s7, s18, $0xb8;
	[tilespmem:$0x19000] =	vst v63  }
0x1b9: {  	_ =	swait.ge [sflag:s30], $0x4000  }
0x1ba: {  	[sflag:s30] =	ssyncset.done $0x0  }
0x1bb: {  	s15 =	simm.s32 $0x2A00;
	[sflag:s30] =	ssyncadd.s32 $0xFFFFC000  }
0x1bc: {  	[tilespmem:s20], [sflag:$0x3] =	stream.indirect.gather.add.f32 [hbm:s3], $0x20, s15, s18, $0xb8;
	[tilespmem:$0x19000] =	vst v63  }
0x1bd: {  	_ =	swait.ge [sflag:s1], $0x4000  }
0x1be: {  	[sflag:s1] =	ssyncset.done $0x0  }
0x1bf: {  	s17 =	simm.s32 $0x2C00;
	[sflag:s1] =	ssyncadd.s32 $0xFFFFC000  }
0x1c0: {  	[tilespmem:s22], [sflag:$0x4] =	stream.indirect.gather.add.f32 [hbm:s3], $0x20, s17, s18, $0xb8;
	[tilespmem:$0x19000] =	vst v63  }
0x1c1: {  	_ =	swait.ge [sflag:s4], $0x4000  }
0x1c2: {  	[sflag:s4] =	ssyncset.done $0x0  }
0x1c3: {  	s21 =	simm.s32 $0x2E00;
	[sflag:s4] =	ssyncadd.s32 $0xFFFFC000  }
0x1c4: {  	[tilespmem:s24], [sflag:$0x5] =	stream.indirect.gather.add.f32 [hbm:s3], $0x20, s21, s18, $0xb8;
	[tilespmem:$0x19000] =	vst v63  }
0x1c5: {  	_ =	swait.ge [sflag:s6], $0x4000  }
0x1c6: {  	[sflag:s6] =	ssyncset.done $0x0  }
0x1c7: {  	s23 =	simm.s32 $0x3000;
	[sflag:s6] =	ssyncadd.s32 $0xFFFFC000  }
0x1c8: {  	[tilespmem:s26], [sflag:$0x6] =	stream.indirect.gather.add.f32 [hbm:s3], $0x20, s23, s18, $0xb8;
	[tilespmem:$0x19000] =	vst v63  }
0x1c9: {  	_ =	swait.ge [sflag:s28], $0x4000  }
0x1ca: {  	[sflag:s28] =	ssyncset.done $0x0  }
0x1cb: {  	s25 =	simm.s32 $0x3200;
	[sflag:s28] =	ssyncadd.s32 $0xFFFFC000  }
0x1cc: {  	[tilespmem:s19], [sflag:$0x2] =	stream.indirect.gather.add.f32 [hbm:s3], $0x20, s25, s18, $0xb8;
	[tilespmem:$0x19000] =	vst v63  }
0x1cd: {  	_ =	swait.ge [sflag:s30], $0x4000  }
0x1ce: {  	[sflag:s30] =	ssyncset.done $0x0  }
0x1cf: {  	s29 =	simm.s32 $0x3400;
	[sflag:s30] =	ssyncadd.s32 $0xFFFFC000  }
0x1d0: {  	[tilespmem:s20], [sflag:$0x3] =	stream.indirect.gather.add.f32 [hbm:s3], $0x20, s29, s18, $0xb8;
	[tilespmem:$0x19000] =	vst v63  }
0x1d1: {  	_ =	swait.ge [sflag:s1], $0x4000  }
0x1d2: {  	[sflag:s1] =	ssyncset.done $0x0  }
0x1d3: {  	s31 =	simm.s32 $0x3600;
	[sflag:s1] =	ssyncadd.s32 $0xFFFFC000  }
0x1d4: {  	[tilespmem:s22], [sflag:$0x4] =	stream.indirect.gather.add.f32 [hbm:s3], $0x20, s31, s18, $0xb8;
	[tilespmem:$0x19000] =	vst v63  }
0x1d5: {  	_ =	swait.ge [sflag:s4], $0x4000  }
0x1d6: {  	[sflag:s4] =	ssyncset.done $0x0  }
0x1d7: {  	s15 =	simm.s32 $0x3800;
	[sflag:s4] =	ssyncadd.s32 $0xFFFFC000  }
0x1d8: {  	[tilespmem:s24], [sflag:$0x5] =	stream.indirect.gather.add.f32 [hbm:s3], $0x20, s15, s18, $0xb8;
	[tilespmem:$0x19000] =	vst v63  }
0x1d9: {  	_ =	swait.ge [sflag:s6], $0x4000  }
0x1da: {  	[sflag:s6] =	ssyncset.done $0x0  }
0x1db: {  	s17 =	simm.s32 $0x3A00;
	[sflag:s6] =	ssyncadd.s32 $0xFFFFC000  }
0x1dc: {  	[tilespmem:s26], [sflag:$0x6] =	stream.indirect.gather.add.f32 [hbm:s3], $0x20, s17, s18, $0xb8;
	[tilespmem:$0x19000] =	vst v63  }
0x1dd: {  	_ =	swait.ge [sflag:s28], $0x4000  }
0x1de: {  	[sflag:s28] =	ssyncset.done $0x0  }
0x1df: {  	s21 =	simm.s32 $0x3C00;
	[sflag:s28] =	ssyncadd.s32 $0xFFFFC000  }
0x1e0: {  	[tilespmem:s19], [sflag:$0x2] =	stream.indirect.gather.add.f32 [hbm:s3], $0x20, s21, s18, $0xb8;
	[tilespmem:$0x19000] =	vst v63  }
0x1e1: {  	_ =	swait.ge [sflag:s30], $0x4000  }
0x1e2: {  	[sflag:s30] =	ssyncset.done $0x0  }
0x1e3: {  	s23 =	simm.s32 $0x3E00;
	[sflag:s30] =	ssyncadd.s32 $0xFFFFC000  }
0x1e4: {  	[tilespmem:s20], [sflag:$0x3] =	stream.indirect.gather.add.f32 [hbm:s3], $0x20, s23, s18, $0xb8;
	[tilespmem:$0x19000] =	vst v63  }
0x1e5: {  	_ =	swait.ge [sflag:s1], $0x4000  }
0x1e6: {  	[sflag:s1] =	ssyncset.done $0x0  }
0x1e7: {  	s25 =	simm.s32 $0x4000;
	[sflag:s1] =	ssyncadd.s32 $0xFFFFC000  }
0x1e8: {  	[tilespmem:s22], [sflag:$0x4] =	stream.indirect.gather.add.f32 [hbm:s3], $0x20, s25, s18, $0xb8;
	[tilespmem:$0x19000] =	vst v63  }
0x1e9: {  	_ =	swait.ge [sflag:s4], $0x4000  }
0x1ea: {  	[sflag:s4] =	ssyncset.done $0x0  }
0x1eb: {  	s29 =	simm.s32 $0x4200;
	[sflag:s4] =	ssyncadd.s32 $0xFFFFC000  }
0x1ec: {  	[tilespmem:s24], [sflag:$0x5] =	stream.indirect.gather.add.f32 [hbm:s3], $0x20, s29, s18, $0xb8;
	[tilespmem:$0x19000] =	vst v63  }
0x1ed: {  	_ =	swait.ge [sflag:s6], $0x4000  }
0x1ee: {  	[sflag:s6] =	ssyncset.done $0x0  }
0x1ef: {  	s31 =	simm.s32 $0x4400;
	[sflag:s6] =	ssyncadd.s32 $0xFFFFC000  }
0x1f0: {  	[tilespmem:s26], [sflag:$0x6] =	stream.indirect.gather.add.f32 [hbm:s3], $0x20, s31, s18, $0xb8;
	[tilespmem:$0x19000] =	vst v63  }
0x1f1: {  	_ =	swait.ge [sflag:s28], $0x4000  }
0x1f2: {  	[sflag:s28] =	ssyncset.done $0x0  }
0x1f3: {  	s15 =	simm.s32 $0x4600;
	[sflag:s28] =	ssyncadd.s32 $0xFFFFC000  }
0x1f4: {  	[tilespmem:s19], [sflag:$0x2] =	stream.indirect.gather.add.f32 [hbm:s3], $0x20, s15, s18, $0xb8;
	[tilespmem:$0x19000] =	vst v63  }
0x1f5: {  	_ =	swait.ge [sflag:s30], $0x4000  }
0x1f6: {  	[sflag:s30] =	ssyncset.done $0x0  }
0x1f7: {  	s17 =	simm.s32 $0x4800;
	[sflag:s30] =	ssyncadd.s32 $0xFFFFC000  }
0x1f8: {  	[tilespmem:s20], [sflag:$0x3] =	stream.indirect.gather.add.f32 [hbm:s3], $0x20, s17, s18, $0xb8;
	[tilespmem:$0x19000] =	vst v63  }
0x1f9: {  	_ =	swait.ge [sflag:s1], $0x4000  }
0x1fa: {  	[sflag:s1] =	ssyncset.done $0x0  }
0x1fb: {  	s21 =	simm.s32 $0x4A00;
	[sflag:s1] =	ssyncadd.s32 $0xFFFFC000  }
0x1fc: {  	[tilespmem:s22], [sflag:$0x4] =	stream.indirect.gather.add.f32 [hbm:s3], $0x20, s21, s18, $0xb8;
	[tilespmem:$0x19000] =	vst v63  }
0x1fd: {  	_ =	swait.ge [sflag:s4], $0x4000  }
0x1fe: {  	[sflag:s4] =	ssyncset.done $0x0  }
0x1ff: {  	s23 =	simm.s32 $0x4C00;
	[sflag:s4] =	ssyncadd.s32 $0xFFFFC000  }
0x200: {  	[tilespmem:s24], [sflag:$0x5] =	stream.indirect.gather.add.f32 [hbm:s3], $0x20, s23, s18, $0xb8;
	[tilespmem:$0x19000] =	vst v63  }
0x201: {  	_ =	swait.ge [sflag:s6], $0x4000  }
0x202: {  	[sflag:s6] =	ssyncset.done $0x0  }
0x203: {  	s25 =	simm.s32 $0x4E00;
	[sflag:s6] =	ssyncadd.s32 $0xFFFFC000  }
0x204: {  	[tilespmem:s26], [sflag:$0x6] =	stream.indirect.gather.add.f32 [hbm:s3], $0x20, s25, s18, $0xb8;
	[tilespmem:$0x19000] =	vst v63  }
0x205: {  	_ =	swait.ge [sflag:s16], $0x2800  }
0x206: {  	[sflag:s16] =	ssyncset.done $0x0  }
0x207: {  	s29 =	rddreg [dreg:$0x9];
	[sflag:s16] =	ssyncadd.s32 $0xFFFFD800  }
0x208: {  	[tilespmem:s7], [sflag:$0x1] =	stream.linear.gather [hbm4b:s29+s2], $0x2800, $0x38;
	[tilespmem:$0x19000] =	vst v63  }
0x209: {  	_ =	swait.ge [sflag:s28], $0x4000  }
0x20a: {  	[sflag:s28] =	ssyncset.done $0x0  }
0x20b: {  	[sflag:s28] =	ssyncadd.s32 $0xFFFFC000  }
0x20c: {  	[tilespmem:s19], [sflag:$0x2] =	stream.indirect.gather.add.f32 [hbm:s3], $0x20, s2, s18, $0xb8;
	[tilespmem:$0x19000] =	vst v63  }
0x20d: {  	_ =	swait.ge [sflag:s30], $0x4000  }
0x20e: {  	[sflag:s30] =	ssyncset.done $0x0  }
0x20f: {  	[sflag:s30] =	ssyncadd.s32 $0xFFFFC000  }
0x210: {  	[tilespmem:s20], [sflag:$0x3] =	stream.indirect.gather.add.f32 [hbm:s3], $0x20, s18, s18, $0xb8;
	[tilespmem:$0x19000] =	vst v63  }
0x211: {  	_ =	swait.ge [sflag:s1], $0x4000  }
0x212: {  	[sflag:s1] =	ssyncset.done $0x0  }
0x213: {  	s31 =	simm.s32 $0x400;
	[sflag:s1] =	ssyncadd.s32 $0xFFFFC000  }
0x214: {  	[tilespmem:s22], [sflag:$0x4] =	stream.indirect.gather.add.f32 [hbm:s3], $0x20, s31, s18, $0xb8;
	[tilespmem:$0x19000] =	vst v63  }
0x215: {  	_ =	swait.ge [sflag:s4], $0x4000  }
0x216: {  	[sflag:s4] =	ssyncset.done $0x0  }
0x217: {  	s15 =	simm.s32 $0x600;
	[sflag:s4] =	ssyncadd.s32 $0xFFFFC000  }
0x218: {  	[tilespmem:s24], [sflag:$0x5] =	stream.indirect.gather.add.f32 [hbm:s3], $0x20, s15, s18, $0xb8;
	[tilespmem:$0x19000] =	vst v63  }
0x219: {  	_ =	swait.ge [sflag:s6], $0x4000  }
0x21a: {  	[sflag:s6] =	ssyncset.done $0x0  }
0x21b: {  	s8 =	simm.s32 $0x800;
	[sflag:s6] =	ssyncadd.s32 $0xFFFFC000  }
0x21c: {  	[tilespmem:s26], [sflag:$0x6] =	stream.indirect.gather.add.f32 [hbm:s3], $0x20, s8, s18, $0xb8;
	[tilespmem:$0x19000] =	vst v63  }
0x21d: {  	_ =	swait.ge [sflag:s28], $0x4000  }
0x21e: {  	[sflag:s28] =	ssyncset.done $0x0  }
0x21f: {  	s9 =	simm.s32 $0xA00;
	[sflag:s28] =	ssyncadd.s32 $0xFFFFC000  }
0x220: {  	[tilespmem:s19], [sflag:$0x2] =	stream.indirect.gather.add.f32 [hbm:s3], $0x20, s9, s18, $0xb8;
	[tilespmem:$0x19000] =	vst v63  }
0x221: {  	_ =	swait.ge [sflag:s30], $0x4000  }
0x222: {  	[sflag:s30] =	ssyncset.done $0x0  }
0x223: {  	s17 =	simm.s32 $0xC00;
	[sflag:s30] =	ssyncadd.s32 $0xFFFFC000  }
0x224: {  	[tilespmem:s20], [sflag:$0x3] =	stream.indirect.gather.add.f32 [hbm:s3], $0x20, s17, s18, $0xb8;
	[tilespmem:$0x19000] =	vst v63  }
0x225: {  	_ =	swait.ge [sflag:s1], $0x4000  }
0x226: {  	[sflag:s1] =	ssyncset.done $0x0  }
0x227: {  	s21 =	simm.s32 $0xE00;
	[sflag:s1] =	ssyncadd.s32 $0xFFFFC000  }
0x228: {  	[tilespmem:s22], [sflag:$0x4] =	stream.indirect.gather.add.f32 [hbm:s3], $0x20, s21, s18, $0xb8;
	[tilespmem:$0x19000] =	vst v63  }
0x229: {  	_ =	swait.ge [sflag:s4], $0x4000  }
0x22a: {  	[sflag:s4] =	ssyncset.done $0x0  }
0x22b: {  	s23 =	simm.s32 $0x1000;
	[sflag:s4] =	ssyncadd.s32 $0xFFFFC000  }
0x22c: {  	[tilespmem:s24], [sflag:$0x5] =	stream.indirect.gather.add.f32 [hbm:s3], $0x20, s23, s18, $0xb8;
	[tilespmem:$0x19000] =	vst v63  }
0x22d: {  	_ =	swait.ge [sflag:s6], $0x4000  }
0x22e: {  	[sflag:s6] =	ssyncset.done $0x0  }
0x22f: {  	s25 =	simm.s32 $0x1200;
	[sflag:s6] =	ssyncadd.s32 $0xFFFFC000  }
0x230: {  	[tilespmem:s26], [sflag:$0x6] =	stream.indirect.gather.add.f32 [hbm:s3], $0x20, s25, s18, $0xb8;
	[tilespmem:$0x19000] =	vst v63  }
0x231: {  	_ =	swait.ge [sflag:s28], $0x4000  }
0x232: {  	[sflag:s28] =	ssyncset.done $0x0  }
0x233: {  	s29 =	simm.s32 $0x1400;
	[sflag:s28] =	ssyncadd.s32 $0xFFFFC000  }
0x234: {  	[tilespmem:s19], [sflag:$0x2] =	stream.indirect.gather.add.f32 [hbm:s3], $0x20, s29, s18, $0xb8;
	[tilespmem:$0x19000] =	vst v63  }
0x235: {  	_ =	swait.ge [sflag:s30], $0x4000  }
0x236: {  	[sflag:s30] =	ssyncset.done $0x0  }
0x237: {  	s31 =	simm.s32 $0x1600;
	[sflag:s30] =	ssyncadd.s32 $0xFFFFC000  }
0x238: {  	[tilespmem:s20], [sflag:$0x3] =	stream.indirect.gather.add.f32 [hbm:s3], $0x20, s31, s18, $0xb8;
	[tilespmem:$0x19000] =	vst v63  }
0x239: {  	_ =	swait.ge [sflag:s1], $0x4000  }
0x23a: {  	[sflag:s1] =	ssyncset.done $0x0  }
0x23b: {  	s8 =	simm.s32 $0x1800;
	[sflag:s1] =	ssyncadd.s32 $0xFFFFC000  }
0x23c: {  	[tilespmem:s22], [sflag:$0x4] =	stream.indirect.gather.add.f32 [hbm:s3], $0x20, s8, s18, $0xb8;
	[tilespmem:$0x19000] =	vst v63  }
0x23d: {  	_ =	swait.ge [sflag:s4], $0x4000  }
0x23e: {  	[sflag:s4] =	ssyncset.done $0x0  }
0x23f: {  	s9 =	simm.s32 $0x1A00;
	[sflag:s4] =	ssyncadd.s32 $0xFFFFC000  }
0x240: {  	[tilespmem:s24], [sflag:$0x5] =	stream.indirect.gather.add.f32 [hbm:s3], $0x20, s9, s18, $0xb8;
	[tilespmem:$0x19000] =	vst v63  }
0x241: {  	_ =	swait.ge [sflag:s6], $0x4000  }
0x242: {  	[sflag:s6] =	ssyncset.done $0x0  }
0x243: {  	s15 =	simm.s32 $0x1C00;
	[sflag:s6] =	ssyncadd.s32 $0xFFFFC000  }
0x244: {  	[tilespmem:s26], [sflag:$0x6] =	stream.indirect.gather.add.f32 [hbm:s3], $0x20, s15, s18, $0xb8;
	[tilespmem:$0x19000] =	vst v63  }
0x245: {  	_ =	swait.ge [sflag:s28], $0x4000  }
0x246: {  	[sflag:s28] =	ssyncset.done $0x0  }
0x247: {  	s17 =	simm.s32 $0x1E00;
	[sflag:s28] =	ssyncadd.s32 $0xFFFFC000  }
0x248: {  	[tilespmem:s19], [sflag:$0x2] =	stream.indirect.gather.add.f32 [hbm:s3], $0x20, s17, s18, $0xb8;
	[tilespmem:$0x19000] =	vst v63  }
0x249: {  	_ =	swait.ge [sflag:s30], $0x4000  }
0x24a: {  	[sflag:s30] =	ssyncset.done $0x0  }
0x24b: {  	s21 =	simm.s32 $0x2000;
	[sflag:s30] =	ssyncadd.s32 $0xFFFFC000  }
0x24c: {  	[tilespmem:s20], [sflag:$0x3] =	stream.indirect.gather.add.f32 [hbm:s3], $0x20, s21, s18, $0xb8;
	[tilespmem:$0x19000] =	vst v63  }
0x24d: {  	_ =	swait.ge [sflag:s1], $0x4000  }
0x24e: {  	[sflag:s1] =	ssyncset.done $0x0  }
0x24f: {  	s23 =	simm.s32 $0x2200;
	[sflag:s1] =	ssyncadd.s32 $0xFFFFC000  }
0x250: {  	[tilespmem:s22], [sflag:$0x4] =	stream.indirect.gather.add.f32 [hbm:s3], $0x20, s23, s18, $0xb8;
	[tilespmem:$0x19000] =	vst v63  }
0x251: {  	_ =	swait.ge [sflag:s4], $0x4000  }
0x252: {  	[sflag:s4] =	ssyncset.done $0x0  }
0x253: {  	s25 =	simm.s32 $0x2400;
	[sflag:s4] =	ssyncadd.s32 $0xFFFFC000  }
0x254: {  	[tilespmem:s24], [sflag:$0x5] =	stream.indirect.gather.add.f32 [hbm:s3], $0x20, s25, s18, $0xb8;
	[tilespmem:$0x19000] =	vst v63  }
0x255: {  	_ =	swait.ge [sflag:s6], $0x4000  }
0x256: {  	[sflag:s6] =	ssyncset.done $0x0  }
0x257: {  	s29 =	simm.s32 $0x2600;
	[sflag:s6] =	ssyncadd.s32 $0xFFFFC000  }
0x258: {  	[tilespmem:s26], [sflag:$0x6] =	stream.indirect.gather.add.f32 [hbm:s3], $0x20, s29, s18, $0xb8;
	[tilespmem:$0x19000] =	vst v63  }
0x259: {  	_ =	swait.ge [sflag:s16], $0x2800  }
0x25a: {  	[sflag:s16] =	ssyncset.done $0x0  }
0x25b: {  	s31 =	rddreg [dreg:$0xa];
	[sflag:s16] =	ssyncadd.s32 $0xFFFFD800  }
0x25c: {  	[tilespmem:s2], [sflag:$0x1] =	stream.linear.gather [hbm4b:s31+s2], $0x2800, $0x38;
	[tilespmem:$0x19000] =	vst v63  }
0x25d: {  	_ =	swait.ge [sflag:s28], $0x4000  }
0x25e: {  	[sflag:s28] =	ssyncset.done $0x0  }
0x25f: {  	[sflag:s28] =	ssyncadd.s32 $0xFFFFC000  }
0x260: {  	[tilespmem:s19], [sflag:$0x2] =	stream.indirect.gather.add.f32 [hbm:s3], $0x20, s7, s18, $0xb8;
	[tilespmem:$0x19000] =	vst v63  }
0x261: {  	_ =	swait.ge [sflag:s30], $0x4000  }
0x262: {  	[sflag:s30] =	ssyncset.done $0x0  }
0x263: {  	s10 =	simm.s32 $0x2A00;
	[sflag:s30] =	ssyncadd.s32 $0xFFFFC000  }
0x264: {  	[tilespmem:s20], [sflag:$0x3] =	stream.indirect.gather.add.f32 [hbm:s3], $0x20, s10, s18, $0xb8;
	[tilespmem:$0x19000] =	vst v63  }
0x265: {  	_ =	swait.ge [sflag:s1], $0x4000  }
0x266: {  	[sflag:s1] =	ssyncset.done $0x0  }
0x267: {  	s11 =	simm.s32 $0x2C00;
	[sflag:s1] =	ssyncadd.s32 $0xFFFFC000  }
0x268: {  	[tilespmem:s22], [sflag:$0x4] =	stream.indirect.gather.add.f32 [hbm:s3], $0x20, s11, s18, $0xb8;
	[tilespmem:$0x19000] =	vst v63  }
0x269: {  	_ =	swait.ge [sflag:s4], $0x4000  }
0x26a: {  	[sflag:s4] =	ssyncset.done $0x0  }
0x26b: {  	s12 =	simm.s32 $0x2E00;
	[sflag:s4] =	ssyncadd.s32 $0xFFFFC000  }
0x26c: {  	[tilespmem:s24], [sflag:$0x5] =	stream.indirect.gather.add.f32 [hbm:s3], $0x20, s12, s18, $0xb8;
	[tilespmem:$0x19000] =	vst v63  }
0x26d: {  	_ =	swait.ge [sflag:s6], $0x4000  }
0x26e: {  	[sflag:s6] =	ssyncset.done $0x0  }
0x26f: {  	s13 =	simm.s32 $0x3000;
	[sflag:s6] =	ssyncadd.s32 $0xFFFFC000  }
0x270: {  	[tilespmem:s26], [sflag:$0x6] =	stream.indirect.gather.add.f32 [hbm:s3], $0x20, s13, s18, $0xb8;
	[tilespmem:$0x19000] =	vst v63  }
0x271: {  	_ =	swait.ge [sflag:s28], $0x4000  }
0x272: {  	[sflag:s28] =	ssyncset.done $0x0  }
0x273: {  	s14 =	simm.s32 $0x3200;
	[sflag:s28] =	ssyncadd.s32 $0xFFFFC000  }
0x274: {  	[tilespmem:s19], [sflag:$0x2] =	stream.indirect.gather.add.f32 [hbm:s3], $0x20, s14, s18, $0xb8;
	[tilespmem:$0x19000] =	vst v63  }
0x275: {  	_ =	swait.ge [sflag:s30], $0x4000  }
0x276: {  	[sflag:s30] =	ssyncset.done $0x0  }
0x277: {  	s8 =	simm.s32 $0x3400;
	[sflag:s30] =	ssyncadd.s32 $0xFFFFC000  }
0x278: {  	[tilespmem:s20], [sflag:$0x3] =	stream.indirect.gather.add.f32 [hbm:s3], $0x20, s8, s18, $0xb8;
	[tilespmem:$0x19000] =	vst v63  }
0x279: {  	_ =	swait.ge [sflag:s1], $0x4000  }
0x27a: {  	[sflag:s1] =	ssyncset.done $0x0  }
0x27b: {  	s9 =	simm.s32 $0x3600;
	[sflag:s1] =	ssyncadd.s32 $0xFFFFC000  }
0x27c: {  	[tilespmem:s22], [sflag:$0x4] =	stream.indirect.gather.add.f32 [hbm:s3], $0x20, s9, s18, $0xb8;
	[tilespmem:$0x19000] =	vst v63  }
0x27d: {  	_ =	swait.ge [sflag:s4], $0x4000  }
0x27e: {  	[sflag:s4] =	ssyncset.done $0x0  }
0x27f: {  	s10 =	simm.s32 $0x3800;
	[sflag:s4] =	ssyncadd.s32 $0xFFFFC000  }
0x280: {  	[tilespmem:s24], [sflag:$0x5] =	stream.indirect.gather.add.f32 [hbm:s3], $0x20, s10, s18, $0xb8;
	[tilespmem:$0x19000] =	vst v63  }
0x281: {  	_ =	swait.ge [sflag:s6], $0x4000  }
0x282: {  	[sflag:s6] =	ssyncset.done $0x0  }
0x283: {  	s11 =	simm.s32 $0x3A00;
	[sflag:s6] =	ssyncadd.s32 $0xFFFFC000  }
0x284: {  	[tilespmem:s26], [sflag:$0x6] =	stream.indirect.gather.add.f32 [hbm:s3], $0x20, s11, s18, $0xb8;
	[tilespmem:$0x19000] =	vst v63  }
0x285: {  	_ =	swait.ge [sflag:s28], $0x4000  }
0x286: {  	[sflag:s28] =	ssyncset.done $0x0  }
0x287: {  	s12 =	simm.s32 $0x3C00;
	[sflag:s28] =	ssyncadd.s32 $0xFFFFC000  }
0x288: {  	[tilespmem:s19], [sflag:$0x2] =	stream.indirect.gather.add.f32 [hbm:s3], $0x20, s12, s18, $0xb8;
	[tilespmem:$0x19000] =	vst v63  }
0x289: {  	_ =	swait.ge [sflag:s30], $0x4000  }
0x28a: {  	[sflag:s30] =	ssyncset.done $0x0  }
0x28b: {  	s13 =	simm.s32 $0x3E00;
	[sflag:s30] =	ssyncadd.s32 $0xFFFFC000  }
0x28c: {  	[tilespmem:s20], [sflag:$0x3] =	stream.indirect.gather.add.f32 [hbm:s3], $0x20, s13, s18, $0xb8;
	[tilespmem:$0x19000] =	vst v63  }
0x28d: {  	_ =	swait.ge [sflag:s1], $0x4000  }
0x28e: {  	[sflag:s1] =	ssyncset.done $0x0  }
0x28f: {  	s14 =	simm.s32 $0x4000;
	[sflag:s1] =	ssyncadd.s32 $0xFFFFC000  }
0x290: {  	[tilespmem:s22], [sflag:$0x4] =	stream.indirect.gather.add.f32 [hbm:s3], $0x20, s14, s18, $0xb8;
	[tilespmem:$0x19000] =	vst v63  }
0x291: {  	_ =	swait.ge [sflag:s4], $0x4000  }
0x292: {  	[sflag:s4] =	ssyncset.done $0x0  }
0x293: {  	s8 =	simm.s32 $0x4200;
	[sflag:s4] =	ssyncadd.s32 $0xFFFFC000  }
0x294: {  	[tilespmem:s24], [sflag:$0x5] =	stream.indirect.gather.add.f32 [hbm:s3], $0x20, s8, s18, $0xb8;
	[tilespmem:$0x19000] =	vst v63  }
0x295: {  	_ =	swait.ge [sflag:s6], $0x4000  }
0x296: {  	[sflag:s6] =	ssyncset.done $0x0  }
0x297: {  	s9 =	simm.s32 $0x4400;
	[sflag:s6] =	ssyncadd.s32 $0xFFFFC000  }
0x298: {  	[tilespmem:s26], [sflag:$0x6] =	stream.indirect.gather.add.f32 [hbm:s3], $0x20, s9, s18, $0xb8;
	[tilespmem:$0x19000] =	vst v63  }
0x299: {  	_ =	swait.ge [sflag:s28], $0x4000  }
0x29a: {  	[sflag:s28] =	ssyncset.done $0x0  }
0x29b: {  	s10 =	simm.s32 $0x4600;
	[sflag:s28] =	ssyncadd.s32 $0xFFFFC000  }
0x29c: {  	[tilespmem:s19], [sflag:$0x2] =	stream.indirect.gather.add.f32 [hbm:s3], $0x20, s10, s18, $0xb8;
	[tilespmem:$0x19000] =	vst v63  }
0x29d: {  	_ =	swait.ge [sflag:s30], $0x4000  }
0x29e: {  	[sflag:s30] =	ssyncset.done $0x0  }
0x29f: {  	s11 =	simm.s32 $0x4800;
	[sflag:s30] =	ssyncadd.s32 $0xFFFFC000  }
0x2a0: {  	[tilespmem:s20], [sflag:$0x3] =	stream.indirect.gather.add.f32 [hbm:s3], $0x20, s11, s18, $0xb8;
	[tilespmem:$0x19000] =	vst v63  }
0x2a1: {  	_ =	swait.ge [sflag:s1], $0x4000  }
0x2a2: {  	[sflag:s1] =	ssyncset.done $0x0  }
0x2a3: {  	s12 =	simm.s32 $0x4A00;
	[sflag:s1] =	ssyncadd.s32 $0xFFFFC000  }
0x2a4: {  	[tilespmem:s22], [sflag:$0x4] =	stream.indirect.gather.add.f32 [hbm:s3], $0x20, s12, s18, $0xb8;
	[tilespmem:$0x19000] =	vst v63  }
0x2a5: {  	_ =	swait.ge [sflag:s4], $0x4000  }
0x2a6: {  	[sflag:s4] =	ssyncset.done $0x0  }
0x2a7: {  	s13 =	simm.s32 $0x4C00;
	[sflag:s4] =	ssyncadd.s32 $0xFFFFC000  }
0x2a8: {  	[tilespmem:s24], [sflag:$0x5] =	stream.indirect.gather.add.f32 [hbm:s3], $0x20, s13, s18, $0xb8;
	[tilespmem:$0x19000] =	vst v63  }
0x2a9: {  	_ =	swait.ge [sflag:s6], $0x4000  }
0x2aa: {  	[sflag:s6] =	ssyncset.done $0x0  }
0x2ab: {  	s14 =	simm.s32 $0x4E00;
	[sflag:s6] =	ssyncadd.s32 $0xFFFFC000  }
0x2ac: {  	[tilespmem:s26], [sflag:$0x6] =	stream.indirect.gather.add.f32 [hbm:s3], $0x20, s14, s18, $0xb8;
	[tilespmem:$0x19000] =	vst v63  }
0x2ad: {  	_ =	swait.ge [sflag:s16], $0x2800  }
0x2ae: {  	[sflag:s16] =	ssyncset.done $0x0  }
0x2af: {  	s5 =	rddreg [dreg:$0xb];
	[sflag:s16] =	ssyncadd.s32 $0xFFFFD800  }
0x2b0: {  	[tilespmem:s7], [sflag:$0x1] =	stream.linear.gather [hbm4b:s5+s2], $0x2800, $0x38;
	[tilespmem:$0x19000] =	vst v63  }
0x2b1: {  	_ =	swait.ge [sflag:s28], $0x4000  }
0x2b2: {  	[sflag:s28] =	ssyncset.done $0x0  }
0x2b3: {  	[sflag:s28] =	ssyncadd.s32 $0xFFFFC000  }
0x2b4: {  	[tilespmem:s19], [sflag:$0x2] =	stream.indirect.gather.add.f32 [hbm:s3], $0x20, s2, s18, $0xb8;
	[tilespmem:$0x19000] =	vst v63  }
0x2b5: {  	_ =	swait.ge [sflag:s30], $0x4000  }
0x2b6: {  	[sflag:s30] =	ssyncset.done $0x0  }
0x2b7: {  	[sflag:s30] =	ssyncadd.s32 $0xFFFFC000  }
0x2b8: {  	[tilespmem:s20], [sflag:$0x3] =	stream.indirect.gather.add.f32 [hbm:s3], $0x20, s18, s18, $0xb8;
	[tilespmem:$0x19000] =	vst v63  }
0x2b9: {  	_ =	swait.ge [sflag:s1], $0x4000  }
0x2ba: {  	[sflag:s1] =	ssyncset.done $0x0  }
0x2bb: {  	s5 =	simm.s32 $0x400;
	[sflag:s1] =	ssyncadd.s32 $0xFFFFC000  }
0x2bc: {  	[tilespmem:s22], [sflag:$0x4] =	stream.indirect.gather.add.f32 [hbm:s3], $0x20, s5, s18, $0xb8;
	[tilespmem:$0x19000] =	vst v63  }
0x2bd: {  	_ =	swait.ge [sflag:s4], $0x4000  }
0x2be: {  	[sflag:s4] =	ssyncset.done $0x0  }
0x2bf: {  	s5 =	simm.s32 $0x600;
	[sflag:s4] =	ssyncadd.s32 $0xFFFFC000  }
0x2c0: {  	[tilespmem:s24], [sflag:$0x5] =	stream.indirect.gather.add.f32 [hbm:s3], $0x20, s5, s18, $0xb8;
	[tilespmem:$0x19000] =	vst v63  }
0x2c1: {  	_ =	swait.ge [sflag:s6], $0x4000  }
0x2c2: {  	[sflag:s6] =	ssyncset.done $0x0  }
0x2c3: {  	s5 =	simm.s32 $0x800;
	[sflag:s6] =	ssyncadd.s32 $0xFFFFC000  }
0x2c4: {  	[tilespmem:s26], [sflag:$0x6] =	stream.indirect.gather.add.f32 [hbm:s3], $0x20, s5, s18, $0xb8;
	[tilespmem:$0x19000] =	vst v63  }
0x2c5: {  	_ =	swait.ge [sflag:s28], $0x4000  }
0x2c6: {  	[sflag:s28] =	ssyncset.done $0x0  }
0x2c7: {  	s5 =	simm.s32 $0xA00;
	[sflag:s28] =	ssyncadd.s32 $0xFFFFC000  }
0x2c8: {  	[tilespmem:s19], [sflag:$0x2] =	stream.indirect.gather.add.f32 [hbm:s3], $0x20, s5, s18, $0xb8;
	[tilespmem:$0x19000] =	vst v63  }
0x2c9: {  	_ =	swait.ge [sflag:s30], $0x4000  }
0x2ca: {  	[sflag:s30] =	ssyncset.done $0x0  }
0x2cb: {  	s5 =	simm.s32 $0xC00;
	[sflag:s30] =	ssyncadd.s32 $0xFFFFC000  }
0x2cc: {  	[tilespmem:s20], [sflag:$0x3] =	stream.indirect.gather.add.f32 [hbm:s3], $0x20, s5, s18, $0xb8;
	[tilespmem:$0x19000] =	vst v63  }
0x2cd: {  	_ =	swait.ge [sflag:s1], $0x4000  }
0x2ce: {  	[sflag:s1] =	ssyncset.done $0x0  }
0x2cf: {  	s5 =	simm.s32 $0xE00;
	[sflag:s1] =	ssyncadd.s32 $0xFFFFC000  }
0x2d0: {  	[tilespmem:s22], [sflag:$0x4] =	stream.indirect.gather.add.f32 [hbm:s3], $0x20, s5, s18, $0xb8;
	[tilespmem:$0x19000] =	vst v63  }
0x2d1: {  	_ =	swait.ge [sflag:s4], $0x4000  }
0x2d2: {  	[sflag:s4] =	ssyncset.done $0x0  }
0x2d3: {  	s5 =	simm.s32 $0x1000;
	[sflag:s4] =	ssyncadd.s32 $0xFFFFC000  }
0x2d4: {  	[tilespmem:s24], [sflag:$0x5] =	stream.indirect.gather.add.f32 [hbm:s3], $0x20, s5, s18, $0xb8;
	[tilespmem:$0x19000] =	vst v63  }
0x2d5: {  	_ =	swait.ge [sflag:s6], $0x4000  }
0x2d6: {  	[sflag:s6] =	ssyncset.done $0x0  }
0x2d7: {  	s5 =	simm.s32 $0x1200;
	[sflag:s6] =	ssyncadd.s32 $0xFFFFC000  }
0x2d8: {  	[tilespmem:s26], [sflag:$0x6] =	stream.indirect.gather.add.f32 [hbm:s3], $0x20, s5, s18, $0xb8;
	[tilespmem:$0x19000] =	vst v63  }
0x2d9: {  	_ =	swait.ge [sflag:s28], $0x4000  }
0x2da: {  	[sflag:s28] =	ssyncset.done $0x0  }
0x2db: {  	s5 =	simm.s32 $0x1400;
	[sflag:s28] =	ssyncadd.s32 $0xFFFFC000  }
0x2dc: {  	[tilespmem:s19], [sflag:$0x2] =	stream.indirect.gather.add.f32 [hbm:s3], $0x20, s5, s18, $0xb8;
	[tilespmem:$0x19000] =	vst v63  }
0x2dd: {  	_ =	swait.ge [sflag:s30], $0x4000  }
0x2de: {  	[sflag:s30] =	ssyncset.done $0x0  }
0x2df: {  	s5 =	simm.s32 $0x1600;
	[sflag:s30] =	ssyncadd.s32 $0xFFFFC000  }
0x2e0: {  	[tilespmem:s20], [sflag:$0x3] =	stream.indirect.gather.add.f32 [hbm:s3], $0x20, s5, s18, $0xb8;
	[tilespmem:$0x19000] =	vst v63  }
0x2e1: {  	_ =	swait.ge [sflag:s1], $0x4000  }
0x2e2: {  	[sflag:s1] =	ssyncset.done $0x0  }
0x2e3: {  	s5 =	simm.s32 $0x1800;
	[sflag:s1] =	ssyncadd.s32 $0xFFFFC000  }
0x2e4: {  	[tilespmem:s22], [sflag:$0x4] =	stream.indirect.gather.add.f32 [hbm:s3], $0x20, s5, s18, $0xb8;
	[tilespmem:$0x19000] =	vst v63  }
0x2e5: {  	_ =	swait.ge [sflag:s4], $0x4000  }
0x2e6: {  	[sflag:s4] =	ssyncset.done $0x0  }
0x2e7: {  	s5 =	simm.s32 $0x1A00;
	[sflag:s4] =	ssyncadd.s32 $0xFFFFC000  }
0x2e8: {  	[tilespmem:s24], [sflag:$0x5] =	stream.indirect.gather.add.f32 [hbm:s3], $0x20, s5, s18, $0xb8;
	[tilespmem:$0x19000] =	vst v63  }
0x2e9: {  	_ =	swait.ge [sflag:s6], $0x4000  }
0x2ea: {  	[sflag:s6] =	ssyncset.done $0x0  }
0x2eb: {  	s5 =	simm.s32 $0x1C00;
	[sflag:s6] =	ssyncadd.s32 $0xFFFFC000  }
0x2ec: {  	[tilespmem:s26], [sflag:$0x6] =	stream.indirect.gather.add.f32 [hbm:s3], $0x20, s5, s18, $0xb8;
	[tilespmem:$0x19000] =	vst v63  }
0x2ed: {  	_ =	swait.ge [sflag:s28], $0x4000  }
0x2ee: {  	[sflag:s28] =	ssyncset.done $0x0  }
0x2ef: {  	s5 =	simm.s32 $0x1E00;
	[sflag:s28] =	ssyncadd.s32 $0xFFFFC000  }
0x2f0: {  	[tilespmem:s19], [sflag:$0x2] =	stream.indirect.gather.add.f32 [hbm:s3], $0x20, s5, s18, $0xb8;
	[tilespmem:$0x19000] =	vst v63  }
0x2f1: {  	_ =	swait.ge [sflag:s30], $0x4000  }
0x2f2: {  	[sflag:s30] =	ssyncset.done $0x0  }
0x2f3: {  	s5 =	simm.s32 $0x2000;
	[sflag:s30] =	ssyncadd.s32 $0xFFFFC000  }
0x2f4: {  	[tilespmem:s20], [sflag:$0x3] =	stream.indirect.gather.add.f32 [hbm:s3], $0x20, s5, s18, $0xb8;
	[tilespmem:$0x19000] =	vst v63  }
0x2f5: {  	_ =	swait.ge [sflag:s1], $0x4000  }
0x2f6: {  	[sflag:s1] =	ssyncset.done $0x0  }
0x2f7: {  	s5 =	simm.s32 $0x2200;
	[sflag:s1] =	ssyncadd.s32 $0xFFFFC000  }
0x2f8: {  	[tilespmem:s22], [sflag:$0x4] =	stream.indirect.gather.add.f32 [hbm:s3], $0x20, s5, s18, $0xb8;
	[tilespmem:$0x19000] =	vst v63  }
0x2f9: {  	_ =	swait.ge [sflag:s4], $0x4000  }
0x2fa: {  	[sflag:s4] =	ssyncset.done $0x0  }
0x2fb: {  	s5 =	simm.s32 $0x2400;
	[sflag:s4] =	ssyncadd.s32 $0xFFFFC000  }
0x2fc: {  	[tilespmem:s24], [sflag:$0x5] =	stream.indirect.gather.add.f32 [hbm:s3], $0x20, s5, s18, $0xb8;
	[tilespmem:$0x19000] =	vst v63  }
0x2fd: {  	_ =	swait.ge [sflag:s6], $0x4000  }
0x2fe: {  	[sflag:s6] =	ssyncset.done $0x0  }
0x2ff: {  	s5 =	simm.s32 $0x2600;
	[sflag:s6] =	ssyncadd.s32 $0xFFFFC000  }
0x300: {  	[tilespmem:s26], [sflag:$0x6] =	stream.indirect.gather.add.f32 [hbm:s3], $0x20, s5, s18, $0xb8;
	[tilespmem:$0x19000] =	vst v63  }
0x301: {  	_ =	swait.ge [sflag:s16], $0x2800  }
0x302: {  	[sflag:s16] =	ssyncset.done $0x0  }
0x303: {  	[sflag:s16] =	ssyncadd.s32 $0xFFFFD800  }
0x304: {  	_ =	swait.ge [sflag:s28], $0x4000  }
0x305: {  	[sflag:s28] =	ssyncset.done $0x0  }
0x306: {  	[sflag:s28] =	ssyncadd.s32 $0xFFFFC000  }
0x307: {  	[tilespmem:s19], [sflag:$0x2] =	stream.indirect.gather.add.f32 [hbm:s3], $0x20, s7, s18, $0xb8;
	[tilespmem:$0x19000] =	vst v63  }
0x308: {  	_ =	swait.ge [sflag:s30], $0x4000  }
0x309: {  	[sflag:s30] =	ssyncset.done $0x0  }
0x30a: {  	s15 =	simm.s32 $0x2A00;
	[sflag:s30] =	ssyncadd.s32 $0xFFFFC000  }
0x30b: {  	[tilespmem:s20], [sflag:$0x3] =	stream.indirect.gather.add.f32 [hbm:s3], $0x20, s15, s18, $0xb8;
	[tilespmem:$0x19000] =	vst v63  }
0x30c: {  	_ =	swait.ge [sflag:s1], $0x4000  }
0x30d: {  	[sflag:s1] =	ssyncset.done $0x0  }
0x30e: {  	s17 =	simm.s32 $0x2C00;
	[sflag:s1] =	ssyncadd.s32 $0xFFFFC000  }
0x30f: {  	[tilespmem:s22], [sflag:$0x4] =	stream.indirect.gather.add.f32 [hbm:s3], $0x20, s17, s18, $0xb8;
	[tilespmem:$0x19000] =	vst v63  }
0x310: {  	_ =	swait.ge [sflag:s4], $0x4000  }
0x311: {  	[sflag:s4] =	ssyncset.done $0x0  }
0x312: {  	s21 =	simm.s32 $0x2E00;
	[sflag:s4] =	ssyncadd.s32 $0xFFFFC000  }
0x313: {  	[tilespmem:s24], [sflag:$0x5] =	stream.indirect.gather.add.f32 [hbm:s3], $0x20, s21, s18, $0xb8;
	[tilespmem:$0x19000] =	vst v63  }
0x314: {  	_ =	swait.ge [sflag:s6], $0x4000  }
0x315: {  	[sflag:s6] =	ssyncset.done $0x0  }
0x316: {  	s23 =	simm.s32 $0x3000;
	[sflag:s6] =	ssyncadd.s32 $0xFFFFC000  }
0x317: {  	[tilespmem:s26], [sflag:$0x6] =	stream.indirect.gather.add.f32 [hbm:s3], $0x20, s23, s18, $0xb8;
	[tilespmem:$0x19000] =	vst v63  }
0x318: {  	_ =	swait.ge [sflag:s28], $0x4000  }
0x319: {  	[sflag:s28] =	ssyncset.done $0x0  }
0x31a: {  	s25 =	simm.s32 $0x3200;
	[sflag:s28] =	ssyncadd.s32 $0xFFFFC000  }
0x31b: {  	[tilespmem:s19], [sflag:$0x2] =	stream.indirect.gather.add.f32 [hbm:s3], $0x20, s25, s18, $0xb8;
	[tilespmem:$0x19000] =	vst v63  }
0x31c: {  	_ =	swait.ge [sflag:s30], $0x4000  }
0x31d: {  	[sflag:s30] =	ssyncset.done $0x0  }
0x31e: {  	s29 =	simm.s32 $0x3400;
	[sflag:s30] =	ssyncadd.s32 $0xFFFFC000  }
0x31f: {  	[tilespmem:s20], [sflag:$0x3] =	stream.indirect.gather.add.f32 [hbm:s3], $0x20, s29, s18, $0xb8;
	[tilespmem:$0x19000] =	vst v63  }
0x320: {  	_ =	swait.ge [sflag:s1], $0x4000  }
0x321: {  	[sflag:s1] =	ssyncset.done $0x0  }
0x322: {  	s31 =	simm.s32 $0x3600;
	[sflag:s1] =	ssyncadd.s32 $0xFFFFC000  }
0x323: {  	[tilespmem:s22], [sflag:$0x4] =	stream.indirect.gather.add.f32 [hbm:s3], $0x20, s31, s18, $0xb8;
	[tilespmem:$0x19000] =	vst v63  }
0x324: {  	_ =	swait.ge [sflag:s4], $0x4000  }
0x325: {  	[sflag:s4] =	ssyncset.done $0x0  }
0x326: {  	s21 =	simm.s32 $0x3800;
	[sflag:s4] =	ssyncadd.s32 $0xFFFFC000  }
0x327: {  	[tilespmem:s24], [sflag:$0x5] =	stream.indirect.gather.add.f32 [hbm:s3], $0x20, s21, s18, $0xb8;
	[tilespmem:$0x19000] =	vst v63  }
0x328: {  	_ =	swait.ge [sflag:s6], $0x4000  }
0x329: {  	[sflag:s6] =	ssyncset.done $0x0  }
0x32a: {  	s23 =	simm.s32 $0x3A00;
	[sflag:s6] =	ssyncadd.s32 $0xFFFFC000  }
0x32b: {  	[tilespmem:s26], [sflag:$0x6] =	stream.indirect.gather.add.f32 [hbm:s3], $0x20, s23, s18, $0xb8;
	[tilespmem:$0x19000] =	vst v63  }
0x32c: {  	_ =	swait.ge [sflag:s28], $0x4000  }
0x32d: {  	[sflag:s28] =	ssyncset.done $0x0  }
0x32e: {  	s25 =	simm.s32 $0x3C00;
	[sflag:s28] =	ssyncadd.s32 $0xFFFFC000  }
0x32f: {  	[tilespmem:s19], [sflag:$0x2] =	stream.indirect.gather.add.f32 [hbm:s3], $0x20, s25, s18, $0xb8;
	[tilespmem:$0x19000] =	vst v63  }
0x330: {  	_ =	swait.ge [sflag:s30], $0x4000  }
0x331: {  	[sflag:s30] =	ssyncset.done $0x0  }
0x332: {  	s29 =	simm.s32 $0x3E00;
	[sflag:s30] =	ssyncadd.s32 $0xFFFFC000  }
0x333: {  	[tilespmem:s20], [sflag:$0x3] =	stream.indirect.gather.add.f32 [hbm:s3], $0x20, s29, s18, $0xb8;
	[tilespmem:$0x19000] =	vst v63  }
0x334: {  	_ =	swait.ge [sflag:s1], $0x4000  }
0x335: {  	[sflag:s1] =	ssyncset.done $0x0  }
0x336: {  	s31 =	simm.s32 $0x4000;
	[sflag:s1] =	ssyncadd.s32 $0xFFFFC000  }
0x337: {  	[tilespmem:s22], [sflag:$0x4] =	stream.indirect.gather.add.f32 [hbm:s3], $0x20, s31, s18, $0xb8;
	[tilespmem:$0x19000] =	vst v63  }
0x338: {  	_ =	swait.ge [sflag:s4], $0x4000  }
0x339: {  	[sflag:s4] =	ssyncset.done $0x0  }
0x33a: {  	s8 =	simm.s32 $0x4200;
	[sflag:s4] =	ssyncadd.s32 $0xFFFFC000  }
0x33b: {  	[tilespmem:s24], [sflag:$0x5] =	stream.indirect.gather.add.f32 [hbm:s3], $0x20, s8, s18, $0xb8;
	[tilespmem:$0x19000] =	vst v63  }
0x33c: {  	_ =	swait.ge [sflag:s6], $0x4000  }
0x33d: {  	[sflag:s6] =	ssyncset.done $0x0  }
0x33e: {  	s9 =	simm.s32 $0x4400;
	[sflag:s6] =	ssyncadd.s32 $0xFFFFC000  }
0x33f: {  	[tilespmem:s26], [sflag:$0x6] =	stream.indirect.gather.add.f32 [hbm:s3], $0x20, s9, s18, $0xb8;
	[tilespmem:$0x19000] =	vst v63  }
0x340: {  	_ =	swait.ge [sflag:s28], $0x4000  }
0x341: {  	[sflag:s28] =	ssyncset.done $0x0  }
0x342: {  	s10 =	simm.s32 $0x4600;
	[sflag:s28] =	ssyncadd.s32 $0xFFFFC000  }
0x343: {  	[tilespmem:s19], [sflag:$0x2] =	stream.indirect.gather.add.f32 [hbm:s3], $0x20, s10, s18, $0xb8;
	[tilespmem:$0x19000] =	vst v63  }
0x344: {  	_ =	swait.ge [sflag:s30], $0x4000  }
0x345: {  	[sflag:s30] =	ssyncset.done $0x0  }
0x346: {  	s11 =	simm.s32 $0x4800;
	[sflag:s30] =	ssyncadd.s32 $0xFFFFC000  }
0x347: {  	[tilespmem:s20], [sflag:$0x3] =	stream.indirect.gather.add.f32 [hbm:s3], $0x20, s11, s18, $0xb8;
	[tilespmem:$0x19000] =	vst v63  }
0x348: {  	_ =	swait.ge [sflag:s1], $0x4000  }
0x349: {  	[sflag:s1] =	ssyncset.done $0x0  }
0x34a: {  	s12 =	simm.s32 $0x4A00;
	[sflag:s1] =	ssyncadd.s32 $0xFFFFC000  }
0x34b: {  	[tilespmem:s22], [sflag:$0x4] =	stream.indirect.gather.add.f32 [hbm:s3], $0x20, s12, s18, $0xb8;
	[tilespmem:$0x19000] =	vst v63  }
0x34c: {  	_ =	swait.ge [sflag:s4], $0x4000  }
0x34d: {  	[sflag:s4] =	ssyncset.done $0x0  }
0x34e: {  	s13 =	simm.s32 $0x4C00;
	[sflag:s4] =	ssyncadd.s32 $0xFFFFC000  }
0x34f: {  	[tilespmem:s24], [sflag:$0x5] =	stream.indirect.gather.add.f32 [hbm:s3], $0x20, s13, s18, $0xb8;
	[tilespmem:$0x19000] =	vst v63  }
0x350: {  	_ =	swait.ge [sflag:s6], $0x4000  }
0x351: {  	[sflag:s6] =	ssyncset.done $0x0  }
0x352: {  	s14 =	simm.s32 $0x4E00;
	[sflag:s6] =	ssyncadd.s32 $0xFFFFC000  }
0x353: {  	[tilespmem:s26], [sflag:$0x6] =	stream.indirect.gather.add.f32 [hbm:s3], $0x20, s14, s18, $0xb8;
	[tilespmem:$0x19000] =	vst v63  }
0x354: {  	_ =	swait.ge [sflag:s28], $0x4000  }
0x355: {  	[sflag:s28] =	ssyncset.done $0x0  }
0x356: {  	[sflag:s28] =	ssyncadd.s32 $0xFFFFC000  }
0x357: {  	_ =	swait.ge [sflag:s30], $0x4000  }
0x358: {  	[sflag:s30] =	ssyncset.done $0x0  }
0x359: {  	[sflag:s30] =	ssyncadd.s32 $0xFFFFC000  }
0x35a: {  	_ =	swait.ge [sflag:s1], $0x4000  }
0x35b: {  	[sflag:s1] =	ssyncset.done $0x0  }
0x35c: {  	[sflag:s1] =	ssyncadd.s32 $0xFFFFC000  }
0x35d: {  	_ =	swait.ge [sflag:s4], $0x4000  }
0x35e: {  	[sflag:s4] =	ssyncset.done $0x0  }
0x35f: {  	[sflag:s4] =	ssyncadd.s32 $0xFFFFC000  }
0x360: {  	_ =	swait.ge [sflag:s6], $0x4000  }
0x361: {  	[sflag:s6] =	ssyncset.done $0x0  }
0x362: {  	s5 =	simm.s32 $0x0;
	[sflag:s6] =	ssyncadd.s32 $0xFFFFC000  }
0x363: {  	v0 =	vld [tilespmem:s5+$0x9000]  }
0x364: {  	v1 =	vld [tilespmem:s5+$0xD000]  }
0x365: {  	v3 =	vld [tilespmem:s5+$0x11000]  }
0x366: {  	v2 =	vld [tilespmem:s5+$0x9010]  }
0x367: {  	v4 =	vld [tilespmem:s5+$0xD010]  }
0x368: {  	v5 =	vld [tilespmem:s5+$0x11010]  }
0x369: {  	s7 =	simm.s32 $0x80;
	v6 =	vld [tilespmem:s5+$0x5000]  }
.LBB2_2:
0x36a: {  	p0 =	sne.s32 s7, $0xFF80;
	v7 =	vld [tilespmem:s5+$0x5010];
	_ =	sdelay $0x2  }
0x36b: {  	v8 =	vld [tilespmem:s5+$0x15000]  }
0x36c: {  	s8 =	sshra.s32 s7, $0x2;
	v3 =	vadd.f32 v3, v1;
	v6 =	vadd.f32 v0, v6;
	v9 =	vld [tilespmem:s5+$0x15010]  }
0x36d: {  	v4 =	vadd.f32 v5, v4;
	v0 =	vld [tilespmem:s8+$0x9000];
	v2 =	vadd.f32 v2, v7  }
0x36e: {  	v1 =	vld [tilespmem:s8+$0xD000];
	v5 =	vadd.f32 v3, v6  }
.Ltmp0:
0x36f: {  	v3 =	vld [tilespmem:s8+$0x11000];
	v6 =	vadd.f32 v4, v2;
	(pc) =	sbr.rel @p0 .LBB2_2-.Ltmp0, $4  }
0x370: {  	v2 =	vld [tilespmem:s8+$0x9010];
	v7 =	vadd.f32 v5, v8  }
0x371: {  	v4 =	vld [tilespmem:s8+$0xD010];
	v8 =	vadd.f32 v6, v9  }
0x372: {  	v5 =	vld [tilespmem:s8+$0x11010];
	[tilespmem:s5+$0x5000] =	vst v7  }
0x373: {  	s7 =	sadd.s32 $0x80, s7;
	v6 =	vld [tilespmem:s8+$0x5000];
	[tilespmem:s5+$0x5010] =	vst v8;
	s5 =	smov.u32 s8  }
0x374: {  	v7 =	vld [tilespmem:s5+$0x5010];
	_ =	sdelay $0x2  }
0x375: {  	v8 =	vld [tilespmem:s5+$0x15000]  }
0x376: {  	v1 =	vadd.f32 v3, v1;
	v62 =	vld [tilespmem:s5+$0x15010];
	v0 =	vadd.f32 v0, v6  }
0x377: {  	v4 =	vadd.f32 v5, v4;
	v2 =	vadd.f32 v2, v7  }
0x378: {  	v0 =	vadd.f32 v1, v0  }
0x379: {  	v63 =	vadd.f32 v4, v2  }
0x37a: {  	v0 =	vadd.f32 v0, v8  }
0x37b: {  	v1 =	vadd.f32 v63, v62  }
0x37c: {  	[tilespmem:s5+$0x5000] =	vst v0  }
0x37d: {  	s29 =	rddreg [dreg:$0xc];
	s7 =	simm.s32 $0x7;
	[tilespmem:s5+$0x5010] =	vst v1  }
0x37e: {  	[hbm4b:s29+s2] =	stream.linear.scatter [tilespmem:s19], [sflag:$0x7], $0x4000, $0x38;
	[tilespmem:$0x19000] =	vst v63  }
0x37f: {  	_ =	swait.ge [sflag:s7], $0x4000  }
0x380: {  	s0 =	sadd.s32 $0x1, s0;
	s31 =	rddreg [dreg:$0xd]  }
0x381: {  	p0 =	sne.s32 s0, s31  }
.Ltmp1:
0x382: {  	_ = 	snop;
	(pc) =	sbr.rel @p0 .LBB2_1-.Ltmp1, $3  }
0x383: {  	_ =	sdelay $0x1  }
0x384: {  	[sflag:s7] =	ssyncset.done $0x0  }
0x385: {  	[sflag:s7] =	ssyncadd.s32 $0xFFFFC000  }
0x386: {  	_ =	sfence.sel $0x180000  }
0x387: {  	[bflag:$0x0] =	sbarrier.arrive $0xFFFF  }
0x388: {  	_ =	strace $0x90000047  }
0x389: {  	s0 =	stileid.u32;
	[bflag:$0x2] =	sbarrier.arrive $0xFFFF  }
0x38a: {  	p0 =	sne.s32 s0, $0x0;
	s0 =	rddreg [dreg:$0x1]  }
0x38b: {  	s0 =	sadd.s32 @!p0 $0x100000, s0  }
0x38c: {  	[sflag:s0] =	ssyncadd.tile.s32 @!p0 $0x1;
	_ =	shalt  }
.Lfunc_end2:
_tile_overlayer_lowered:
.L_overlay_start_2:
0x38d: {  	(tag) =	ssettag $0x2  }
0x38e: {  	s0 =	rddreg [dreg:$0x0];
	s2 =	stileid.u32  }
0x38f: {  	s1 =	rddreg [dreg:$0x1];
	p0 =	sne.s32 s2, $0x0  }
0x390: {  	s3 =	rddreg [dreg:$0x2];
	[bflag:$0x3] =	sbarrier.arrive $0xFFFF;
	s2 =	simm.s32 @!p0 $0x1C07  }
0x391: {  	[timem:s3], [sflag:s2] =	dma.local @!p0 [hbm:s0], s1  }
0x392: {  	s0 =	simm.s32 @!p0 $0x7  }
0x393: {  	_ =	swait.ge @!p0 [sflag:s0], s1  }
0x394: {  	s1 =	ssub.s32 @!p0 $0x0, s1;
	[sflag:s0] =	ssyncset.done @!p0 $0x0  }
0x395: {  	[sflag:s0] =	ssyncadd.s32 @!p0 s1  }
0x396: {  	[bflag:$0x3] =	sbarrier.arrive $0xFFFF  }
0x397: {  	_ =	shalt  }

</sc_bundles>
